<compile_context>
chip_gen: v7x
topology: tpu7x:2x2x1
jax: 0.10.2.dev20260603
libtpu: 0.0.44.dev20260713+nightly
codegen_flags: <defaults>
</compile_context>

<pallas_src>
import jax
import jax.numpy as jnp
from jax import lax
from jax.experimental import pallas as pl
from jax.experimental.pallas import tpu as pltpu
from jax.experimental.pallas import tpu_sc as plsc

N = 10000
E = 160000
D = 256
DE = 16
G = 64

NPAD = 10240
EPAD = 163840
NC = 2
NS = 16
NW = NC * NS
NPS = NPAD // NS
ECHUNK = EPAD // NW
EB = 16384
XB = 1024

_HIGH = lax.Precision.HIGHEST



def _xl1_body(x_ref, w_ref, o_ref):
    i = pl.program_id(0)
    n_glob = i * XB + lax.broadcasted_iota(jnp.int32, (1, XB), 1)
    o = lax.dot_general(w_ref[...], x_ref[...],
                        (((0,), (1,)), ((), ())),
                        precision=_HIGH)
    o_ref[...] = jnp.where(n_glob < N, o, 0.0)


EB_LAST = E - (EPAD // EB - 1) * EB


def _edge_w_body(ea_ref, wcat, bcat, w2cat, b2cat, w1_ref, w2_ref):
    i = pl.program_id(0)
    e_glob = i * EB + lax.broadcasted_iota(jnp.int32, (1, EB), 1)
    valid = e_glob < E
    h = lax.dot_general(wcat[...], ea_ref[...], (((0,), (1,)), ((), ())))
    h = jnp.maximum(h + bcat[...], 0.0)
    o = lax.dot_general(w2cat[...], h, (((0,), (0,)), ((), ())))
    o = jax.nn.sigmoid(o + b2cat[...])
    w1_ref[...] = jnp.where(valid, o[0:1, :], 0.0)
    w2_ref[...] = jnp.where(valid, o[1:2, :], 0.0)


def _mid_body(msg_ref, deg_ref, xlt_ref, batch_ref, b1_ref, gnw_ref, gnb_ref,
              gnms_ref, w2_ref, out_ref):
    h = ((msg_ref[0] + msg_ref[1]) * lax.rsqrt(deg_ref[...])
         + xlt_ref[...] / deg_ref[...]
         + b1_ref[...])
    ohT = (lax.broadcasted_iota(jnp.int32, (G, NPAD), 0)
           == batch_ref[...]).astype(jnp.float32)
    cnt = jnp.maximum(jnp.sum(ohT, axis=1), 1.0)[None, :]
    seg = lax.dot_general(h, ohT, (((1,), (1,)), ((), ())))
    mean = seg / cnt
    mean_b = lax.dot_general(mean, ohT, (((1,), (0,)), ((), ())))
    out = h - mean_b * gnms_ref[...]
    var = lax.dot_general(out * out, ohT, (((1,), (1,)), ((), ()))) / cnt
    std = jnp.sqrt(var + 1e-5)
    std_b = lax.dot_general(std, ohT, (((1,), (0,)), ((), ())))
    std_b = jnp.where(std_b > 0.0, std_b, 1.0)
    hn = gnw_ref[...] * out / std_b + gnb_ref[...]
    hr = jnp.maximum(hn, 0.0)
    out_ref[...] = lax.dot_general(w2_ref[...], hr, (((0,), (0,)), ((), ())))


def _final_body(msg_ref, deg_ref, xl2_ref, b2_ref, out_ref):
    h = ((msg_ref[pl.ds(0, 1), :] + msg_ref[pl.ds(1, 1), :])
         * lax.rsqrt(deg_ref[...])
         + xl2_ref[...] / deg_ref[...] + b2_ref[...])
    out_ref[...] = jax.nn.sigmoid(h)



def _rsqrt16(x):
    i = plsc.bitcast(x, jnp.int32)
    i = jnp.int32(0x5F3759DF) - lax.shift_right_logical(i, 1)
    y = plsc.bitcast(i, jnp.float32)
    hx = 0.5 * x
    for _ in range(4):
        y = y * (1.5 - (hx * y) * y)
    return y


def _sc_deg_body(col_h, w1_h, w2_h,
                 deg1_o, deg2_o,
                 colb, w1b, w2b, nodeb,
                 deg1s, deg2s):
    c = lax.axis_index("c")
    s = lax.axis_index("s")
    wid = c * NS + s
    nbase = s * NPS

    init = jnp.where(c == 0, 1.0, 0.0)

    def init_loop(i, _):
        nodeb[pl.ds(i * 16, 16)] = jnp.full((16,), init, jnp.float32)
        return 0
    lax.fori_loop(0, NPS // 16, init_loop, 0)
    pltpu.sync_copy(nodeb, deg1s.at[pl.ds(nbase, NPS)])
    pltpu.sync_copy(nodeb, deg2s.at[pl.ds(nbase, NPS)])
    plsc.subcore_barrier()

    ebase = wid * ECHUNK
    pltpu.sync_copy(col_h.at[pl.ds(ebase, ECHUNK)], colb)
    pltpu.sync_copy(w1_h.at[pl.ds(ebase, ECHUNK)], w1b)
    pltpu.sync_copy(w1b, deg1s.at[colb], add=True)
    pltpu.sync_copy(w2_h.at[pl.ds(ebase, ECHUNK)], w2b)
    pltpu.sync_copy(w2b, deg2s.at[colb], add=True)
    plsc.subcore_barrier()

    pltpu.sync_copy(deg1s.at[pl.ds(nbase, NPS)],
                    deg1_o.at[pl.ds(c * NPAD + nbase, NPS)])
    pltpu.sync_copy(deg2s.at[pl.ds(nbase, NPS)],
                    deg2_o.at[pl.ds(c * NPAD + nbase, NPS)])


def _sc_msg1_body(row_h, col_h, w1_h, w2_h, xlt_h, deg1p_h, deg2p_h,
                  msg_o, deg1_o, deg2_o, wn2_o,
                  rowb, colb, w1b, w2b, wn1b, wn2b, valb,
                  dis1l, dis2l, xll, nodeb, nodeb2,
                  dis1s, dis2s, m0s, m1s, m2s, m3s, m4s):
    c = lax.axis_index("c")
    s = lax.axis_index("s")
    wid = c * NS + s
    nbase = s * NPS
    msgs = (m0s, m1s, m2s, m3s, m4s)

    def zero_loop(i, _):
        nodeb[pl.ds(i * 16, 16)] = jnp.zeros((16,), jnp.float32)
        return 0
    lax.fori_loop(0, NPS // 16, zero_loop, 0)
    for m in msgs:
        pltpu.sync_copy(nodeb, m.at[pl.ds(nbase, NPS)])

    for pref, dego, diss in ((deg1p_h, deg1_o, dis1s),
                             (deg2p_h, deg2_o, dis2s)):
        pltpu.sync_copy(pref.at[pl.ds(nbase, NPS)], nodeb)
        pltpu.sync_copy(pref.at[pl.ds(NPAD + nbase, NPS)], nodeb2)

        def comb_loop(i, _):
            sl = pl.ds(i * 16, 16)
            d = nodeb[sl] + nodeb2[sl]
            nodeb[sl] = d
            nodeb2[sl] = _rsqrt16(d)
            return 0
        lax.fori_loop(0, NPS // 16, comb_loop, 0)

        @pl.when(c == 0)
        def _():
            pltpu.sync_copy(nodeb, dego.at[pl.ds(nbase, NPS)])
        pltpu.sync_copy(nodeb2, diss.at[pl.ds(nbase, NPS)])
    plsc.subcore_barrier()

    pltpu.sync_copy(dis1s, dis1l)
    pltpu.sync_copy(dis2s, dis2l)
    pltpu.sync_copy(xlt_h, xll)

    ebase = wid * ECHUNK
    pltpu.sync_copy(row_h.at[pl.ds(ebase, ECHUNK)], rowb)
    pltpu.sync_copy(col_h.at[pl.ds(ebase, ECHUNK)], colb)
    pltpu.sync_copy(w1_h.at[pl.ds(ebase, ECHUNK)], w1b)
    pltpu.sync_copy(w2_h.at[pl.ds(ebase, ECHUNK)], w2b)

    def wn_loop(i, _):
        sl = pl.ds(i * 16, 16)
        r = rowb[sl]
        wn1b[sl] = w1b[sl] * plsc.load_gather(dis1l, [r])
        wn2b[sl] = w2b[sl] * plsc.load_gather(dis2l, [r])
        return 0
    lax.fori_loop(0, ECHUNK // 16, wn_loop, 0)
    pltpu.sync_copy(wn2b, wn2_o.at[pl.ds(ebase, ECHUNK)])

    for f in range(5):
        foff = jnp.int32(f * NPAD)

        def msg_loop(i, _):
            sl = pl.ds(i * 16, 16)
            valb[sl] = wn1b[sl] * plsc.load_gather(xll, [rowb[sl] + foff])
            return 0
        lax.fori_loop(0, ECHUNK // 16, msg_loop, 0)
        pltpu.sync_copy(valb, msgs[f].at[colb], add=True)
    plsc.subcore_barrier()

    for f in range(5):
        moff = (c * 5 + f) * NPAD + nbase
        pltpu.sync_copy(msgs[f].at[pl.ds(nbase, NPS)],
                        msg_o.at[pl.ds(moff, NPS)])


def _sc_msg2_body(row_h, col_h, wn_h, xl2_h,
                  msg_o,
                  rowb, colb, wnb, valb, xl2l, nodeb,
                  m0s):
    c = lax.axis_index("c")
    s = lax.axis_index("s")
    wid = c * NS + s
    nbase = s * NPS

    def zero_loop(i, _):
        nodeb[pl.ds(i * 16, 16)] = jnp.zeros((16,), jnp.float32)
        return 0
    lax.fori_loop(0, NPS // 16, zero_loop, 0)
    pltpu.sync_copy(nodeb, m0s.at[pl.ds(nbase, NPS)])
    plsc.subcore_barrier()

    pltpu.sync_copy(xl2_h, xl2l)
    ebase = wid * ECHUNK
    pltpu.sync_copy(row_h.at[pl.ds(ebase, ECHUNK)], rowb)
    pltpu.sync_copy(col_h.at[pl.ds(ebase, ECHUNK)], colb)
    pltpu.sync_copy(wn_h.at[pl.ds(ebase, ECHUNK)], wnb)

    def msg_loop(i, _):
        sl = pl.ds(i * 16, 16)
        valb[sl] = wnb[sl] * plsc.load_gather(xl2l, [rowb[sl]])
        return 0
    lax.fori_loop(0, ECHUNK // 16, msg_loop, 0)
    pltpu.sync_copy(valb, m0s.at[colb], add=True)
    plsc.subcore_barrier()

    pltpu.sync_copy(m0s.at[pl.ds(nbase, NPS)],
                    msg_o.at[pl.ds(c * NPAD + nbase, NPS)])



def _sc_mesh():
    return plsc.VectorSubcoreMesh(core_axis_name="c", subcore_axis_name="s",
                                  num_cores=NC, num_subcores=NS)


_full_spec = lambda shp: pl.BlockSpec(shp, lambda: tuple(0 for _ in shp))


@jax.jit
def kernel(x, edge_index, edge_attr, batch_idx, W1, b1, mlp1_w1, mlp1_b1,
           mlp1_w2, mlp1_b2, gn_w, gn_b, gn_ms, W2, b2, mlp2_w1, mlp2_b1,
           mlp2_w2, mlp2_b2):
    f32 = jnp.float32

    row_p = jnp.pad(edge_index[0], (0, EPAD - E), constant_values=NPAD - 1)
    col_p = jnp.pad(edge_index[1], (0, EPAD - E), constant_values=NPAD - 1)
    batch_p = jnp.pad(batch_idx, (0, NPAD - N), constant_values=-1)[None, :]

    xlt = pl.pallas_call(
        _xl1_body,
        grid=(NPAD // XB,),
        in_specs=[pl.BlockSpec((XB, D), lambda i: (i, 0)),
                  pl.BlockSpec((D, 5), lambda i: (0, 0))],
        out_specs=pl.BlockSpec((5, XB), lambda i: (0, i)),
        out_shape=jax.ShapeDtypeStruct((5, NPAD), f32),
    )(x, W1)

    wcat = jnp.concatenate([mlp1_w1, mlp2_w1], axis=1)
    bcat = jnp.concatenate([mlp1_b1, mlp2_b1])[:, None]
    w2cat = jnp.zeros((10, 2), f32)
    w2cat = w2cat.at[:5, 0].set(mlp1_w2[:, 0]).at[5:, 1].set(mlp2_w2[:, 0])
    b2cat = jnp.concatenate([mlp1_b2, mlp2_b2])[:, None]

    wspec = pl.BlockSpec((1, EB), lambda i: (0, i))
    full = lambda shp: pl.BlockSpec(shp, lambda i: tuple(0 for _ in shp))
    w1e, w2e = pl.pallas_call(
        _edge_w_body,
        grid=(EPAD // EB,),
        in_specs=[pl.BlockSpec((EB, DE), lambda i: (i, 0)),
                  full((DE, 10)), full((10, 1)), full((10, 2)), full((2, 1))],
        out_specs=[wspec, wspec],
        out_shape=[jax.ShapeDtypeStruct((1, EPAD), f32),
                   jax.ShapeDtypeStruct((1, EPAD), f32)],
    )(edge_attr, wcat, bcat, w2cat, b2cat)
    w1e = w1e.reshape(EPAD)
    w2e = w2e.reshape(EPAD)

    sc_deg = pl.kernel(
        _sc_deg_body,
        out_type=[jax.ShapeDtypeStruct((NC * NPAD,), f32),
                  jax.ShapeDtypeStruct((NC * NPAD,), f32)],
        mesh=_sc_mesh(),
        compiler_params=pltpu.CompilerParams(needs_layout_passes=False),
        scratch_types=[
            pltpu.VMEM((ECHUNK,), jnp.int32),
            pltpu.VMEM((ECHUNK,), f32),
            pltpu.VMEM((ECHUNK,), f32),
            pltpu.VMEM((NPS,), f32),
            pltpu.VMEM_SHARED((NPAD,), f32),
            pltpu.VMEM_SHARED((NPAD,), f32),
        ],
    )
    deg1p, deg2p = sc_deg(col_p, w1e, w2e)

    sc1 = pl.kernel(
        _sc_msg1_body,
        out_type=[jax.ShapeDtypeStruct((NC * 5 * NPAD,), f32),
                  jax.ShapeDtypeStruct((NPAD,), f32),
                  jax.ShapeDtypeStruct((NPAD,), f32),
                  jax.ShapeDtypeStruct((EPAD,), f32)],
        mesh=_sc_mesh(),
        compiler_params=pltpu.CompilerParams(needs_layout_passes=False),
        scratch_types=[
            pltpu.VMEM((ECHUNK,), jnp.int32),
            pltpu.VMEM((ECHUNK,), jnp.int32),
            pltpu.VMEM((ECHUNK,), f32),
            pltpu.VMEM((ECHUNK,), f32),
            pltpu.VMEM((ECHUNK,), f32),
            pltpu.VMEM((ECHUNK,), f32),
            pltpu.VMEM((ECHUNK,), f32),
            pltpu.VMEM((NPAD,), f32),
            pltpu.VMEM((NPAD,), f32),
            pltpu.VMEM((5 * NPAD,), f32),
            pltpu.VMEM((NPS,), f32),
            pltpu.VMEM((NPS,), f32),
            pltpu.VMEM_SHARED((NPAD,), f32),
            pltpu.VMEM_SHARED((NPAD,), f32),
            pltpu.VMEM_SHARED((NPAD,), f32),
            pltpu.VMEM_SHARED((NPAD,), f32),
            pltpu.VMEM_SHARED((NPAD,), f32),
            pltpu.VMEM_SHARED((NPAD,), f32),
            pltpu.VMEM_SHARED((NPAD,), f32),
        ],
    )
    msg1, deg1, deg2, wn2 = sc1(row_p, col_p, w1e, w2e,
                                xlt.reshape(5 * NPAD), deg1p, deg2p)
    msg1 = msg1.reshape(NC, 5, NPAD)
    deg1 = deg1[None, :]
    deg2 = deg2[None, :]

    xl2 = pl.pallas_call(
        _mid_body,
        in_specs=[
            _full_spec((NC, 5, NPAD)),
            _full_spec((1, NPAD)),
            _full_spec((5, NPAD)),
            _full_spec((1, NPAD)),
            _full_spec((5, 1)),
            _full_spec((5, 1)),
            _full_spec((5, 1)),
            _full_spec((5, 1)),
            _full_spec((5, 1)),
        ],
        out_specs=_full_spec((1, NPAD)),
        out_shape=jax.ShapeDtypeStruct((1, NPAD), f32),
    )(msg1, deg1, xlt, batch_p, b1[:, None], gn_w[:, None],
      gn_b[:, None], gn_ms[:, None], W2)

    sc2 = pl.kernel(
        _sc_msg2_body,
        out_type=[jax.ShapeDtypeStruct((NC * NPAD,), f32)],
        mesh=_sc_mesh(),
        compiler_params=pltpu.CompilerParams(needs_layout_passes=False),
        scratch_types=[
            pltpu.VMEM((ECHUNK,), jnp.int32),
            pltpu.VMEM((ECHUNK,), jnp.int32),
            pltpu.VMEM((ECHUNK,), f32),
            pltpu.VMEM((ECHUNK,), f32),
            pltpu.VMEM((NPAD,), f32),
            pltpu.VMEM((NPS,), f32),
            pltpu.VMEM_SHARED((NPAD,), f32),
        ],
    )
    (msg2,) = sc2(row_p, col_p, wn2, xl2.reshape(NPAD))
    msg2 = msg2.reshape(NC, NPAD)

    out = pl.pallas_call(
        _final_body,
        in_specs=[_full_spec((NC, NPAD)), _full_spec((1, NPAD)),
                  _full_spec((1, NPAD)), _full_spec((1, 1))],
        out_specs=_full_spec((1, NPAD)),
        out_shape=jax.ShapeDtypeStruct((1, NPAD), f32),
    )(msg2, deg2, xl2, b2[:, None])

    return out[0, :N, None]

# --- scband reference (transcript-rebuilt; emitter-appended) ---
"""Pipeline reference for scband-pdnconv-61237643706860 (READ-ONLY COPY).

The authoritative reference and input builder live on the scoring server;
editing this copy changes nothing except your own understanding.
"""

import jax, jax.numpy as jnp
import numpy as np

N = 10000
E = 160000
D = 256
DE = 16
G = 64


def setup_inputs(seed: int = 0):
    key = jax.random.key(seed)
    ks = jax.random.split(key, 12)
    def lin(k, fi, fo):
        return (jax.random.normal(k, (fi, fo), dtype=jnp.float32) / np.sqrt(fi)).astype(jnp.float32)
    inp = {}
    inp['x'] = jax.random.normal(ks[0], (N, D), dtype=jnp.float32)
    inp['edge_index'] = jax.random.randint(ks[1], (2, E), 0, N, dtype=jnp.int32)
    inp['edge_attr'] = jax.random.normal(ks[2], (E, DE), dtype=jnp.float32)
    inp['batch_idx'] = jnp.sort(jax.random.randint(ks[3], (N,), 0, G, dtype=jnp.int32))
    # conv1 params (PDNConv: lin no-bias, edge MLP edge_dim->hidden->1, node bias)
    inp['W1'] = lin(ks[4], D, 5)
    inp['b1'] = jnp.zeros((5,), dtype=jnp.float32)
    inp['mlp1_w1'] = lin(ks[5], DE, 5)
    inp['mlp1_b1'] = jnp.zeros((5,), dtype=jnp.float32)
    inp['mlp1_w2'] = lin(ks[6], 5, 1)
    inp['mlp1_b2'] = jnp.zeros((1,), dtype=jnp.float32)
    # GraphNorm params
    inp['gn_w'] = jnp.ones((5,), dtype=jnp.float32)
    inp['gn_b'] = jnp.zeros((5,), dtype=jnp.float32)
    inp['gn_ms'] = jnp.ones((5,), dtype=jnp.float32)
    # conv2 params
    inp['W2'] = lin(ks[7], 5, 1)
    inp['b2'] = jnp.zeros((1,), dtype=jnp.float32)
    inp['mlp2_w1'] = lin(ks[8], DE, 5)
    inp['mlp2_b1'] = jnp.zeros((5,), dtype=jnp.float32)
    inp['mlp2_w2'] = lin(ks[9], 5, 1)
    inp['mlp2_b2'] = jnp.zeros((1,), dtype=jnp.float32)
    return inp


def _pdn_conv(x, edge_index, edge_attr, W, bias, mw1, mb1, mw2, mb2):
    num_nodes = x.shape[0]
    # edge MLP -> scalar edge weight in (0,1)
    h = jnp.maximum(edge_attr @ mw1 + mb1, 0.0)
    w = jax.nn.sigmoid(h @ mw2 + mb2)[:, 0]
    row = edge_index[0]
    col = edge_index[1]
    loop = jnp.arange(num_nodes, dtype=row.dtype)
    row = jnp.concatenate([row, loop])
    col = jnp.concatenate([col, loop])
    w = jnp.concatenate([w, jnp.ones((num_nodes,), dtype=w.dtype)])
    # gcn_norm (add_self_loops already done, fill weight 1.0)
    deg = jnp.zeros((num_nodes,), dtype=w.dtype).at[col].add(w)
    deg_safe = jnp.where(deg > 0, deg, 1.0)
    dis = jnp.where(deg > 0, 1.0 / jnp.sqrt(deg_safe), 0.0)
    w = dis[row] * w * dis[col]
    xl = x @ W
    out = jnp.zeros((num_nodes, xl.shape[1]), dtype=xl.dtype).at[col].add(w[:, None] * xl[row])
    return out + bias


def _graph_norm(x, batch, weight, bias, mean_scale, num_graphs, eps=1e-5):
    cnt = jnp.zeros((num_graphs,), x.dtype).at[batch].add(1.0)
    cnt = jnp.maximum(cnt, 1.0)
    mean = jnp.zeros((num_graphs, x.shape[1]), x.dtype).at[batch].add(x) / cnt[:, None]
    out = x - mean[batch] * mean_scale
    var = jnp.zeros((num_graphs, x.shape[1]), x.dtype).at[batch].add(out * out) / cnt[:, None]
    std = jnp.sqrt(var + eps)
    return weight * out / std[batch] + bias


def reference(x, edge_index, edge_attr, batch_idx, W1, b1, mlp1_w1, mlp1_b1, mlp1_w2, mlp1_b2, gn_w, gn_b, gn_ms, W2, b2, mlp2_w1, mlp2_b1, mlp2_w2, mlp2_b2):
    h = _pdn_conv(x, edge_index, edge_attr, W1, b1, mlp1_w1, mlp1_b1, mlp1_w2, mlp1_b2)
    h = _graph_norm(h, batch_idx, gn_w, gn_b, gn_ms, G)
    h = jax.nn.relu(h)
    h = _pdn_conv(h, edge_index, edge_attr, W2, b2, mlp2_w1, mlp2_b1, mlp2_w2, mlp2_b2)
    return jax.nn.sigmoid(h)

if __name__ == "__main__":
    import jax
    _d = setup_inputs()
    print(jax.jit(kernel)(*tuple(_d.values())))

</pallas_src>

<mosaic_0001>
#map = affine_map<(d0, d1) -> (0)>
module attributes {stable_mosaic.version = 14 : i64} {
  func.func @_sc_msg2_body(%arg0: i32, %arg1: i32, %arg2: memref<163840xi32, #tpu.memory_space<hbm>>, %arg3: memref<163840xi32, #tpu.memory_space<hbm>>, %arg4: memref<163840xf32, #tpu.memory_space<hbm>>, %arg5: memref<10240xf32, #tpu.memory_space<hbm>>, %arg6: memref<20480xf32, #tpu.memory_space<hbm>>, %arg7: memref<5120xi32, #tpu.memory_space<vmem>>, %arg8: memref<5120xi32, #tpu.memory_space<vmem>>, %arg9: memref<5120xf32, #tpu.memory_space<vmem>>, %arg10: memref<5120xf32, #tpu.memory_space<vmem>>, %arg11: memref<10240xf32, #tpu.memory_space<vmem>>, %arg12: memref<640xf32, #tpu.memory_space<vmem>>, %arg13: memref<10240xf32, #tpu.memory_space<vmem_shared>>) attributes {dimension_semantics = [#tpu.dimension_semantics<core_parallel>, #tpu.dimension_semantics<subcore_parallel>], iteration_bounds = array<i64: 2, 16>, scalar_prefetch = 0 : i64, scratch_operands = 7 : i64, tpu.core_type = #tpu.core_type<sc_vector_subcore>, window_params = [{transform_indices = #map}, {transform_indices = #map}, {transform_indices = #map}, {transform_indices = #map}, {transform_indices = #map}]} {
    %mul3A = arith.constant 16 : i32
    %mul3A_0 = arith.muli %arg0, %mul3A : i32
    %add3A = arith.addi %mul3A_0, %arg1 : i32
    %mul3A_1 = arith.constant 640 : i32
    %mul3A_2 = arith.muli %arg1, %mul3A_1 : i32
    %scan3A = arith.constant 0 : i32
    %scan3A_3 = arith.constant 0 : i32
    %scan3A_4 = arith.constant 40 : i32
    %scan3A_5 = arith.addi %scan3A_3, %scan3A_4 : i32
    %scan3A_6 = arith.constant 1 : i32
    %scan3A_7 = scf.for %scan3A_22 = %scan3A_3 to %scan3A_5 step %scan3A_6 iter_args(%scan3A_23 = %scan3A) -> (i32)  : i32 {
      %broadcast_in_dim3A = arith.constant 0.000000e+00 : f32
      %broadcast_in_dim3A_24 = vector.broadcast %broadcast_in_dim3A : f32 to vector<16xf32>
      %mul3A_25 = arith.constant 16 : i32
      %mul3A_26 = arith.muli %scan3A_22, %mul3A_25 : i32
      %swap3A = arith.index_cast %mul3A_26 : i32 to index
      %swap3A_27 = tpu.vector_load %arg12[%swap3A] {strides = array<i32>} : memref<640xf32, #tpu.memory_space<vmem>>, vector<16xf32>,
      tpu.vector_store %arg12[%swap3A], %broadcast_in_dim3A_24 {strides = array<i32>} : memref<640xf32, #tpu.memory_space<vmem>>, vector<16xf32>,
      %scan3A_28 = arith.constant 0 : i32
      scf.yield %scan3A_28 : i32
    }
    %scan3A_8 = arith.constant 40 : i32
    "tpu.region"() ({
      %run_scoped3A = tpu.sem_alloc : memref<!tpu.dma_semaphore, #tpu.memory_space<semaphore_mem>>
      %dma_start3A = tpu.memref_slice %arg13[%mul3A_2] : memref<10240xf32, #tpu.memory_space<vmem_shared>> -> memref<640xf32, #tpu.memory_space<vmem_shared>>
      %dma_start3A_22 = tpu.memref_slice %arg13[%mul3A_2] : memref<10240xf32, #tpu.memory_space<vmem_shared>> -> memref<640xf32, #tpu.memory_space<vmem_shared>>
      tpu.enqueue_dma source(%arg12 : memref<640xf32, #tpu.memory_space<vmem>>) target(%dma_start3A_22 : memref<640xf32, #tpu.memory_space<vmem_shared>>) target_semaphore(%run_scoped3A : memref<!tpu.dma_semaphore, #tpu.memory_space<semaphore_mem>>)
      %dma_wait3A = tpu.memref_slice %arg13[%mul3A_2] : memref<10240xf32, #tpu.memory_space<vmem_shared>> -> memref<640xf32, #tpu.memory_space<vmem_shared>>
      %dma_wait3A_23 = tpu.memref_slice %arg13[%mul3A_2] : memref<10240xf32, #tpu.memory_space<vmem_shared>> -> memref<640xf32, #tpu.memory_space<vmem_shared>>
      tpu.wait_dma2 semaphore(%run_scoped3A : memref<!tpu.dma_semaphore, #tpu.memory_space<semaphore_mem>>) src(%arg12 : memref<640xf32, #tpu.memory_space<vmem>>) dst(%dma_wait3A_23 : memref<640xf32, #tpu.memory_space<vmem_shared>>)
      tpu.yield
    }) : () -> ()
    %barrier3A = arith.constant 0 : index
    tpu.barrier barrier_id(%barrier3A)
    "tpu.region"() ({
      %run_scoped3A = tpu.sem_alloc : memref<!tpu.dma_semaphore, #tpu.memory_space<semaphore_mem>>
      tpu.enqueue_dma source(%arg5 : memref<10240xf32, #tpu.memory_space<hbm>>) target(%arg11 : memref<10240xf32, #tpu.memory_space<vmem>>) target_semaphore(%run_scoped3A : memref<!tpu.dma_semaphore, #tpu.memory_space<semaphore_mem>>)
      tpu.wait_dma2 semaphore(%run_scoped3A : memref<!tpu.dma_semaphore, #tpu.memory_space<semaphore_mem>>) src(%arg5 : memref<10240xf32, #tpu.memory_space<hbm>>) dst(%arg11 : memref<10240xf32, #tpu.memory_space<vmem>>)
      tpu.yield
    }) : () -> ()
    %mul3A_9 = arith.constant 5120 : i32
    %mul3A_10 = arith.muli %add3A, %mul3A_9 : i32
    "tpu.region"() ({
      %run_scoped3A = tpu.sem_alloc : memref<!tpu.dma_semaphore, #tpu.memory_space<semaphore_mem>>
      %dma_start3A = tpu.memref_slice %arg2[%mul3A_10] : memref<163840xi32, #tpu.memory_space<hbm>> -> memref<5120xi32, #tpu.memory_space<hbm>>
      %dma_start3A_22 = tpu.memref_slice %arg2[%mul3A_10] : memref<163840xi32, #tpu.memory_space<hbm>> -> memref<5120xi32, #tpu.memory_space<hbm>>
      tpu.enqueue_dma source(%dma_start3A_22 : memref<5120xi32, #tpu.memory_space<hbm>>) target(%arg7 : memref<5120xi32, #tpu.memory_space<vmem>>) target_semaphore(%run_scoped3A : memref<!tpu.dma_semaphore, #tpu.memory_space<semaphore_mem>>)
      %dma_wait3A = tpu.memref_slice %arg2[%mul3A_10] : memref<163840xi32, #tpu.memory_space<hbm>> -> memref<5120xi32, #tpu.memory_space<hbm>>
      %dma_wait3A_23 = tpu.memref_slice %arg2[%mul3A_10] : memref<163840xi32, #tpu.memory_space<hbm>> -> memref<5120xi32, #tpu.memory_space<hbm>>
      tpu.wait_dma2 semaphore(%run_scoped3A : memref<!tpu.dma_semaphore, #tpu.memory_space<semaphore_mem>>) src(%dma_wait3A_23 : memref<5120xi32, #tpu.memory_space<hbm>>) dst(%arg7 : memref<5120xi32, #tpu.memory_space<vmem>>)
      tpu.yield
    }) : () -> ()
    "tpu.region"() ({
      %run_scoped3A = tpu.sem_alloc : memref<!tpu.dma_semaphore, #tpu.memory_space<semaphore_mem>>
      %dma_start3A = tpu.memref_slice %arg3[%mul3A_10] : memref<163840xi32, #tpu.memory_space<hbm>> -> memref<5120xi32, #tpu.memory_space<hbm>>
      %dma_start3A_22 = tpu.memref_slice %arg3[%mul3A_10] : memref<163840xi32, #tpu.memory_space<hbm>> -> memref<5120xi32, #tpu.memory_space<hbm>>
      tpu.enqueue_dma source(%dma_start3A_22 : memref<5120xi32, #tpu.memory_space<hbm>>) target(%arg8 : memref<5120xi32, #tpu.memory_space<vmem>>) target_semaphore(%run_scoped3A : memref<!tpu.dma_semaphore, #tpu.memory_space<semaphore_mem>>)
      %dma_wait3A = tpu.memref_slice %arg3[%mul3A_10] : memref<163840xi32, #tpu.memory_space<hbm>> -> memref<5120xi32, #tpu.memory_space<hbm>>
      %dma_wait3A_23 = tpu.memref_slice %arg3[%mul3A_10] : memref<163840xi32, #tpu.memory_space<hbm>> -> memref<5120xi32, #tpu.memory_space<hbm>>
      tpu.wait_dma2 semaphore(%run_scoped3A : memref<!tpu.dma_semaphore, #tpu.memory_space<semaphore_mem>>) src(%dma_wait3A_23 : memref<5120xi32, #tpu.memory_space<hbm>>) dst(%arg8 : memref<5120xi32, #tpu.memory_space<vmem>>)
      tpu.yield
    }) : () -> ()
    "tpu.region"() ({
      %run_scoped3A = tpu.sem_alloc : memref<!tpu.dma_semaphore, #tpu.memory_space<semaphore_mem>>
      %dma_start3A = tpu.memref_slice %arg4[%mul3A_10] : memref<163840xf32, #tpu.memory_space<hbm>> -> memref<5120xf32, #tpu.memory_space<hbm>>
      %dma_start3A_22 = tpu.memref_slice %arg4[%mul3A_10] : memref<163840xf32, #tpu.memory_space<hbm>> -> memref<5120xf32, #tpu.memory_space<hbm>>
      tpu.enqueue_dma source(%dma_start3A_22 : memref<5120xf32, #tpu.memory_space<hbm>>) target(%arg9 : memref<5120xf32, #tpu.memory_space<vmem>>) target_semaphore(%run_scoped3A : memref<!tpu.dma_semaphore, #tpu.memory_space<semaphore_mem>>)
      %dma_wait3A = tpu.memref_slice %arg4[%mul3A_10] : memref<163840xf32, #tpu.memory_space<hbm>> -> memref<5120xf32, #tpu.memory_space<hbm>>
      %dma_wait3A_23 = tpu.memref_slice %arg4[%mul3A_10] : memref<163840xf32, #tpu.memory_space<hbm>> -> memref<5120xf32, #tpu.memory_space<hbm>>
      tpu.wait_dma2 semaphore(%run_scoped3A : memref<!tpu.dma_semaphore, #tpu.memory_space<semaphore_mem>>) src(%dma_wait3A_23 : memref<5120xf32, #tpu.memory_space<hbm>>) dst(%arg9 : memref<5120xf32, #tpu.memory_space<vmem>>)
      tpu.yield
    }) : () -> ()
    %scan3A_11 = arith.constant 0 : i32
    %scan3A_12 = arith.constant 0 : i32
    %scan3A_13 = arith.constant 320 : i32
    %scan3A_14 = arith.addi %scan3A_12, %scan3A_13 : i32
    %scan3A_15 = arith.constant 1 : i32
    %scan3A_16 = scf.for %scan3A_22 = %scan3A_12 to %scan3A_14 step %scan3A_15 iter_args(%scan3A_23 = %scan3A_11) -> (i32)  : i32 {
      %mul3A_24 = arith.constant 16 : i32
      %mul3A_25 = arith.muli %scan3A_22, %mul3A_24 : i32
      %get3A = arith.index_cast %mul3A_25 : i32 to index
      %get3A_26 = tpu.vector_load %arg9[%get3A] {strides = array<i32>} : memref<5120xf32, #tpu.memory_space<vmem>>, vector<16xf32>,
      %get3A_27 = arith.index_cast %mul3A_25 : i32 to index
      %get3A_28 = tpu.vector_load %arg7[%get3A_27] {strides = array<i32>} : memref<5120xi32, #tpu.memory_space<vmem>>, vector<16xi32>,
      %gather3A = tpu.vector_load_idx %arg11[%get3A_28] : memref<10240xf32, #tpu.memory_space<vmem>>[vector<16xi32>], vector<16xf32>,
      %mul3A_29 = arith.mulf %get3A_26, %gather3A : vector<16xf32>
      %swap3A = arith.index_cast %mul3A_25 : i32 to index
      %swap3A_30 = tpu.vector_load %arg10[%swap3A] {strides = array<i32>} : memref<5120xf32, #tpu.memory_space<vmem>>, vector<16xf32>,
      tpu.vector_store %arg10[%swap3A], %mul3A_29 {strides = array<i32>} : memref<5120xf32, #tpu.memory_space<vmem>>, vector<16xf32>,
      %scan3A_31 = arith.constant 0 : i32
      scf.yield %scan3A_31 : i32
    }
    %scan3A_17 = arith.constant 320 : i32
    "tpu.region"() ({
      %run_scoped3A = tpu.sem_alloc : memref<!tpu.dma_semaphore, #tpu.memory_space<semaphore_mem>>
      %dma_start3A = arith.constant 0 : i32
      %dma_start3A_22 = tpu.memref_slice %arg13[%dma_start3A] : memref<10240xf32, #tpu.memory_space<vmem_shared>> -> memref<10240xf32, #tpu.memory_space<vmem_shared>>
      tpu.enqueue_indirect_dma source(%arg10 : memref<5120xf32, #tpu.memory_space<vmem>>) target(%dma_start3A_22 : memref<10240xf32, #tpu.memory_space<vmem_shared>>) offsets(%arg8 : memref<5120xi32, #tpu.memory_space<vmem>>) semaphore(%run_scoped3A : memref<!tpu.dma_semaphore, #tpu.memory_space<semaphore_mem>>) {add = true}
      %dma_wait3A = arith.constant 0 : i32
      %dma_wait3A_23 = tpu.memref_slice %arg13[%dma_wait3A] : memref<10240xf32, #tpu.memory_space<vmem_shared>> -> memref<10240xf32, #tpu.memory_space<vmem_shared>>
      tpu.wait_indirect_dma semaphore(%run_scoped3A : memref<!tpu.dma_semaphore, #tpu.memory_space<semaphore_mem>>) src(%arg10 : memref<5120xf32, #tpu.memory_space<vmem>>) dst(%dma_wait3A_23 : memref<10240xf32, #tpu.memory_space<vmem_shared>>)
      tpu.yield
    }) : () -> ()
    %barrier3A_18 = arith.constant 0 : index
    tpu.barrier barrier_id(%barrier3A_18)
    %mul3A_19 = arith.constant 10240 : i32
    %mul3A_20 = arith.muli %arg0, %mul3A_19 : i32
    %add3A_21 = arith.addi %mul3A_20, %mul3A_2 : i32
    "tpu.region"() ({
      %run_scoped3A = tpu.sem_alloc : memref<!tpu.dma_semaphore, #tpu.memory_space<semaphore_mem>>
      %dma_start3A = tpu.memref_slice %arg6[%add3A_21] : memref<20480xf32, #tpu.memory_space<hbm>> -> memref<640xf32, #tpu.memory_space<hbm>>
      %dma_start3A_22 = tpu.memref_slice %arg13[%mul3A_2] : memref<10240xf32, #tpu.memory_space<vmem_shared>> -> memref<640xf32, #tpu.memory_space<vmem_shared>>
      tpu.enqueue_dma source(%dma_start3A_22 : memref<640xf32, #tpu.memory_space<vmem_shared>>) target(%dma_start3A : memref<640xf32, #tpu.memory_space<hbm>>) target_semaphore(%run_scoped3A : memref<!tpu.dma_semaphore, #tpu.memory_space<semaphore_mem>>)
      %dma_wait3A = tpu.memref_slice %arg6[%add3A_21] : memref<20480xf32, #tpu.memory_space<hbm>> -> memref<640xf32, #tpu.memory_space<hbm>>
      %dma_wait3A_23 = tpu.memref_slice %arg13[%mul3A_2] : memref<10240xf32, #tpu.memory_space<vmem_shared>> -> memref<640xf32, #tpu.memory_space<vmem_shared>>
      tpu.wait_dma2 semaphore(%run_scoped3A : memref<!tpu.dma_semaphore, #tpu.memory_space<semaphore_mem>>) src(%dma_wait3A_23 : memref<640xf32, #tpu.memory_space<vmem_shared>>) dst(%dma_wait3A : memref<640xf32, #tpu.memory_space<hbm>>)
      tpu.yield
    }) : () -> ()
    return
  }
}

#map = affine_map<(d0, d1) -> (0)>
module attributes {stable_mosaic.version = 14 : i64} {
  func.func @_sc_msg1_body(%arg0: i32, %arg1: i32, %arg2: memref<163840xi32, #tpu.memory_space<hbm>>, %arg3: memref<163840xi32, #tpu.memory_space<hbm>>, %arg4: memref<163840xf32, #tpu.memory_space<hbm>>, %arg5: memref<163840xf32, #tpu.memory_space<hbm>>, %arg6: memref<51200xf32, #tpu.memory_space<hbm>>, %arg7: memref<20480xf32, #tpu.memory_space<hbm>>, %arg8: memref<20480xf32, #tpu.memory_space<hbm>>, %arg9: memref<102400xf32, #tpu.memory_space<hbm>>, %arg10: memref<10240xf32, #tpu.memory_space<hbm>>, %arg11: memref<10240xf32, #tpu.memory_space<hbm>>, %arg12: memref<163840xf32, #tpu.memory_space<hbm>>, %arg13: memref<5120xi32, #tpu.memory_space<vmem>>, %arg14: memref<5120xi32, #tpu.memory_space<vmem>>, %arg15: memref<5120xf32, #tpu.memory_space<vmem>>, %arg16: memref<5120xf32, #tpu.memory_space<vmem>>, %arg17: memref<5120xf32, #tpu.memory_space<vmem>>, %arg18: memref<5120xf32, #tpu.memory_space<vmem>>, %arg19: memref<5120xf32, #tpu.memory_space<vmem>>, %arg20: memref<10240xf32, #tpu.memory_space<vmem>>, %arg21: memref<10240xf32, #tpu.memory_space<vmem>>, %arg22: memref<51200xf32, #tpu.memory_space<vmem>>, %arg23: memref<640xf32, #tpu.memory_space<vmem>>, %arg24: memref<640xf32, #tpu.memory_space<vmem>>, %arg25: memref<10240xf32, #tpu.memory_space<vmem_shared>>, %arg26: memref<10240xf32, #tpu.memory_space<vmem_shared>>, %arg27: memref<10240xf32, #tpu.memory_space<vmem_shared>>, %arg28: memref<10240xf32, #tpu.memory_space<vmem_shared>>, %arg29: memref<10240xf32, #tpu.memory_space<vmem_shared>>, %arg30: memref<10240xf32, #tpu.memory_space<vmem_shared>>, %arg31: memref<10240xf32, #tpu.memory_space<vmem_shared>>) attributes {dimension_semantics = [#tpu.dimension_semantics<core_parallel>, #tpu.dimension_semantics<subcore_parallel>], iteration_bounds = array<i64: 2, 16>, scalar_prefetch = 0 : i64, scratch_operands = 19 : i64, tpu.core_type = #tpu.core_type<sc_vector_subcore>, window_params = [{transform_indices = #map}, {transform_indices = #map}, {transform_indices = #map}, {transform_indices = #map}, {transform_indices = #map}, {transform_indices = #map}, {transform_indices = #map}, {transform_indices = #map}, {transform_indices = #map}, {transform_indices = #map}, {transform_indices = #map}]} {
    %mul3A = arith.constant 16 : i32
    %mul3A_0 = arith.muli %arg0, %mul3A : i32
    %add3A = arith.addi %mul3A_0, %arg1 : i32
    %mul3A_1 = arith.constant 640 : i32
    %mul3A_2 = arith.muli %arg1, %mul3A_1 : i32
    %scan3A = arith.constant 0 : i32
    %scan3A_3 = arith.constant 0 : i32
    %scan3A_4 = arith.constant 40 : i32
    %scan3A_5 = arith.addi %scan3A_3, %scan3A_4 : i32
    %scan3A_6 = arith.constant 1 : i32
    %scan3A_7 = scf.for %scan3A_119 = %scan3A_3 to %scan3A_5 step %scan3A_6 iter_args(%scan3A_120 = %scan3A) -> (i32)  : i32 {
      %broadcast_in_dim3A = arith.constant 0.000000e+00 : f32
      %broadcast_in_dim3A_121 = vector.broadcast %broadcast_in_dim3A : f32 to vector<16xf32>
      %mul3A_122 = arith.constant 16 : i32
      %mul3A_123 = arith.muli %scan3A_119, %mul3A_122 : i32
      %swap3A = arith.index_cast %mul3A_123 : i32 to index
      %swap3A_124 = tpu.vector_load %arg23[%swap3A] {strides = array<i32>} : memref<640xf32, #tpu.memory_space<vmem>>, vector<16xf32>,
      tpu.vector_store %arg23[%swap3A], %broadcast_in_dim3A_121 {strides = array<i32>} : memref<640xf32, #tpu.memory_space<vmem>>, vector<16xf32>,
      %scan3A_125 = arith.constant 0 : i32
      scf.yield %scan3A_125 : i32
    }
    %scan3A_8 = arith.constant 40 : i32
    "tpu.region"() ({
      %run_scoped3A = tpu.sem_alloc : memref<!tpu.dma_semaphore, #tpu.memory_space<semaphore_mem>>
      %dma_start3A = tpu.memref_slice %arg27[%mul3A_2] : memref<10240xf32, #tpu.memory_space<vmem_shared>> -> memref<640xf32, #tpu.memory_space<vmem_shared>>
      %dma_start3A_119 = tpu.memref_slice %arg27[%mul3A_2] : memref<10240xf32, #tpu.memory_space<vmem_shared>> -> memref<640xf32, #tpu.memory_space<vmem_shared>>
      tpu.enqueue_dma source(%arg23 : memref<640xf32, #tpu.memory_space<vmem>>) target(%dma_start3A_119 : memref<640xf32, #tpu.memory_space<vmem_shared>>) target_semaphore(%run_scoped3A : memref<!tpu.dma_semaphore, #tpu.memory_space<semaphore_mem>>)
      %dma_wait3A = tpu.memref_slice %arg27[%mul3A_2] : memref<10240xf32, #tpu.memory_space<vmem_shared>> -> memref<640xf32, #tpu.memory_space<vmem_shared>>
      %dma_wait3A_120 = tpu.memref_slice %arg27[%mul3A_2] : memref<10240xf32, #tpu.memory_space<vmem_shared>> -> memref<640xf32, #tpu.memory_space<vmem_shared>>
      tpu.wait_dma2 semaphore(%run_scoped3A : memref<!tpu.dma_semaphore, #tpu.memory_space<semaphore_mem>>) src(%arg23 : memref<640xf32, #tpu.memory_space<vmem>>) dst(%dma_wait3A_120 : memref<640xf32, #tpu.memory_space<vmem_shared>>)
      tpu.yield
    }) : () -> ()
    "tpu.region"() ({
      %run_scoped3A = tpu.sem_alloc : memref<!tpu.dma_semaphore, #tpu.memory_space<semaphore_mem>>
      %dma_start3A = tpu.memref_slice %arg28[%mul3A_2] : memref<10240xf32, #tpu.memory_space<vmem_shared>> -> memref<640xf32, #tpu.memory_space<vmem_shared>>
      %dma_start3A_119 = tpu.memref_slice %arg28[%mul3A_2] : memref<10240xf32, #tpu.memory_space<vmem_shared>> -> memref<640xf32, #tpu.memory_space<vmem_shared>>
      tpu.enqueue_dma source(%arg23 : memref<640xf32, #tpu.memory_space<vmem>>) target(%dma_start3A_119 : memref<640xf32, #tpu.memory_space<vmem_shared>>) target_semaphore(%run_scoped3A : memref<!tpu.dma_semaphore, #tpu.memory_space<semaphore_mem>>)
      %dma_wait3A = tpu.memref_slice %arg28[%mul3A_2] : memref<10240xf32, #tpu.memory_space<vmem_shared>> -> memref<640xf32, #tpu.memory_space<vmem_shared>>
      %dma_wait3A_120 = tpu.memref_slice %arg28[%mul3A_2] : memref<10240xf32, #tpu.memory_space<vmem_shared>> -> memref<640xf32, #tpu.memory_space<vmem_shared>>
      tpu.wait_dma2 semaphore(%run_scoped3A : memref<!tpu.dma_semaphore, #tpu.memory_space<semaphore_mem>>) src(%arg23 : memref<640xf32, #tpu.memory_space<vmem>>) dst(%dma_wait3A_120 : memref<640xf32, #tpu.memory_space<vmem_shared>>)
      tpu.yield
    }) : () -> ()
    "tpu.region"() ({
      %run_scoped3A = tpu.sem_alloc : memref<!tpu.dma_semaphore, #tpu.memory_space<semaphore_mem>>
      %dma_start3A = tpu.memref_slice %arg29[%mul3A_2] : memref<10240xf32, #tpu.memory_space<vmem_shared>> -> memref<640xf32, #tpu.memory_space<vmem_shared>>
      %dma_start3A_119 = tpu.memref_slice %arg29[%mul3A_2] : memref<10240xf32, #tpu.memory_space<vmem_shared>> -> memref<640xf32, #tpu.memory_space<vmem_shared>>
      tpu.enqueue_dma source(%arg23 : memref<640xf32, #tpu.memory_space<vmem>>) target(%dma_start3A_119 : memref<640xf32, #tpu.memory_space<vmem_shared>>) target_semaphore(%run_scoped3A : memref<!tpu.dma_semaphore, #tpu.memory_space<semaphore_mem>>)
      %dma_wait3A = tpu.memref_slice %arg29[%mul3A_2] : memref<10240xf32, #tpu.memory_space<vmem_shared>> -> memref<640xf32, #tpu.memory_space<vmem_shared>>
      %dma_wait3A_120 = tpu.memref_slice %arg29[%mul3A_2] : memref<10240xf32, #tpu.memory_space<vmem_shared>> -> memref<640xf32, #tpu.memory_space<vmem_shared>>
      tpu.wait_dma2 semaphore(%run_scoped3A : memref<!tpu.dma_semaphore, #tpu.memory_space<semaphore_mem>>) src(%arg23 : memref<640xf32, #tpu.memory_space<vmem>>) dst(%dma_wait3A_120 : memref<640xf32, #tpu.memory_space<vmem_shared>>)
      tpu.yield
    }) : () -> ()
    "tpu.region"() ({
      %run_scoped3A = tpu.sem_alloc : memref<!tpu.dma_semaphore, #tpu.memory_space<semaphore_mem>>
      %dma_start3A = tpu.memref_slice %arg30[%mul3A_2] : memref<10240xf32, #tpu.memory_space<vmem_shared>> -> memref<640xf32, #tpu.memory_space<vmem_shared>>
      %dma_start3A_119 = tpu.memref_slice %arg30[%mul3A_2] : memref<10240xf32, #tpu.memory_space<vmem_shared>> -> memref<640xf32, #tpu.memory_space<vmem_shared>>
      tpu.enqueue_dma source(%arg23 : memref<640xf32, #tpu.memory_space<vmem>>) target(%dma_start3A_119 : memref<640xf32, #tpu.memory_space<vmem_shared>>) target_semaphore(%run_scoped3A : memref<!tpu.dma_semaphore, #tpu.memory_space<semaphore_mem>>)
      %dma_wait3A = tpu.memref_slice %arg30[%mul3A_2] : memref<10240xf32, #tpu.memory_space<vmem_shared>> -> memref<640xf32, #tpu.memory_space<vmem_shared>>
      %dma_wait3A_120 = tpu.memref_slice %arg30[%mul3A_2] : memref<10240xf32, #tpu.memory_space<vmem_shared>> -> memref<640xf32, #tpu.memory_space<vmem_shared>>
      tpu.wait_dma2 semaphore(%run_scoped3A : memref<!tpu.dma_semaphore, #tpu.memory_space<semaphore_mem>>) src(%arg23 : memref<640xf32, #tpu.memory_space<vmem>>) dst(%dma_wait3A_120 : memref<640xf32, #tpu.memory_space<vmem_shared>>)
      tpu.yield
    }) : () -> ()
    "tpu.region"() ({
      %run_scoped3A = tpu.sem_alloc : memref<!tpu.dma_semaphore, #tpu.memory_space<semaphore_mem>>
      %dma_start3A = tpu.memref_slice %arg31[%mul3A_2] : memref<10240xf32, #tpu.memory_space<vmem_shared>> -> memref<640xf32, #tpu.memory_space<vmem_shared>>
      %dma_start3A_119 = tpu.memref_slice %arg31[%mul3A_2] : memref<10240xf32, #tpu.memory_space<vmem_shared>> -> memref<640xf32, #tpu.memory_space<vmem_shared>>
      tpu.enqueue_dma source(%arg23 : memref<640xf32, #tpu.memory_space<vmem>>) target(%dma_start3A_119 : memref<640xf32, #tpu.memory_space<vmem_shared>>) target_semaphore(%run_scoped3A : memref<!tpu.dma_semaphore, #tpu.memory_space<semaphore_mem>>)
      %dma_wait3A = tpu.memref_slice %arg31[%mul3A_2] : memref<10240xf32, #tpu.memory_space<vmem_shared>> -> memref<640xf32, #tpu.memory_space<vmem_shared>>
      %dma_wait3A_120 = tpu.memref_slice %arg31[%mul3A_2] : memref<10240xf32, #tpu.memory_space<vmem_shared>> -> memref<640xf32, #tpu.memory_space<vmem_shared>>
      tpu.wait_dma2 semaphore(%run_scoped3A : memref<!tpu.dma_semaphore, #tpu.memory_space<semaphore_mem>>) src(%arg23 : memref<640xf32, #tpu.memory_space<vmem>>) dst(%dma_wait3A_120 : memref<640xf32, #tpu.memory_space<vmem_shared>>)
      tpu.yield
    }) : () -> ()
    "tpu.region"() ({
      %run_scoped3A = tpu.sem_alloc : memref<!tpu.dma_semaphore, #tpu.memory_space<semaphore_mem>>
      %dma_start3A = tpu.memref_slice %arg7[%mul3A_2] : memref<20480xf32, #tpu.memory_space<hbm>> -> memref<640xf32, #tpu.memory_space<hbm>>
      %dma_start3A_119 = tpu.memref_slice %arg7[%mul3A_2] : memref<20480xf32, #tpu.memory_space<hbm>> -> memref<640xf32, #tpu.memory_space<hbm>>
      tpu.enqueue_dma source(%dma_start3A_119 : memref<640xf32, #tpu.memory_space<hbm>>) target(%arg23 : memref<640xf32, #tpu.memory_space<vmem>>) target_semaphore(%run_scoped3A : memref<!tpu.dma_semaphore, #tpu.memory_space<semaphore_mem>>)
      %dma_wait3A = tpu.memref_slice %arg7[%mul3A_2] : memref<20480xf32, #tpu.memory_space<hbm>> -> memref<640xf32, #tpu.memory_space<hbm>>
      %dma_wait3A_120 = tpu.memref_slice %arg7[%mul3A_2] : memref<20480xf32, #tpu.memory_space<hbm>> -> memref<640xf32, #tpu.memory_space<hbm>>
      tpu.wait_dma2 semaphore(%run_scoped3A : memref<!tpu.dma_semaphore, #tpu.memory_space<semaphore_mem>>) src(%dma_wait3A_120 : memref<640xf32, #tpu.memory_space<hbm>>) dst(%arg23 : memref<640xf32, #tpu.memory_space<vmem>>)
      tpu.yield
    }) : () -> ()
    %add3A_9 = arith.constant 10240 : i32
    %add3A_10 = arith.addi %add3A_9, %mul3A_2 : i32
    "tpu.region"() ({
      %run_scoped3A = tpu.sem_alloc : memref<!tpu.dma_semaphore, #tpu.memory_space<semaphore_mem>>
      %dma_start3A = tpu.memref_slice %arg7[%add3A_10] : memref<20480xf32, #tpu.memory_space<hbm>> -> memref<640xf32, #tpu.memory_space<hbm>>
      %dma_start3A_119 = tpu.memref_slice %arg7[%add3A_10] : memref<20480xf32, #tpu.memory_space<hbm>> -> memref<640xf32, #tpu.memory_space<hbm>>
      tpu.enqueue_dma source(%dma_start3A_119 : memref<640xf32, #tpu.memory_space<hbm>>) target(%arg24 : memref<640xf32, #tpu.memory_space<vmem>>) target_semaphore(%run_scoped3A : memref<!tpu.dma_semaphore, #tpu.memory_space<semaphore_mem>>)
      %dma_wait3A = tpu.memref_slice %arg7[%add3A_10] : memref<20480xf32, #tpu.memory_space<hbm>> -> memref<640xf32, #tpu.memory_space<hbm>>
      %dma_wait3A_120 = tpu.memref_slice %arg7[%add3A_10] : memref<20480xf32, #tpu.memory_space<hbm>> -> memref<640xf32, #tpu.memory_space<hbm>>
      tpu.wait_dma2 semaphore(%run_scoped3A : memref<!tpu.dma_semaphore, #tpu.memory_space<semaphore_mem>>) src(%dma_wait3A_120 : memref<640xf32, #tpu.memory_space<hbm>>) dst(%arg24 : memref<640xf32, #tpu.memory_space<vmem>>)
      tpu.yield
    }) : () -> ()
    %scan3A_11 = arith.constant 0 : i32
    %scan3A_12 = arith.constant 0 : i32
    %scan3A_13 = arith.constant 40 : i32
    %scan3A_14 = arith.addi %scan3A_12, %scan3A_13 : i32
    %scan3A_15 = arith.constant 1 : i32
    %scan3A_16 = scf.for %scan3A_119 = %scan3A_12 to %scan3A_14 step %scan3A_15 iter_args(%scan3A_120 = %scan3A_11) -> (i32)  : i32 {
      %mul3A_121 = arith.constant 16 : i32
      %mul3A_122 = arith.muli %scan3A_119, %mul3A_121 : i32
      %get3A = arith.index_cast %mul3A_122 : i32 to index
      %get3A_123 = tpu.vector_load %arg23[%get3A] {strides = array<i32>} : memref<640xf32, #tpu.memory_space<vmem>>, vector<16xf32>,
      %get3A_124 = arith.index_cast %mul3A_122 : i32 to index
      %get3A_125 = tpu.vector_load %arg24[%get3A_124] {strides = array<i32>} : memref<640xf32, #tpu.memory_space<vmem>>, vector<16xf32>,
      %add3A_126 = arith.addf %get3A_123, %get3A_125 : vector<16xf32>
      %swap3A = arith.index_cast %mul3A_122 : i32 to index
      %swap3A_127 = tpu.vector_load %arg23[%swap3A] {strides = array<i32>} : memref<640xf32, #tpu.memory_space<vmem>>, vector<16xf32>,
      tpu.vector_store %arg23[%swap3A], %add3A_126 {strides = array<i32>} : memref<640xf32, #tpu.memory_space<vmem>>, vector<16xf32>,
      %bitcast3A = vector.bitcast %add3A_126 : vector<16xf32> to vector<16xi32>
      %shift_right_logical3A = arith.constant 1 : i32
      %shift_right_logical3A_128 = vector.broadcast %shift_right_logical3A : i32 to vector<16xi32>
      %shift_right_logical3A_129 = arith.shrui %bitcast3A, %shift_right_logical3A_128 : vector<16xi32>
      %sub3A = arith.constant 1597463007 : i32
      %sub3A_130 = vector.broadcast %sub3A : i32 to vector<16xi32>
      %sub3A_131 = arith.subi %sub3A_130, %shift_right_logical3A_129 : vector<16xi32>
      %bitcast3A_132 = vector.bitcast %sub3A_131 : vector<16xi32> to vector<16xf32>
      %mul3A_133 = arith.constant 5.000000e-01 : f32
      %mul3A_134 = vector.broadcast %mul3A_133 : f32 to vector<16xf32>
      %mul3A_135 = arith.mulf %mul3A_134, %add3A_126 : vector<16xf32>
      %mul3A_136 = arith.mulf %mul3A_135, %bitcast3A_132 : vector<16xf32>
      %mul3A_137 = arith.mulf %mul3A_136, %bitcast3A_132 : vector<16xf32>
      %sub3A_138 = arith.constant 1.500000e+00 : f32
      %sub3A_139 = vector.broadcast %sub3A_138 : f32 to vector<16xf32>
      %sub3A_140 = arith.subf %sub3A_139, %mul3A_137 : vector<16xf32>
      %mul3A_141 = arith.mulf %bitcast3A_132, %sub3A_140 : vector<16xf32>
      %mul3A_142 = arith.mulf %mul3A_135, %mul3A_141 : vector<16xf32>
      %mul3A_143 = arith.mulf %mul3A_142, %mul3A_141 : vector<16xf32>
      %sub3A_144 = arith.constant 1.500000e+00 : f32
      %sub3A_145 = vector.broadcast %sub3A_144 : f32 to vector<16xf32>
      %sub3A_146 = arith.subf %sub3A_145, %mul3A_143 : vector<16xf32>
      %mul3A_147 = arith.mulf %mul3A_141, %sub3A_146 : vector<16xf32>
      %mul3A_148 = arith.mulf %mul3A_135, %mul3A_147 : vector<16xf32>
      %mul3A_149 = arith.mulf %mul3A_148, %mul3A_147 : vector<16xf32>
      %sub3A_150 = arith.constant 1.500000e+00 : f32
      %sub3A_151 = vector.broadcast %sub3A_150 : f32 to vector<16xf32>
      %sub3A_152 = arith.subf %sub3A_151, %mul3A_149 : vector<16xf32>
      %mul3A_153 = arith.mulf %mul3A_147, %sub3A_152 : vector<16xf32>
      %mul3A_154 = arith.mulf %mul3A_135, %mul3A_153 : vector<16xf32>
      %mul3A_155 = arith.mulf %mul3A_154, %mul3A_153 : vector<16xf32>
      %sub3A_156 = arith.constant 1.500000e+00 : f32
      %sub3A_157 = vector.broadcast %sub3A_156 : f32 to vector<16xf32>
      %sub3A_158 = arith.subf %sub3A_157, %mul3A_155 : vector<16xf32>
      %mul3A_159 = arith.mulf %mul3A_153, %sub3A_158 : vector<16xf32>
      %swap3A_160 = arith.index_cast %mul3A_122 : i32 to index
      %swap3A_161 = tpu.vector_load %arg24[%swap3A_160] {strides = array<i32>} : memref<640xf32, #tpu.memory_space<vmem>>, vector<16xf32>,
      tpu.vector_store %arg24[%swap3A_160], %mul3A_159 {strides = array<i32>} : memref<640xf32, #tpu.memory_space<vmem>>, vector<16xf32>,
      %scan3A_162 = arith.constant 0 : i32
      scf.yield %scan3A_162 : i32
    }
    %scan3A_17 = arith.constant 40 : i32
    %eq3A = arith.constant 0 : i32
    %eq3A_18 = arith.cmpi eq, %arg0, %eq3A : i32
    %convert_element_type3A = arith.extui %eq3A_18 : i1 to i32
    %cond3A = arith.constant 0 : i32
    %cond3A_19 = arith.cmpi ne, %convert_element_type3A, %cond3A : i32
    scf.if %cond3A_19 {
      "tpu.region"() ({
        %run_scoped3A = tpu.sem_alloc : memref<!tpu.dma_semaphore, #tpu.memory_space<semaphore_mem>>
        %dma_start3A = tpu.memref_slice %arg10[%mul3A_2] : memref<10240xf32, #tpu.memory_space<hbm>> -> memref<640xf32, #tpu.memory_space<hbm>>
        %dma_start3A_119 = tpu.memref_slice %arg10[%mul3A_2] : memref<10240xf32, #tpu.memory_space<hbm>> -> memref<640xf32, #tpu.memory_space<hbm>>
        tpu.enqueue_dma source(%arg23 : memref<640xf32, #tpu.memory_space<vmem>>) target(%dma_start3A_119 : memref<640xf32, #tpu.memory_space<hbm>>) target_semaphore(%run_scoped3A : memref<!tpu.dma_semaphore, #tpu.memory_space<semaphore_mem>>)
        %dma_wait3A = tpu.memref_slice %arg10[%mul3A_2] : memref<10240xf32, #tpu.memory_space<hbm>> -> memref<640xf32, #tpu.memory_space<hbm>>
        %dma_wait3A_120 = tpu.memref_slice %arg10[%mul3A_2] : memref<10240xf32, #tpu.memory_space<hbm>> -> memref<640xf32, #tpu.memory_space<hbm>>
        tpu.wait_dma2 semaphore(%run_scoped3A : memref<!tpu.dma_semaphore, #tpu.memory_space<semaphore_mem>>) src(%arg23 : memref<640xf32, #tpu.memory_space<vmem>>) dst(%dma_wait3A_120 : memref<640xf32, #tpu.memory_space<hbm>>)
        tpu.yield
      }) : () -> ()
    } else {
    }
    "tpu.region"() ({
      %run_scoped3A = tpu.sem_alloc : memref<!tpu.dma_semaphore, #tpu.memory_space<semaphore_mem>>
      %dma_start3A = tpu.memref_slice %arg25[%mul3A_2] : memref<10240xf32, #tpu.memory_space<vmem_shared>> -> memref<640xf32, #tpu.memory_space<vmem_shared>>
      %dma_start3A_119 = tpu.memref_slice %arg25[%mul3A_2] : memref<10240xf32, #tpu.memory_space<vmem_shared>> -> memref<640xf32, #tpu.memory_space<vmem_shared>>
      tpu.enqueue_dma source(%arg24 : memref<640xf32, #tpu.memory_space<vmem>>) target(%dma_start3A_119 : memref<640xf32, #tpu.memory_space<vmem_shared>>) target_semaphore(%run_scoped3A : memref<!tpu.dma_semaphore, #tpu.memory_space<semaphore_mem>>)
      %dma_wait3A = tpu.memref_slice %arg25[%mul3A_2] : memref<10240xf32, #tpu.memory_space<vmem_shared>> -> memref<640xf32, #tpu.memory_space<vmem_shared>>
      %dma_wait3A_120 = tpu.memref_slice %arg25[%mul3A_2] : memref<10240xf32, #tpu.memory_space<vmem_shared>> -> memref<640xf32, #tpu.memory_space<vmem_shared>>
      tpu.wait_dma2 semaphore(%run_scoped3A : memref<!tpu.dma_semaphore, #tpu.memory_space<semaphore_mem>>) src(%arg24 : memref<640xf32, #tpu.memory_space<vmem>>) dst(%dma_wait3A_120 : memref<640xf32, #tpu.memory_space<vmem_shared>>)
      tpu.yield
    }) : () -> ()
    "tpu.region"() ({
      %run_scoped3A = tpu.sem_alloc : memref<!tpu.dma_semaphore, #tpu.memory_space<semaphore_mem>>
      %dma_start3A = tpu.memref_slice %arg8[%mul3A_2] : memref<20480xf32, #tpu.memory_space<hbm>> -> memref<640xf32, #tpu.memory_space<hbm>>
      %dma_start3A_119 = tpu.memref_slice %arg8[%mul3A_2] : memref<20480xf32, #tpu.memory_space<hbm>> -> memref<640xf32, #tpu.memory_space<hbm>>
      tpu.enqueue_dma source(%dma_start3A_119 : memref<640xf32, #tpu.memory_space<hbm>>) target(%arg23 : memref<640xf32, #tpu.memory_space<vmem>>) target_semaphore(%run_scoped3A : memref<!tpu.dma_semaphore, #tpu.memory_space<semaphore_mem>>)
      %dma_wait3A = tpu.memref_slice %arg8[%mul3A_2] : memref<20480xf32, #tpu.memory_space<hbm>> -> memref<640xf32, #tpu.memory_space<hbm>>
      %dma_wait3A_120 = tpu.memref_slice %arg8[%mul3A_2] : memref<20480xf32, #tpu.memory_space<hbm>> -> memref<640xf32, #tpu.memory_space<hbm>>
      tpu.wait_dma2 semaphore(%run_scoped3A : memref<!tpu.dma_semaphore, #tpu.memory_space<semaphore_mem>>) src(%dma_wait3A_120 : memref<640xf32, #tpu.memory_space<hbm>>) dst(%arg23 : memref<640xf32, #tpu.memory_space<vmem>>)
      tpu.yield
    }) : () -> ()
    %add3A_20 = arith.constant 10240 : i32
    %add3A_21 = arith.addi %add3A_20, %mul3A_2 : i32
    "tpu.region"() ({
      %run_scoped3A = tpu.sem_alloc : memref<!tpu.dma_semaphore, #tpu.memory_space<semaphore_mem>>
      %dma_start3A = tpu.memref_slice %arg8[%add3A_21] : memref<20480xf32, #tpu.memory_space<hbm>> -> memref<640xf32, #tpu.memory_space<hbm>>
      %dma_start3A_119 = tpu.memref_slice %arg8[%add3A_21] : memref<20480xf32, #tpu.memory_space<hbm>> -> memref<640xf32, #tpu.memory_space<hbm>>
      tpu.enqueue_dma source(%dma_start3A_119 : memref<640xf32, #tpu.memory_space<hbm>>) target(%arg24 : memref<640xf32, #tpu.memory_space<vmem>>) target_semaphore(%run_scoped3A : memref<!tpu.dma_semaphore, #tpu.memory_space<semaphore_mem>>)
      %dma_wait3A = tpu.memref_slice %arg8[%add3A_21] : memref<20480xf32, #tpu.memory_space<hbm>> -> memref<640xf32, #tpu.memory_space<hbm>>
      %dma_wait3A_120 = tpu.memref_slice %arg8[%add3A_21] : memref<20480xf32, #tpu.memory_space<hbm>> -> memref<640xf32, #tpu.memory_space<hbm>>
      tpu.wait_dma2 semaphore(%run_scoped3A : memref<!tpu.dma_semaphore, #tpu.memory_space<semaphore_mem>>) src(%dma_wait3A_120 : memref<640xf32, #tpu.memory_space<hbm>>) dst(%arg24 : memref<640xf32, #tpu.memory_space<vmem>>)
      tpu.yield
    }) : () -> ()
    %scan3A_22 = arith.constant 0 : i32
    %scan3A_23 = arith.constant 0 : i32
    %scan3A_24 = arith.constant 40 : i32
    %scan3A_25 = arith.addi %scan3A_23, %scan3A_24 : i32
    %scan3A_26 = arith.constant 1 : i32
    %scan3A_27 = scf.for %scan3A_119 = %scan3A_23 to %scan3A_25 step %scan3A_26 iter_args(%scan3A_120 = %scan3A_22) -> (i32)  : i32 {
      %mul3A_121 = arith.constant 16 : i32
      %mul3A_122 = arith.muli %scan3A_119, %mul3A_121 : i32
      %get3A = arith.index_cast %mul3A_122 : i32 to index
      %get3A_123 = tpu.vector_load %arg23[%get3A] {strides = array<i32>} : memref<640xf32, #tpu.memory_space<vmem>>, vector<16xf32>,
      %get3A_124 = arith.index_cast %mul3A_122 : i32 to index
      %get3A_125 = tpu.vector_load %arg24[%get3A_124] {strides = array<i32>} : memref<640xf32, #tpu.memory_space<vmem>>, vector<16xf32>,
      %add3A_126 = arith.addf %get3A_123, %get3A_125 : vector<16xf32>
      %swap3A = arith.index_cast %mul3A_122 : i32 to index
      %swap3A_127 = tpu.vector_load %arg23[%swap3A] {strides = array<i32>} : memref<640xf32, #tpu.memory_space<vmem>>, vector<16xf32>,
      tpu.vector_store %arg23[%swap3A], %add3A_126 {strides = array<i32>} : memref<640xf32, #tpu.memory_space<vmem>>, vector<16xf32>,
      %bitcast3A = vector.bitcast %add3A_126 : vector<16xf32> to vector<16xi32>
      %shift_right_logical3A = arith.constant 1 : i32
      %shift_right_logical3A_128 = vector.broadcast %shift_right_logical3A : i32 to vector<16xi32>
      %shift_right_logical3A_129 = arith.shrui %bitcast3A, %shift_right_logical3A_128 : vector<16xi32>
      %sub3A = arith.constant 1597463007 : i32
      %sub3A_130 = vector.broadcast %sub3A : i32 to vector<16xi32>
      %sub3A_131 = arith.subi %sub3A_130, %shift_right_logical3A_129 : vector<16xi32>
      %bitcast3A_132 = vector.bitcast %sub3A_131 : vector<16xi32> to vector<16xf32>
      %mul3A_133 = arith.constant 5.000000e-01 : f32
      %mul3A_134 = vector.broadcast %mul3A_133 : f32 to vector<16xf32>
      %mul3A_135 = arith.mulf %mul3A_134, %add3A_126 : vector<16xf32>
      %mul3A_136 = arith.mulf %mul3A_135, %bitcast3A_132 : vector<16xf32>
      %mul3A_137 = arith.mulf %mul3A_136, %bitcast3A_132 : vector<16xf32>
      %sub3A_138 = arith.constant 1.500000e+00 : f32
      %sub3A_139 = vector.broadcast %sub3A_138 : f32 to vector<16xf32>
      %sub3A_140 = arith.subf %sub3A_139, %mul3A_137 : vector<16xf32>
      %mul3A_141 = arith.mulf %bitcast3A_132, %sub3A_140 : vector<16xf32>
      %mul3A_142 = arith.mulf %mul3A_135, %mul3A_141 : vector<16xf32>
      %mul3A_143 = arith.mulf %mul3A_142, %mul3A_141 : vector<16xf32>
      %sub3A_144 = arith.constant 1.500000e+00 : f32
      %sub3A_145 = vector.broadcast %sub3A_144 : f32 to vector<16xf32>
      %sub3A_146 = arith.subf %sub3A_145, %mul3A_143 : vector<16xf32>
      %mul3A_147 = arith.mulf %mul3A_141, %sub3A_146 : vector<16xf32>
      %mul3A_148 = arith.mulf %mul3A_135, %mul3A_147 : vector<16xf32>
      %mul3A_149 = arith.mulf %mul3A_148, %mul3A_147 : vector<16xf32>
      %sub3A_150 = arith.constant 1.500000e+00 : f32
      %sub3A_151 = vector.broadcast %sub3A_150 : f32 to vector<16xf32>
      %sub3A_152 = arith.subf %sub3A_151, %mul3A_149 : vector<16xf32>
      %mul3A_153 = arith.mulf %mul3A_147, %sub3A_152 : vector<16xf32>
      %mul3A_154 = arith.mulf %mul3A_135, %mul3A_153 : vector<16xf32>
      %mul3A_155 = arith.mulf %mul3A_154, %mul3A_153 : vector<16xf32>
      %sub3A_156 = arith.constant 1.500000e+00 : f32
      %sub3A_157 = vector.broadcast %sub3A_156 : f32 to vector<16xf32>
      %sub3A_158 = arith.subf %sub3A_157, %mul3A_155 : vector<16xf32>
      %mul3A_159 = arith.mulf %mul3A_153, %sub3A_158 : vector<16xf32>
      %swap3A_160 = arith.index_cast %mul3A_122 : i32 to index
      %swap3A_161 = tpu.vector_load %arg24[%swap3A_160] {strides = array<i32>} : memref<640xf32, #tpu.memory_space<vmem>>, vector<16xf32>,
      tpu.vector_store %arg24[%swap3A_160], %mul3A_159 {strides = array<i32>} : memref<640xf32, #tpu.memory_space<vmem>>, vector<16xf32>,
      %scan3A_162 = arith.constant 0 : i32
      scf.yield %scan3A_162 : i32
    }
    %scan3A_28 = arith.constant 40 : i32
    %eq3A_29 = arith.constant 0 : i32
    %eq3A_30 = arith.cmpi eq, %arg0, %eq3A_29 : i32
    %convert_element_type3A_31 = arith.extui %eq3A_30 : i1 to i32
    %cond3A_32 = arith.constant 0 : i32
    %cond3A_33 = arith.cmpi ne, %convert_element_type3A_31, %cond3A_32 : i32
    scf.if %cond3A_33 {
      "tpu.region"() ({
        %run_scoped3A = tpu.sem_alloc : memref<!tpu.dma_semaphore, #tpu.memory_space<semaphore_mem>>
        %dma_start3A = tpu.memref_slice %arg11[%mul3A_2] : memref<10240xf32, #tpu.memory_space<hbm>> -> memref<640xf32, #tpu.memory_space<hbm>>
        %dma_start3A_119 = tpu.memref_slice %arg11[%mul3A_2] : memref<10240xf32, #tpu.memory_space<hbm>> -> memref<640xf32, #tpu.memory_space<hbm>>
        tpu.enqueue_dma source(%arg23 : memref<640xf32, #tpu.memory_space<vmem>>) target(%dma_start3A_119 : memref<640xf32, #tpu.memory_space<hbm>>) target_semaphore(%run_scoped3A : memref<!tpu.dma_semaphore, #tpu.memory_space<semaphore_mem>>)
        %dma_wait3A = tpu.memref_slice %arg11[%mul3A_2] : memref<10240xf32, #tpu.memory_space<hbm>> -> memref<640xf32, #tpu.memory_space<hbm>>
        %dma_wait3A_120 = tpu.memref_slice %arg11[%mul3A_2] : memref<10240xf32, #tpu.memory_space<hbm>> -> memref<640xf32, #tpu.memory_space<hbm>>
        tpu.wait_dma2 semaphore(%run_scoped3A : memref<!tpu.dma_semaphore, #tpu.memory_space<semaphore_mem>>) src(%arg23 : memref<640xf32, #tpu.memory_space<vmem>>) dst(%dma_wait3A_120 : memref<640xf32, #tpu.memory_space<hbm>>)
        tpu.yield
      }) : () -> ()
    } else {
    }
    "tpu.region"() ({
      %run_scoped3A = tpu.sem_alloc : memref<!tpu.dma_semaphore, #tpu.memory_space<semaphore_mem>>
      %dma_start3A = tpu.memref_slice %arg26[%mul3A_2] : memref<10240xf32, #tpu.memory_space<vmem_shared>> -> memref<640xf32, #tpu.memory_space<vmem_shared>>
      %dma_start3A_119 = tpu.memref_slice %arg26[%mul3A_2] : memref<10240xf32, #tpu.memory_space<vmem_shared>> -> memref<640xf32, #tpu.memory_space<vmem_shared>>
      tpu.enqueue_dma source(%arg24 : memref<640xf32, #tpu.memory_space<vmem>>) target(%dma_start3A_119 : memref<640xf32, #tpu.memory_space<vmem_shared>>) target_semaphore(%run_scoped3A : memref<!tpu.dma_semaphore, #tpu.memory_space<semaphore_mem>>)
      %dma_wait3A = tpu.memref_slice %arg26[%mul3A_2] : memref<10240xf32, #tpu.memory_space<vmem_shared>> -> memref<640xf32, #tpu.memory_space<vmem_shared>>
      %dma_wait3A_120 = tpu.memref_slice %arg26[%mul3A_2] : memref<10240xf32, #tpu.memory_space<vmem_shared>> -> memref<640xf32, #tpu.memory_space<vmem_shared>>
      tpu.wait_dma2 semaphore(%run_scoped3A : memref<!tpu.dma_semaphore, #tpu.memory_space<semaphore_mem>>) src(%arg24 : memref<640xf32, #tpu.memory_space<vmem>>) dst(%dma_wait3A_120 : memref<640xf32, #tpu.memory_space<vmem_shared>>)
      tpu.yield
    }) : () -> ()
    %barrier3A = arith.constant 0 : index
    tpu.barrier barrier_id(%barrier3A)
    "tpu.region"() ({
      %run_scoped3A = tpu.sem_alloc : memref<!tpu.dma_semaphore, #tpu.memory_space<semaphore_mem>>
      tpu.enqueue_dma source(%arg25 : memref<10240xf32, #tpu.memory_space<vmem_shared>>) target(%arg20 : memref<10240xf32, #tpu.memory_space<vmem>>) target_semaphore(%run_scoped3A : memref<!tpu.dma_semaphore, #tpu.memory_space<semaphore_mem>>)
      tpu.wait_dma2 semaphore(%run_scoped3A : memref<!tpu.dma_semaphore, #tpu.memory_space<semaphore_mem>>) src(%arg25 : memref<10240xf32, #tpu.memory_space<vmem_shared>>) dst(%arg20 : memref<10240xf32, #tpu.memory_space<vmem>>)
      tpu.yield
    }) : () -> ()
    "tpu.region"() ({
      %run_scoped3A = tpu.sem_alloc : memref<!tpu.dma_semaphore, #tpu.memory_space<semaphore_mem>>
      tpu.enqueue_dma source(%arg26 : memref<10240xf32, #tpu.memory_space<vmem_shared>>) target(%arg21 : memref<10240xf32, #tpu.memory_space<vmem>>) target_semaphore(%run_scoped3A : memref<!tpu.dma_semaphore, #tpu.memory_space<semaphore_mem>>)
      tpu.wait_dma2 semaphore(%run_scoped3A : memref<!tpu.dma_semaphore, #tpu.memory_space<semaphore_mem>>) src(%arg26 : memref<10240xf32, #tpu.memory_space<vmem_shared>>) dst(%arg21 : memref<10240xf32, #tpu.memory_space<vmem>>)
      tpu.yield
    }) : () -> ()
    "tpu.region"() ({
      %run_scoped3A = tpu.sem_alloc : memref<!tpu.dma_semaphore, #tpu.memory_space<semaphore_mem>>
      tpu.enqueue_dma source(%arg6 : memref<51200xf32, #tpu.memory_space<hbm>>) target(%arg22 : memref<51200xf32, #tpu.memory_space<vmem>>) target_semaphore(%run_scoped3A : memref<!tpu.dma_semaphore, #tpu.memory_space<semaphore_mem>>)
      tpu.wait_dma2 semaphore(%run_scoped3A : memref<!tpu.dma_semaphore, #tpu.memory_space<semaphore_mem>>) src(%arg6 : memref<51200xf32, #tpu.memory_space<hbm>>) dst(%arg22 : memref<51200xf32, #tpu.memory_space<vmem>>)
      tpu.yield
    }) : () -> ()
    %mul3A_34 = arith.constant 5120 : i32
    %mul3A_35 = arith.muli %add3A, %mul3A_34 : i32
    "tpu.region"() ({
      %run_scoped3A = tpu.sem_alloc : memref<!tpu.dma_semaphore, #tpu.memory_space<semaphore_mem>>
      %dma_start3A = tpu.memref_slice %arg2[%mul3A_35] : memref<163840xi32, #tpu.memory_space<hbm>> -> memref<5120xi32, #tpu.memory_space<hbm>>
      %dma_start3A_119 = tpu.memref_slice %arg2[%mul3A_35] : memref<163840xi32, #tpu.memory_space<hbm>> -> memref<5120xi32, #tpu.memory_space<hbm>>
      tpu.enqueue_dma source(%dma_start3A_119 : memref<5120xi32, #tpu.memory_space<hbm>>) target(%arg13 : memref<5120xi32, #tpu.memory_space<vmem>>) target_semaphore(%run_scoped3A : memref<!tpu.dma_semaphore, #tpu.memory_space<semaphore_mem>>)
      %dma_wait3A = tpu.memref_slice %arg2[%mul3A_35] : memref<163840xi32, #tpu.memory_space<hbm>> -> memref<5120xi32, #tpu.memory_space<hbm>>
      %dma_wait3A_120 = tpu.memref_slice %arg2[%mul3A_35] : memref<163840xi32, #tpu.memory_space<hbm>> -> memref<5120xi32, #tpu.memory_space<hbm>>
      tpu.wait_dma2 semaphore(%run_scoped3A : memref<!tpu.dma_semaphore, #tpu.memory_space<semaphore_mem>>) src(%dma_wait3A_120 : memref<5120xi32, #tpu.memory_space<hbm>>) dst(%arg13 : memref<5120xi32, #tpu.memory_space<vmem>>)
      tpu.yield
    }) : () -> ()
    "tpu.region"() ({
      %run_scoped3A = tpu.sem_alloc : memref<!tpu.dma_semaphore, #tpu.memory_space<semaphore_mem>>
      %dma_start3A = tpu.memref_slice %arg3[%mul3A_35] : memref<163840xi32, #tpu.memory_space<hbm>> -> memref<5120xi32, #tpu.memory_space<hbm>>
      %dma_start3A_119 = tpu.memref_slice %arg3[%mul3A_35] : memref<163840xi32, #tpu.memory_space<hbm>> -> memref<5120xi32, #tpu.memory_space<hbm>>
      tpu.enqueue_dma source(%dma_start3A_119 : memref<5120xi32, #tpu.memory_space<hbm>>) target(%arg14 : memref<5120xi32, #tpu.memory_space<vmem>>) target_semaphore(%run_scoped3A : memref<!tpu.dma_semaphore, #tpu.memory_space<semaphore_mem>>)
      %dma_wait3A = tpu.memref_slice %arg3[%mul3A_35] : memref<163840xi32, #tpu.memory_space<hbm>> -> memref<5120xi32, #tpu.memory_space<hbm>>
      %dma_wait3A_120 = tpu.memref_slice %arg3[%mul3A_35] : memref<163840xi32, #tpu.memory_space<hbm>> -> memref<5120xi32, #tpu.memory_space<hbm>>
      tpu.wait_dma2 semaphore(%run_scoped3A : memref<!tpu.dma_semaphore, #tpu.memory_space<semaphore_mem>>) src(%dma_wait3A_120 : memref<5120xi32, #tpu.memory_space<hbm>>) dst(%arg14 : memref<5120xi32, #tpu.memory_space<vmem>>)
      tpu.yield
    }) : () -> ()
    "tpu.region"() ({
      %run_scoped3A = tpu.sem_alloc : memref<!tpu.dma_semaphore, #tpu.memory_space<semaphore_mem>>
      %dma_start3A = tpu.memref_slice %arg4[%mul3A_35] : memref<163840xf32, #tpu.memory_space<hbm>> -> memref<5120xf32, #tpu.memory_space<hbm>>
      %dma_start3A_119 = tpu.memref_slice %arg4[%mul3A_35] : memref<163840xf32, #tpu.memory_space<hbm>> -> memref<5120xf32, #tpu.memory_space<hbm>>
      tpu.enqueue_dma source(%dma_start3A_119 : memref<5120xf32, #tpu.memory_space<hbm>>) target(%arg15 : memref<5120xf32, #tpu.memory_space<vmem>>) target_semaphore(%run_scoped3A : memref<!tpu.dma_semaphore, #tpu.memory_space<semaphore_mem>>)
      %dma_wait3A = tpu.memref_slice %arg4[%mul3A_35] : memref<163840xf32, #tpu.memory_space<hbm>> -> memref<5120xf32, #tpu.memory_space<hbm>>
      %dma_wait3A_120 = tpu.memref_slice %arg4[%mul3A_35] : memref<163840xf32, #tpu.memory_space<hbm>> -> memref<5120xf32, #tpu.memory_space<hbm>>
      tpu.wait_dma2 semaphore(%run_scoped3A : memref<!tpu.dma_semaphore, #tpu.memory_space<semaphore_mem>>) src(%dma_wait3A_120 : memref<5120xf32, #tpu.memory_space<hbm>>) dst(%arg15 : memref<5120xf32, #tpu.memory_space<vmem>>)
      tpu.yield
    }) : () -> ()
    "tpu.region"() ({
      %run_scoped3A = tpu.sem_alloc : memref<!tpu.dma_semaphore, #tpu.memory_space<semaphore_mem>>
      %dma_start3A = tpu.memref_slice %arg5[%mul3A_35] : memref<163840xf32, #tpu.memory_space<hbm>> -> memref<5120xf32, #tpu.memory_space<hbm>>
      %dma_start3A_119 = tpu.memref_slice %arg5[%mul3A_35] : memref<163840xf32, #tpu.memory_space<hbm>> -> memref<5120xf32, #tpu.memory_space<hbm>>
      tpu.enqueue_dma source(%dma_start3A_119 : memref<5120xf32, #tpu.memory_space<hbm>>) target(%arg16 : memref<5120xf32, #tpu.memory_space<vmem>>) target_semaphore(%run_scoped3A : memref<!tpu.dma_semaphore, #tpu.memory_space<semaphore_mem>>)
      %dma_wait3A = tpu.memref_slice %arg5[%mul3A_35] : memref<163840xf32, #tpu.memory_space<hbm>> -> memref<5120xf32, #tpu.memory_space<hbm>>
      %dma_wait3A_120 = tpu.memref_slice %arg5[%mul3A_35] : memref<163840xf32, #tpu.memory_space<hbm>> -> memref<5120xf32, #tpu.memory_space<hbm>>
      tpu.wait_dma2 semaphore(%run_scoped3A : memref<!tpu.dma_semaphore, #tpu.memory_space<semaphore_mem>>) src(%dma_wait3A_120 : memref<5120xf32, #tpu.memory_space<hbm>>) dst(%arg16 : memref<5120xf32, #tpu.memory_space<vmem>>)
      tpu.yield
    }) : () -> ()
    %scan3A_36 = arith.constant 0 : i32
    %scan3A_37 = arith.constant 0 : i32
    %scan3A_38 = arith.constant 320 : i32
    %scan3A_39 = arith.addi %scan3A_37, %scan3A_38 : i32
    %scan3A_40 = arith.constant 1 : i32
    %scan3A_41 = scf.for %scan3A_119 = %scan3A_37 to %scan3A_39 step %scan3A_40 iter_args(%scan3A_120 = %scan3A_36) -> (i32)  : i32 {
      %mul3A_121 = arith.constant 16 : i32
      %mul3A_122 = arith.muli %scan3A_119, %mul3A_121 : i32
      %get3A = arith.index_cast %mul3A_122 : i32 to index
      %get3A_123 = tpu.vector_load %arg13[%get3A] {strides = array<i32>} : memref<5120xi32, #tpu.memory_space<vmem>>, vector<16xi32>,
      %get3A_124 = arith.index_cast %mul3A_122 : i32 to index
      %get3A_125 = tpu.vector_load %arg15[%get3A_124] {strides = array<i32>} : memref<5120xf32, #tpu.memory_space<vmem>>, vector<16xf32>,
      %gather3A = tpu.vector_load_idx %arg20[%get3A_123] : memref<10240xf32, #tpu.memory_space<vmem>>[vector<16xi32>], vector<16xf32>,
      %mul3A_126 = arith.mulf %get3A_125, %gather3A : vector<16xf32>
      %swap3A = arith.index_cast %mul3A_122 : i32 to index
      %swap3A_127 = tpu.vector_load %arg17[%swap3A] {strides = array<i32>} : memref<5120xf32, #tpu.memory_space<vmem>>, vector<16xf32>,
      tpu.vector_store %arg17[%swap3A], %mul3A_126 {strides = array<i32>} : memref<5120xf32, #tpu.memory_space<vmem>>, vector<16xf32>,
      %get3A_128 = arith.index_cast %mul3A_122 : i32 to index
      %get3A_129 = tpu.vector_load %arg16[%get3A_128] {strides = array<i32>} : memref<5120xf32, #tpu.memory_space<vmem>>, vector<16xf32>,
      %gather3A_130 = tpu.vector_load_idx %arg21[%get3A_123] : memref<10240xf32, #tpu.memory_space<vmem>>[vector<16xi32>], vector<16xf32>,
      %mul3A_131 = arith.mulf %get3A_129, %gather3A_130 : vector<16xf32>
      %swap3A_132 = arith.index_cast %mul3A_122 : i32 to index
      %swap3A_133 = tpu.vector_load %arg18[%swap3A_132] {strides = array<i32>} : memref<5120xf32, #tpu.memory_space<vmem>>, vector<16xf32>,
      tpu.vector_store %arg18[%swap3A_132], %mul3A_131 {strides = array<i32>} : memref<5120xf32, #tpu.memory_space<vmem>>, vector<16xf32>,
      %scan3A_134 = arith.constant 0 : i32
      scf.yield %scan3A_134 : i32
    }
    %scan3A_42 = arith.constant 320 : i32
    "tpu.region"() ({
      %run_scoped3A = tpu.sem_alloc : memref<!tpu.dma_semaphore, #tpu.memory_space<semaphore_mem>>
      %dma_start3A = tpu.memref_slice %arg12[%mul3A_35] : memref<163840xf32, #tpu.memory_space<hbm>> -> memref<5120xf32, #tpu.memory_space<hbm>>
      %dma_start3A_119 = tpu.memref_slice %arg12[%mul3A_35] : memref<163840xf32, #tpu.memory_space<hbm>> -> memref<5120xf32, #tpu.memory_space<hbm>>
      tpu.enqueue_dma source(%arg18 : memref<5120xf32, #tpu.memory_space<vmem>>) target(%dma_start3A_119 : memref<5120xf32, #tpu.memory_space<hbm>>) target_semaphore(%run_scoped3A : memref<!tpu.dma_semaphore, #tpu.memory_space<semaphore_mem>>)
      %dma_wait3A = tpu.memref_slice %arg12[%mul3A_35] : memref<163840xf32, #tpu.memory_space<hbm>> -> memref<5120xf32, #tpu.memory_space<hbm>>
      %dma_wait3A_120 = tpu.memref_slice %arg12[%mul3A_35] : memref<163840xf32, #tpu.memory_space<hbm>> -> memref<5120xf32, #tpu.memory_space<hbm>>
      tpu.wait_dma2 semaphore(%run_scoped3A : memref<!tpu.dma_semaphore, #tpu.memory_space<semaphore_mem>>) src(%arg18 : memref<5120xf32, #tpu.memory_space<vmem>>) dst(%dma_wait3A_120 : memref<5120xf32, #tpu.memory_space<hbm>>)
      tpu.yield
    }) : () -> ()
    %scan3A_43 = arith.constant 0 : i32
    %scan3A_44 = arith.constant 0 : i32
    %scan3A_45 = arith.constant 0 : i32
    %scan3A_46 = arith.constant 320 : i32
    %scan3A_47 = arith.addi %scan3A_45, %scan3A_46 : i32
    %scan3A_48 = arith.constant 1 : i32
    %scan3A_49 = scf.for %scan3A_119 = %scan3A_45 to %scan3A_47 step %scan3A_48 iter_args(%scan3A_120 = %scan3A_44) -> (i32)  : i32 {
      %mul3A_121 = arith.constant 16 : i32
      %mul3A_122 = arith.muli %scan3A_119, %mul3A_121 : i32
      %get3A = arith.index_cast %mul3A_122 : i32 to index
      %get3A_123 = tpu.vector_load %arg17[%get3A] {strides = array<i32>} : memref<5120xf32, #tpu.memory_space<vmem>>, vector<16xf32>,
      %get3A_124 = arith.index_cast %mul3A_122 : i32 to index
      %get3A_125 = tpu.vector_load %arg13[%get3A_124] {strides = array<i32>} : memref<5120xi32, #tpu.memory_space<vmem>>, vector<16xi32>,
      %add3A_126 = vector.broadcast %scan3A_43 : i32 to vector<16xi32>
      %add3A_127 = arith.addi %get3A_125, %add3A_126 : vector<16xi32>
      %gather3A = tpu.vector_load_idx %arg22[%add3A_127] : memref<51200xf32, #tpu.memory_space<vmem>>[vector<16xi32>], vector<16xf32>,
      %mul3A_128 = arith.mulf %get3A_123, %gather3A : vector<16xf32>
      %swap3A = arith.index_cast %mul3A_122 : i32 to index
      %swap3A_129 = tpu.vector_load %arg19[%swap3A] {strides = array<i32>} : memref<5120xf32, #tpu.memory_space<vmem>>, vector<16xf32>,
      tpu.vector_store %arg19[%swap3A], %mul3A_128 {strides = array<i32>} : memref<5120xf32, #tpu.memory_space<vmem>>, vector<16xf32>,
      %scan3A_130 = arith.constant 0 : i32
      scf.yield %scan3A_130 : i32
    }
    %scan3A_50 = arith.constant 320 : i32
    "tpu.region"() ({
      %run_scoped3A = tpu.sem_alloc : memref<!tpu.dma_semaphore, #tpu.memory_space<semaphore_mem>>
      %dma_start3A = arith.constant 0 : i32
      %dma_start3A_119 = tpu.memref_slice %arg27[%dma_start3A] : memref<10240xf32, #tpu.memory_space<vmem_shared>> -> memref<10240xf32, #tpu.memory_space<vmem_shared>>
      tpu.enqueue_indirect_dma source(%arg19 : memref<5120xf32, #tpu.memory_space<vmem>>) target(%dma_start3A_119 : memref<10240xf32, #tpu.memory_space<vmem_shared>>) offsets(%arg14 : memref<5120xi32, #tpu.memory_space<vmem>>) semaphore(%run_scoped3A : memref<!tpu.dma_semaphore, #tpu.memory_space<semaphore_mem>>) {add = true}
      %dma_wait3A = arith.constant 0 : i32
      %dma_wait3A_120 = tpu.memref_slice %arg27[%dma_wait3A] : memref<10240xf32, #tpu.memory_space<vmem_shared>> -> memref<10240xf32, #tpu.memory_space<vmem_shared>>
      tpu.wait_indirect_dma semaphore(%run_scoped3A : memref<!tpu.dma_semaphore, #tpu.memory_space<semaphore_mem>>) src(%arg19 : memref<5120xf32, #tpu.memory_space<vmem>>) dst(%dma_wait3A_120 : memref<10240xf32, #tpu.memory_space<vmem_shared>>)
      tpu.yield
    }) : () -> ()
    %scan3A_51 = arith.constant 10240 : i32
    %scan3A_52 = arith.constant 0 : i32
    %scan3A_53 = arith.constant 0 : i32
    %scan3A_54 = arith.constant 320 : i32
    %scan3A_55 = arith.addi %scan3A_53, %scan3A_54 : i32
    %scan3A_56 = arith.constant 1 : i32
    %scan3A_57 = scf.for %scan3A_119 = %scan3A_53 to %scan3A_55 step %scan3A_56 iter_args(%scan3A_120 = %scan3A_52) -> (i32)  : i32 {
      %mul3A_121 = arith.constant 16 : i32
      %mul3A_122 = arith.muli %scan3A_119, %mul3A_121 : i32
      %get3A = arith.index_cast %mul3A_122 : i32 to index
      %get3A_123 = tpu.vector_load %arg17[%get3A] {strides = array<i32>} : memref<5120xf32, #tpu.memory_space<vmem>>, vector<16xf32>,
      %get3A_124 = arith.index_cast %mul3A_122 : i32 to index
      %get3A_125 = tpu.vector_load %arg13[%get3A_124] {strides = array<i32>} : memref<5120xi32, #tpu.memory_space<vmem>>, vector<16xi32>,
      %add3A_126 = vector.broadcast %scan3A_51 : i32 to vector<16xi32>
      %add3A_127 = arith.addi %get3A_125, %add3A_126 : vector<16xi32>
      %gather3A = tpu.vector_load_idx %arg22[%add3A_127] : memref<51200xf32, #tpu.memory_space<vmem>>[vector<16xi32>], vector<16xf32>,
      %mul3A_128 = arith.mulf %get3A_123, %gather3A : vector<16xf32>
      %swap3A = arith.index_cast %mul3A_122 : i32 to index
      %swap3A_129 = tpu.vector_load %arg19[%swap3A] {strides = array<i32>} : memref<5120xf32, #tpu.memory_space<vmem>>, vector<16xf32>,
      tpu.vector_store %arg19[%swap3A], %mul3A_128 {strides = array<i32>} : memref<5120xf32, #tpu.memory_space<vmem>>, vector<16xf32>,
      %scan3A_130 = arith.constant 0 : i32
      scf.yield %scan3A_130 : i32
    }
    %scan3A_58 = arith.constant 320 : i32
    "tpu.region"() ({
      %run_scoped3A = tpu.sem_alloc : memref<!tpu.dma_semaphore, #tpu.memory_space<semaphore_mem>>
      %dma_start3A = arith.constant 0 : i32
      %dma_start3A_119 = tpu.memref_slice %arg28[%dma_start3A] : memref<10240xf32, #tpu.memory_space<vmem_shared>> -> memref<10240xf32, #tpu.memory_space<vmem_shared>>
      tpu.enqueue_indirect_dma source(%arg19 : memref<5120xf32, #tpu.memory_space<vmem>>) target(%dma_start3A_119 : memref<10240xf32, #tpu.memory_space<vmem_shared>>) offsets(%arg14 : memref<5120xi32, #tpu.memory_space<vmem>>) semaphore(%run_scoped3A : memref<!tpu.dma_semaphore, #tpu.memory_space<semaphore_mem>>) {add = true}
      %dma_wait3A = arith.constant 0 : i32
      %dma_wait3A_120 = tpu.memref_slice %arg28[%dma_wait3A] : memref<10240xf32, #tpu.memory_space<vmem_shared>> -> memref<10240xf32, #tpu.memory_space<vmem_shared>>
      tpu.wait_indirect_dma semaphore(%run_scoped3A : memref<!tpu.dma_semaphore, #tpu.memory_space<semaphore_mem>>) src(%arg19 : memref<5120xf32, #tpu.memory_space<vmem>>) dst(%dma_wait3A_120 : memref<10240xf32, #tpu.memory_space<vmem_shared>>)
      tpu.yield
    }) : () -> ()
    %scan3A_59 = arith.constant 20480 : i32
    %scan3A_60 = arith.constant 0 : i32
    %scan3A_61 = arith.constant 0 : i32
    %scan3A_62 = arith.constant 320 : i32
    %scan3A_63 = arith.addi %scan3A_61, %scan3A_62 : i32
    %scan3A_64 = arith.constant 1 : i32
    %scan3A_65 = scf.for %scan3A_119 = %scan3A_61 to %scan3A_63 step %scan3A_64 iter_args(%scan3A_120 = %scan3A_60) -> (i32)  : i32 {
      %mul3A_121 = arith.constant 16 : i32
      %mul3A_122 = arith.muli %scan3A_119, %mul3A_121 : i32
      %get3A = arith.index_cast %mul3A_122 : i32 to index
      %get3A_123 = tpu.vector_load %arg17[%get3A] {strides = array<i32>} : memref<5120xf32, #tpu.memory_space<vmem>>, vector<16xf32>,
      %get3A_124 = arith.index_cast %mul3A_122 : i32 to index
      %get3A_125 = tpu.vector_load %arg13[%get3A_124] {strides = array<i32>} : memref<5120xi32, #tpu.memory_space<vmem>>, vector<16xi32>,
      %add3A_126 = vector.broadcast %scan3A_59 : i32 to vector<16xi32>
      %add3A_127 = arith.addi %get3A_125, %add3A_126 : vector<16xi32>
      %gather3A = tpu.vector_load_idx %arg22[%add3A_127] : memref<51200xf32, #tpu.memory_space<vmem>>[vector<16xi32>], vector<16xf32>,
      %mul3A_128 = arith.mulf %get3A_123, %gather3A : vector<16xf32>
      %swap3A = arith.index_cast %mul3A_122 : i32 to index
      %swap3A_129 = tpu.vector_load %arg19[%swap3A] {strides = array<i32>} : memref<5120xf32, #tpu.memory_space<vmem>>, vector<16xf32>,
      tpu.vector_store %arg19[%swap3A], %mul3A_128 {strides = array<i32>} : memref<5120xf32, #tpu.memory_space<vmem>>, vector<16xf32>,
      %scan3A_130 = arith.constant 0 : i32
      scf.yield %scan3A_130 : i32
    }
    %scan3A_66 = arith.constant 320 : i32
    "tpu.region"() ({
      %run_scoped3A = tpu.sem_alloc : memref<!tpu.dma_semaphore, #tpu.memory_space<semaphore_mem>>
      %dma_start3A = arith.constant 0 : i32
      %dma_start3A_119 = tpu.memref_slice %arg29[%dma_start3A] : memref<10240xf32, #tpu.memory_space<vmem_shared>> -> memref<10240xf32, #tpu.memory_space<vmem_shared>>
      tpu.enqueue_indirect_dma source(%arg19 : memref<5120xf32, #tpu.memory_space<vmem>>) target(%dma_start3A_119 : memref<10240xf32, #tpu.memory_space<vmem_shared>>) offsets(%arg14 : memref<5120xi32, #tpu.memory_space<vmem>>) semaphore(%run_scoped3A : memref<!tpu.dma_semaphore, #tpu.memory_space<semaphore_mem>>) {add = true}
      %dma_wait3A = arith.constant 0 : i32
      %dma_wait3A_120 = tpu.memref_slice %arg29[%dma_wait3A] : memref<10240xf32, #tpu.memory_space<vmem_shared>> -> memref<10240xf32, #tpu.memory_space<vmem_shared>>
      tpu.wait_indirect_dma semaphore(%run_scoped3A : memref<!tpu.dma_semaphore, #tpu.memory_space<semaphore_mem>>) src(%arg19 : memref<5120xf32, #tpu.memory_space<vmem>>) dst(%dma_wait3A_120 : memref<10240xf32, #tpu.memory_space<vmem_shared>>)
      tpu.yield
    }) : () -> ()
    %scan3A_67 = arith.constant 30720 : i32
    %scan3A_68 = arith.constant 0 : i32
    %scan3A_69 = arith.constant 0 : i32
    %scan3A_70 = arith.constant 320 : i32
    %scan3A_71 = arith.addi %scan3A_69, %scan3A_70 : i32
    %scan3A_72 = arith.constant 1 : i32
    %scan3A_73 = scf.for %scan3A_119 = %scan3A_69 to %scan3A_71 step %scan3A_72 iter_args(%scan3A_120 = %scan3A_68) -> (i32)  : i32 {
      %mul3A_121 = arith.constant 16 : i32
      %mul3A_122 = arith.muli %scan3A_119, %mul3A_121 : i32
      %get3A = arith.index_cast %mul3A_122 : i32 to index
      %get3A_123 = tpu.vector_load %arg17[%get3A] {strides = array<i32>} : memref<5120xf32, #tpu.memory_space<vmem>>, vector<16xf32>,
      %get3A_124 = arith.index_cast %mul3A_122 : i32 to index
      %get3A_125 = tpu.vector_load %arg13[%get3A_124] {strides = array<i32>} : memref<5120xi32, #tpu.memory_space<vmem>>, vector<16xi32>,
      %add3A_126 = vector.broadcast %scan3A_67 : i32 to vector<16xi32>
      %add3A_127 = arith.addi %get3A_125, %add3A_126 : vector<16xi32>
      %gather3A = tpu.vector_load_idx %arg22[%add3A_127] : memref<51200xf32, #tpu.memory_space<vmem>>[vector<16xi32>], vector<16xf32>,
      %mul3A_128 = arith.mulf %get3A_123, %gather3A : vector<16xf32>
      %swap3A = arith.index_cast %mul3A_122 : i32 to index
      %swap3A_129 = tpu.vector_load %arg19[%swap3A] {strides = array<i32>} : memref<5120xf32, #tpu.memory_space<vmem>>, vector<16xf32>,
      tpu.vector_store %arg19[%swap3A], %mul3A_128 {strides = array<i32>} : memref<5120xf32, #tpu.memory_space<vmem>>, vector<16xf32>,
      %scan3A_130 = arith.constant 0 : i32
      scf.yield %scan3A_130 : i32
    }
    %scan3A_74 = arith.constant 320 : i32
    "tpu.region"() ({
      %run_scoped3A = tpu.sem_alloc : memref<!tpu.dma_semaphore, #tpu.memory_space<semaphore_mem>>
      %dma_start3A = arith.constant 0 : i32
      %dma_start3A_119 = tpu.memref_slice %arg30[%dma_start3A] : memref<10240xf32, #tpu.memory_space<vmem_shared>> -> memref<10240xf32, #tpu.memory_space<vmem_shared>>
      tpu.enqueue_indirect_dma source(%arg19 : memref<5120xf32, #tpu.memory_space<vmem>>) target(%dma_start3A_119 : memref<10240xf32, #tpu.memory_space<vmem_shared>>) offsets(%arg14 : memref<5120xi32, #tpu.memory_space<vmem>>) semaphore(%run_scoped3A : memref<!tpu.dma_semaphore, #tpu.memory_space<semaphore_mem>>) {add = true}
      %dma_wait3A = arith.constant 0 : i32
      %dma_wait3A_120 = tpu.memref_slice %arg30[%dma_wait3A] : memref<10240xf32, #tpu.memory_space<vmem_shared>> -> memref<10240xf32, #tpu.memory_space<vmem_shared>>
      tpu.wait_indirect_dma semaphore(%run_scoped3A : memref<!tpu.dma_semaphore, #tpu.memory_space<semaphore_mem>>) src(%arg19 : memref<5120xf32, #tpu.memory_space<vmem>>) dst(%dma_wait3A_120 : memref<10240xf32, #tpu.memory_space<vmem_shared>>)
      tpu.yield
    }) : () -> ()
    %scan3A_75 = arith.constant 40960 : i32
    %scan3A_76 = arith.constant 0 : i32
    %scan3A_77 = arith.constant 0 : i32
    %scan3A_78 = arith.constant 320 : i32
    %scan3A_79 = arith.addi %scan3A_77, %scan3A_78 : i32
    %scan3A_80 = arith.constant 1 : i32
    %scan3A_81 = scf.for %scan3A_119 = %scan3A_77 to %scan3A_79 step %scan3A_80 iter_args(%scan3A_120 = %scan3A_76) -> (i32)  : i32 {
      %mul3A_121 = arith.constant 16 : i32
      %mul3A_122 = arith.muli %scan3A_119, %mul3A_121 : i32
      %get3A = arith.index_cast %mul3A_122 : i32 to index
      %get3A_123 = tpu.vector_load %arg17[%get3A] {strides = array<i32>} : memref<5120xf32, #tpu.memory_space<vmem>>, vector<16xf32>,
      %get3A_124 = arith.index_cast %mul3A_122 : i32 to index
      %get3A_125 = tpu.vector_load %arg13[%get3A_124] {strides = array<i32>} : memref<5120xi32, #tpu.memory_space<vmem>>, vector<16xi32>,
      %add3A_126 = vector.broadcast %scan3A_75 : i32 to vector<16xi32>
      %add3A_127 = arith.addi %get3A_125, %add3A_126 : vector<16xi32>
      %gather3A = tpu.vector_load_idx %arg22[%add3A_127] : memref<51200xf32, #tpu.memory_space<vmem>>[vector<16xi32>], vector<16xf32>,
      %mul3A_128 = arith.mulf %get3A_123, %gather3A : vector<16xf32>
      %swap3A = arith.index_cast %mul3A_122 : i32 to index
      %swap3A_129 = tpu.vector_load %arg19[%swap3A] {strides = array<i32>} : memref<5120xf32, #tpu.memory_space<vmem>>, vector<16xf32>,
      tpu.vector_store %arg19[%swap3A], %mul3A_128 {strides = array<i32>} : memref<5120xf32, #tpu.memory_space<vmem>>, vector<16xf32>,
      %scan3A_130 = arith.constant 0 : i32
      scf.yield %scan3A_130 : i32
    }
    %scan3A_82 = arith.constant 320 : i32
    "tpu.region"() ({
      %run_scoped3A = tpu.sem_alloc : memref<!tpu.dma_semaphore, #tpu.memory_space<semaphore_mem>>
      %dma_start3A = arith.constant 0 : i32
      %dma_start3A_119 = tpu.memref_slice %arg31[%dma_start3A] : memref<10240xf32, #tpu.memory_space<vmem_shared>> -> memref<10240xf32, #tpu.memory_space<vmem_shared>>
      tpu.enqueue_indirect_dma source(%arg19 : memref<5120xf32, #tpu.memory_space<vmem>>) target(%dma_start3A_119 : memref<10240xf32, #tpu.memory_space<vmem_shared>>) offsets(%arg14 : memref<5120xi32, #tpu.memory_space<vmem>>) semaphore(%run_scoped3A : memref<!tpu.dma_semaphore, #tpu.memory_space<semaphore_mem>>) {add = true}
      %dma_wait3A = arith.constant 0 : i32
      %dma_wait3A_120 = tpu.memref_slice %arg31[%dma_wait3A] : memref<10240xf32, #tpu.memory_space<vmem_shared>> -> memref<10240xf32, #tpu.memory_space<vmem_shared>>
      tpu.wait_indirect_dma semaphore(%run_scoped3A : memref<!tpu.dma_semaphore, #tpu.memory_space<semaphore_mem>>) src(%arg19 : memref<5120xf32, #tpu.memory_space<vmem>>) dst(%dma_wait3A_120 : memref<10240xf32, #tpu.memory_space<vmem_shared>>)
      tpu.yield
    }) : () -> ()
    %barrier3A_83 = arith.constant 0 : index
    tpu.barrier barrier_id(%barrier3A_83)
    %mul3A_84 = arith.constant 5 : i32
    %mul3A_85 = arith.muli %arg0, %mul3A_84 : i32
    %add3A_86 = arith.constant 0 : i32
    %add3A_87 = arith.addi %mul3A_85, %add3A_86 : i32
    %mul3A_88 = arith.constant 10240 : i32
    %mul3A_89 = arith.muli %add3A_87, %mul3A_88 : i32
    %add3A_90 = arith.addi %mul3A_89, %mul3A_2 : i32
    "tpu.region"() ({
      %run_scoped3A = tpu.sem_alloc : memref<!tpu.dma_semaphore, #tpu.memory_space<semaphore_mem>>
      %dma_start3A = tpu.memref_slice %arg9[%add3A_90] : memref<102400xf32, #tpu.memory_space<hbm>> -> memref<640xf32, #tpu.memory_space<hbm>>
      %dma_start3A_119 = tpu.memref_slice %arg27[%mul3A_2] : memref<10240xf32, #tpu.memory_space<vmem_shared>> -> memref<640xf32, #tpu.memory_space<vmem_shared>>
      tpu.enqueue_dma source(%dma_start3A_119 : memref<640xf32, #tpu.memory_space<vmem_shared>>) target(%dma_start3A : memref<640xf32, #tpu.memory_space<hbm>>) target_semaphore(%run_scoped3A : memref<!tpu.dma_semaphore, #tpu.memory_space<semaphore_mem>>)
      %dma_wait3A = tpu.memref_slice %arg9[%add3A_90] : memref<102400xf32, #tpu.memory_space<hbm>> -> memref<640xf32, #tpu.memory_space<hbm>>
      %dma_wait3A_120 = tpu.memref_slice %arg27[%mul3A_2] : memref<10240xf32, #tpu.memory_space<vmem_shared>> -> memref<640xf32, #tpu.memory_space<vmem_shared>>
      tpu.wait_dma2 semaphore(%run_scoped3A : memref<!tpu.dma_semaphore, #tpu.memory_space<semaphore_mem>>) src(%dma_wait3A_120 : memref<640xf32, #tpu.memory_space<vmem_shared>>) dst(%dma_wait3A : memref<640xf32, #tpu.memory_space<hbm>>)
      tpu.yield
    }) : () -> ()
    %mul3A_91 = arith.constant 5 : i32
    %mul3A_92 = arith.muli %arg0, %mul3A_91 : i32
    %add3A_93 = arith.constant 1 : i32
    %add3A_94 = arith.addi %mul3A_92, %add3A_93 : i32
    %mul3A_95 = arith.constant 10240 : i32
    %mul3A_96 = arith.muli %add3A_94, %mul3A_95 : i32
    %add3A_97 = arith.addi %mul3A_96, %mul3A_2 : i32
    "tpu.region"() ({
      %run_scoped3A = tpu.sem_alloc : memref<!tpu.dma_semaphore, #tpu.memory_space<semaphore_mem>>
      %dma_start3A = tpu.memref_slice %arg9[%add3A_97] : memref<102400xf32, #tpu.memory_space<hbm>> -> memref<640xf32, #tpu.memory_space<hbm>>
      %dma_start3A_119 = tpu.memref_slice %arg28[%mul3A_2] : memref<10240xf32, #tpu.memory_space<vmem_shared>> -> memref<640xf32, #tpu.memory_space<vmem_shared>>
      tpu.enqueue_dma source(%dma_start3A_119 : memref<640xf32, #tpu.memory_space<vmem_shared>>) target(%dma_start3A : memref<640xf32, #tpu.memory_space<hbm>>) target_semaphore(%run_scoped3A : memref<!tpu.dma_semaphore, #tpu.memory_space<semaphore_mem>>)
      %dma_wait3A = tpu.memref_slice %arg9[%add3A_97] : memref<102400xf32, #tpu.memory_space<hbm>> -> memref<640xf32, #tpu.memory_space<hbm>>
      %dma_wait3A_120 = tpu.memref_slice %arg28[%mul3A_2] : memref<10240xf32, #tpu.memory_space<vmem_shared>> -> memref<640xf32, #tpu.memory_space<vmem_shared>>
      tpu.wait_dma2 semaphore(%run_scoped3A : memref<!tpu.dma_semaphore, #tpu.memory_space<semaphore_mem>>) src(%dma_wait3A_120 : memref<640xf32, #tpu.memory_space<vmem_shared>>) dst(%dma_wait3A : memref<640xf32, #tpu.memory_space<hbm>>)
      tpu.yield
    }) : () -> ()
    %mul3A_98 = arith.constant 5 : i32
    %mul3A_99 = arith.muli %arg0, %mul3A_98 : i32
    %add3A_100 = arith.constant 2 : i32
    %add3A_101 = arith.addi %mul3A_99, %add3A_100 : i32
    %mul3A_102 = arith.constant 10240 : i32
    %mul3A_103 = arith.muli %add3A_101, %mul3A_102 : i32
    %add3A_104 = arith.addi %mul3A_103, %mul3A_2 : i32
    "tpu.region"() ({
      %run_scoped3A = tpu.sem_alloc : memref<!tpu.dma_semaphore, #tpu.memory_space<semaphore_mem>>
      %dma_start3A = tpu.memref_slice %arg9[%add3A_104] : memref<102400xf32, #tpu.memory_space<hbm>> -> memref<640xf32, #tpu.memory_space<hbm>>
      %dma_start3A_119 = tpu.memref_slice %arg29[%mul3A_2] : memref<10240xf32, #tpu.memory_space<vmem_shared>> -> memref<640xf32, #tpu.memory_space<vmem_shared>>
      tpu.enqueue_dma source(%dma_start3A_119 : memref<640xf32, #tpu.memory_space<vmem_shared>>) target(%dma_start3A : memref<640xf32, #tpu.memory_space<hbm>>) target_semaphore(%run_scoped3A : memref<!tpu.dma_semaphore, #tpu.memory_space<semaphore_mem>>)
      %dma_wait3A = tpu.memref_slice %arg9[%add3A_104] : memref<102400xf32, #tpu.memory_space<hbm>> -> memref<640xf32, #tpu.memory_space<hbm>>
      %dma_wait3A_120 = tpu.memref_slice %arg29[%mul3A_2] : memref<10240xf32, #tpu.memory_space<vmem_shared>> -> memref<640xf32, #tpu.memory_space<vmem_shared>>
      tpu.wait_dma2 semaphore(%run_scoped3A : memref<!tpu.dma_semaphore, #tpu.memory_space<semaphore_mem>>) src(%dma_wait3A_120 : memref<640xf32, #tpu.memory_space<vmem_shared>>) dst(%dma_wait3A : memref<640xf32, #tpu.memory_space<hbm>>)
      tpu.yield
    }) : () -> ()
    %mul3A_105 = arith.constant 5 : i32
    %mul3A_106 = arith.muli %arg0, %mul3A_105 : i32
    %add3A_107 = arith.constant 3 : i32
    %add3A_108 = arith.addi %mul3A_106, %add3A_107 : i32
    %mul3A_109 = arith.constant 10240 : i32
    %mul3A_110 = arith.muli %add3A_108, %mul3A_109 : i32
    %add3A_111 = arith.addi %mul3A_110, %mul3A_2 : i32
    "tpu.region"() ({
      %run_scoped3A = tpu.sem_alloc : memref<!tpu.dma_semaphore, #tpu.memory_space<semaphore_mem>>
      %dma_start3A = tpu.memref_slice %arg9[%add3A_111] : memref<102400xf32, #tpu.memory_space<hbm>> -> memref<640xf32, #tpu.memory_space<hbm>>
      %dma_start3A_119 = tpu.memref_slice %arg30[%mul3A_2] : memref<10240xf32, #tpu.memory_space<vmem_shared>> -> memref<640xf32, #tpu.memory_space<vmem_shared>>
      tpu.enqueue_dma source(%dma_start3A_119 : memref<640xf32, #tpu.memory_space<vmem_shared>>) target(%dma_start3A : memref<640xf32, #tpu.memory_space<hbm>>) target_semaphore(%run_scoped3A : memref<!tpu.dma_semaphore, #tpu.memory_space<semaphore_mem>>)
      %dma_wait3A = tpu.memref_slice %arg9[%add3A_111] : memref<102400xf32, #tpu.memory_space<hbm>> -> memref<640xf32, #tpu.memory_space<hbm>>
      %dma_wait3A_120 = tpu.memref_slice %arg30[%mul3A_2] : memref<10240xf32, #tpu.memory_space<vmem_shared>> -> memref<640xf32, #tpu.memory_space<vmem_shared>>
      tpu.wait_dma2 semaphore(%run_scoped3A : memref<!tpu.dma_semaphore, #tpu.memory_space<semaphore_mem>>) src(%dma_wait3A_120 : memref<640xf32, #tpu.memory_space<vmem_shared>>) dst(%dma_wait3A : memref<640xf32, #tpu.memory_space<hbm>>)
      tpu.yield
    }) : () -> ()
    %mul3A_112 = arith.constant 5 : i32
    %mul3A_113 = arith.muli %arg0, %mul3A_112 : i32
    %add3A_114 = arith.constant 4 : i32
    %add3A_115 = arith.addi %mul3A_113, %add3A_114 : i32
    %mul3A_116 = arith.constant 10240 : i32
    %mul3A_117 = arith.muli %add3A_115, %mul3A_116 : i32
    %add3A_118 = arith.addi %mul3A_117, %mul3A_2 : i32
    "tpu.region"() ({
      %run_scoped3A = tpu.sem_alloc : memref<!tpu.dma_semaphore, #tpu.memory_space<semaphore_mem>>
      %dma_start3A = tpu.memref_slice %arg9[%add3A_118] : memref<102400xf32, #tpu.memory_space<hbm>> -> memref<640xf32, #tpu.memory_space<hbm>>
      %dma_start3A_119 = tpu.memref_slice %arg31[%mul3A_2] : memref<10240xf32, #tpu.memory_space<vmem_shared>> -> memref<640xf32, #tpu.memory_space<vmem_shared>>
      tpu.enqueue_dma source(%dma_start3A_119 : memref<640xf32, #tpu.memory_space<vmem_shared>>) target(%dma_start3A : memref<640xf32, #tpu.memory_space<hbm>>) target_semaphore(%run_scoped3A : memref<!tpu.dma_semaphore, #tpu.memory_space<semaphore_mem>>)
      %dma_wait3A = tpu.memref_slice %arg9[%add3A_118] : memref<102400xf32, #tpu.memory_space<hbm>> -> memref<640xf32, #tpu.memory_space<hbm>>
      %dma_wait3A_120 = tpu.memref_slice %arg31[%mul3A_2] : memref<10240xf32, #tpu.memory_space<vmem_shared>> -> memref<640xf32, #tpu.memory_space<vmem_shared>>
      tpu.wait_dma2 semaphore(%run_scoped3A : memref<!tpu.dma_semaphore, #tpu.memory_space<semaphore_mem>>) src(%dma_wait3A_120 : memref<640xf32, #tpu.memory_space<vmem_shared>>) dst(%dma_wait3A : memref<640xf32, #tpu.memory_space<hbm>>)
      tpu.yield
    }) : () -> ()
    return
  }
}

#map = affine_map<(d0, d1) -> (0)>
module attributes {stable_mosaic.version = 14 : i64} {
  func.func @_sc_deg_body(%arg0: i32, %arg1: i32, %arg2: memref<163840xi32, #tpu.memory_space<hbm>>, %arg3: memref<163840xf32, #tpu.memory_space<hbm>>, %arg4: memref<163840xf32, #tpu.memory_space<hbm>>, %arg5: memref<20480xf32, #tpu.memory_space<hbm>>, %arg6: memref<20480xf32, #tpu.memory_space<hbm>>, %arg7: memref<5120xi32, #tpu.memory_space<vmem>>, %arg8: memref<5120xf32, #tpu.memory_space<vmem>>, %arg9: memref<5120xf32, #tpu.memory_space<vmem>>, %arg10: memref<640xf32, #tpu.memory_space<vmem>>, %arg11: memref<10240xf32, #tpu.memory_space<vmem_shared>>, %arg12: memref<10240xf32, #tpu.memory_space<vmem_shared>>) attributes {dimension_semantics = [#tpu.dimension_semantics<core_parallel>, #tpu.dimension_semantics<subcore_parallel>], iteration_bounds = array<i64: 2, 16>, scalar_prefetch = 0 : i64, scratch_operands = 6 : i64, tpu.core_type = #tpu.core_type<sc_vector_subcore>, window_params = [{transform_indices = #map}, {transform_indices = #map}, {transform_indices = #map}, {transform_indices = #map}, {transform_indices = #map}]} {
    %mul3A = arith.constant 16 : i32
    %mul3A_0 = arith.muli %arg0, %mul3A : i32
    %add3A = arith.addi %mul3A_0, %arg1 : i32
    %mul3A_1 = arith.constant 640 : i32
    %mul3A_2 = arith.muli %arg1, %mul3A_1 : i32
    %eq3A = arith.constant 0 : i32
    %eq3A_3 = arith.cmpi eq, %arg0, %eq3A : i32
    %jit3A = arith.constant 1.000000e+00 : f32
    %jit3A_4 = arith.constant 0.000000e+00 : f32
    %select_n3A = arith.select %eq3A_3, %jit3A, %jit3A_4 : f32
    %scan3A = arith.constant 0 : i32
    %scan3A_5 = arith.constant 0 : i32
    %scan3A_6 = arith.constant 40 : i32
    %scan3A_7 = arith.addi %scan3A_5, %scan3A_6 : i32
    %scan3A_8 = arith.constant 1 : i32
    %scan3A_9 = scf.for %scan3A_20 = %scan3A_5 to %scan3A_7 step %scan3A_8 iter_args(%scan3A_21 = %scan3A) -> (i32)  : i32 {
      %broadcast_in_dim3A = vector.broadcast %select_n3A : f32 to vector<16xf32>
      %mul3A_22 = arith.constant 16 : i32
      %mul3A_23 = arith.muli %scan3A_20, %mul3A_22 : i32
      %swap3A = arith.index_cast %mul3A_23 : i32 to index
      %swap3A_24 = tpu.vector_load %arg10[%swap3A] {strides = array<i32>} : memref<640xf32, #tpu.memory_space<vmem>>, vector<16xf32>,
      tpu.vector_store %arg10[%swap3A], %broadcast_in_dim3A {strides = array<i32>} : memref<640xf32, #tpu.memory_space<vmem>>, vector<16xf32>,
      %scan3A_25 = arith.constant 0 : i32
      scf.yield %scan3A_25 : i32
    }
    %scan3A_10 = arith.constant 40 : i32
    "tpu.region"() ({
      %run_scoped3A = tpu.sem_alloc : memref<!tpu.dma_semaphore, #tpu.memory_space<semaphore_mem>>
      %dma_start3A = tpu.memref_slice %arg11[%mul3A_2] : memref<10240xf32, #tpu.memory_space<vmem_shared>> -> memref<640xf32, #tpu.memory_space<vmem_shared>>
      %dma_start3A_20 = tpu.memref_slice %arg11[%mul3A_2] : memref<10240xf32, #tpu.memory_space<vmem_shared>> -> memref<640xf32, #tpu.memory_space<vmem_shared>>
      tpu.enqueue_dma source(%arg10 : memref<640xf32, #tpu.memory_space<vmem>>) target(%dma_start3A_20 : memref<640xf32, #tpu.memory_space<vmem_shared>>) target_semaphore(%run_scoped3A : memref<!tpu.dma_semaphore, #tpu.memory_space<semaphore_mem>>)
      %dma_wait3A = tpu.memref_slice %arg11[%mul3A_2] : memref<10240xf32, #tpu.memory_space<vmem_shared>> -> memref<640xf32, #tpu.memory_space<vmem_shared>>
      %dma_wait3A_21 = tpu.memref_slice %arg11[%mul3A_2] : memref<10240xf32, #tpu.memory_space<vmem_shared>> -> memref<640xf32, #tpu.memory_space<vmem_shared>>
      tpu.wait_dma2 semaphore(%run_scoped3A : memref<!tpu.dma_semaphore, #tpu.memory_space<semaphore_mem>>) src(%arg10 : memref<640xf32, #tpu.memory_space<vmem>>) dst(%dma_wait3A_21 : memref<640xf32, #tpu.memory_space<vmem_shared>>)
      tpu.yield
    }) : () -> ()
    "tpu.region"() ({
      %run_scoped3A = tpu.sem_alloc : memref<!tpu.dma_semaphore, #tpu.memory_space<semaphore_mem>>
      %dma_start3A = tpu.memref_slice %arg12[%mul3A_2] : memref<10240xf32, #tpu.memory_space<vmem_shared>> -> memref<640xf32, #tpu.memory_space<vmem_shared>>
      %dma_start3A_20 = tpu.memref_slice %arg12[%mul3A_2] : memref<10240xf32, #tpu.memory_space<vmem_shared>> -> memref<640xf32, #tpu.memory_space<vmem_shared>>
      tpu.enqueue_dma source(%arg10 : memref<640xf32, #tpu.memory_space<vmem>>) target(%dma_start3A_20 : memref<640xf32, #tpu.memory_space<vmem_shared>>) target_semaphore(%run_scoped3A : memref<!tpu.dma_semaphore, #tpu.memory_space<semaphore_mem>>)
      %dma_wait3A = tpu.memref_slice %arg12[%mul3A_2] : memref<10240xf32, #tpu.memory_space<vmem_shared>> -> memref<640xf32, #tpu.memory_space<vmem_shared>>
      %dma_wait3A_21 = tpu.memref_slice %arg12[%mul3A_2] : memref<10240xf32, #tpu.memory_space<vmem_shared>> -> memref<640xf32, #tpu.memory_space<vmem_shared>>
      tpu.wait_dma2 semaphore(%run_scoped3A : memref<!tpu.dma_semaphore, #tpu.memory_space<semaphore_mem>>) src(%arg10 : memref<640xf32, #tpu.memory_space<vmem>>) dst(%dma_wait3A_21 : memref<640xf32, #tpu.memory_space<vmem_shared>>)
      tpu.yield
    }) : () -> ()
    %barrier3A = arith.constant 0 : index
    tpu.barrier barrier_id(%barrier3A)
    %mul3A_11 = arith.constant 5120 : i32
    %mul3A_12 = arith.muli %add3A, %mul3A_11 : i32
    "tpu.region"() ({
      %run_scoped3A = tpu.sem_alloc : memref<!tpu.dma_semaphore, #tpu.memory_space<semaphore_mem>>
      %dma_start3A = tpu.memref_slice %arg2[%mul3A_12] : memref<163840xi32, #tpu.memory_space<hbm>> -> memref<5120xi32, #tpu.memory_space<hbm>>
      %dma_start3A_20 = tpu.memref_slice %arg2[%mul3A_12] : memref<163840xi32, #tpu.memory_space<hbm>> -> memref<5120xi32, #tpu.memory_space<hbm>>
      tpu.enqueue_dma source(%dma_start3A_20 : memref<5120xi32, #tpu.memory_space<hbm>>) target(%arg7 : memref<5120xi32, #tpu.memory_space<vmem>>) target_semaphore(%run_scoped3A : memref<!tpu.dma_semaphore, #tpu.memory_space<semaphore_mem>>)
      %dma_wait3A = tpu.memref_slice %arg2[%mul3A_12] : memref<163840xi32, #tpu.memory_space<hbm>> -> memref<5120xi32, #tpu.memory_space<hbm>>
      %dma_wait3A_21 = tpu.memref_slice %arg2[%mul3A_12] : memref<163840xi32, #tpu.memory_space<hbm>> -> memref<5120xi32, #tpu.memory_space<hbm>>
      tpu.wait_dma2 semaphore(%run_scoped3A : memref<!tpu.dma_semaphore, #tpu.memory_space<semaphore_mem>>) src(%dma_wait3A_21 : memref<5120xi32, #tpu.memory_space<hbm>>) dst(%arg7 : memref<5120xi32, #tpu.memory_space<vmem>>)
      tpu.yield
    }) : () -> ()
    "tpu.region"() ({
      %run_scoped3A = tpu.sem_alloc : memref<!tpu.dma_semaphore, #tpu.memory_space<semaphore_mem>>
      %dma_start3A = tpu.memref_slice %arg3[%mul3A_12] : memref<163840xf32, #tpu.memory_space<hbm>> -> memref<5120xf32, #tpu.memory_space<hbm>>
      %dma_start3A_20 = tpu.memref_slice %arg3[%mul3A_12] : memref<163840xf32, #tpu.memory_space<hbm>> -> memref<5120xf32, #tpu.memory_space<hbm>>
      tpu.enqueue_dma source(%dma_start3A_20 : memref<5120xf32, #tpu.memory_space<hbm>>) target(%arg8 : memref<5120xf32, #tpu.memory_space<vmem>>) target_semaphore(%run_scoped3A : memref<!tpu.dma_semaphore, #tpu.memory_space<semaphore_mem>>)
      %dma_wait3A = tpu.memref_slice %arg3[%mul3A_12] : memref<163840xf32, #tpu.memory_space<hbm>> -> memref<5120xf32, #tpu.memory_space<hbm>>
      %dma_wait3A_21 = tpu.memref_slice %arg3[%mul3A_12] : memref<163840xf32, #tpu.memory_space<hbm>> -> memref<5120xf32, #tpu.memory_space<hbm>>
      tpu.wait_dma2 semaphore(%run_scoped3A : memref<!tpu.dma_semaphore, #tpu.memory_space<semaphore_mem>>) src(%dma_wait3A_21 : memref<5120xf32, #tpu.memory_space<hbm>>) dst(%arg8 : memref<5120xf32, #tpu.memory_space<vmem>>)
      tpu.yield
    }) : () -> ()
    "tpu.region"() ({
      %run_scoped3A = tpu.sem_alloc : memref<!tpu.dma_semaphore, #tpu.memory_space<semaphore_mem>>
      %dma_start3A = arith.constant 0 : i32
      %dma_start3A_20 = tpu.memref_slice %arg11[%dma_start3A] : memref<10240xf32, #tpu.memory_space<vmem_shared>> -> memref<10240xf32, #tpu.memory_space<vmem_shared>>
      tpu.enqueue_indirect_dma source(%arg8 : memref<5120xf32, #tpu.memory_space<vmem>>) target(%dma_start3A_20 : memref<10240xf32, #tpu.memory_space<vmem_shared>>) offsets(%arg7 : memref<5120xi32, #tpu.memory_space<vmem>>) semaphore(%run_scoped3A : memref<!tpu.dma_semaphore, #tpu.memory_space<semaphore_mem>>) {add = true}
      %dma_wait3A = arith.constant 0 : i32
      %dma_wait3A_21 = tpu.memref_slice %arg11[%dma_wait3A] : memref<10240xf32, #tpu.memory_space<vmem_shared>> -> memref<10240xf32, #tpu.memory_space<vmem_shared>>
      tpu.wait_indirect_dma semaphore(%run_scoped3A : memref<!tpu.dma_semaphore, #tpu.memory_space<semaphore_mem>>) src(%arg8 : memref<5120xf32, #tpu.memory_space<vmem>>) dst(%dma_wait3A_21 : memref<10240xf32, #tpu.memory_space<vmem_shared>>)
      tpu.yield
    }) : () -> ()
    "tpu.region"() ({
      %run_scoped3A = tpu.sem_alloc : memref<!tpu.dma_semaphore, #tpu.memory_space<semaphore_mem>>
      %dma_start3A = tpu.memref_slice %arg4[%mul3A_12] : memref<163840xf32, #tpu.memory_space<hbm>> -> memref<5120xf32, #tpu.memory_space<hbm>>
      %dma_start3A_20 = tpu.memref_slice %arg4[%mul3A_12] : memref<163840xf32, #tpu.memory_space<hbm>> -> memref<5120xf32, #tpu.memory_space<hbm>>
      tpu.enqueue_dma source(%dma_start3A_20 : memref<5120xf32, #tpu.memory_space<hbm>>) target(%arg9 : memref<5120xf32, #tpu.memory_space<vmem>>) target_semaphore(%run_scoped3A : memref<!tpu.dma_semaphore, #tpu.memory_space<semaphore_mem>>)
      %dma_wait3A = tpu.memref_slice %arg4[%mul3A_12] : memref<163840xf32, #tpu.memory_space<hbm>> -> memref<5120xf32, #tpu.memory_space<hbm>>
      %dma_wait3A_21 = tpu.memref_slice %arg4[%mul3A_12] : memref<163840xf32, #tpu.memory_space<hbm>> -> memref<5120xf32, #tpu.memory_space<hbm>>
      tpu.wait_dma2 semaphore(%run_scoped3A : memref<!tpu.dma_semaphore, #tpu.memory_space<semaphore_mem>>) src(%dma_wait3A_21 : memref<5120xf32, #tpu.memory_space<hbm>>) dst(%arg9 : memref<5120xf32, #tpu.memory_space<vmem>>)
      tpu.yield
    }) : () -> ()
    "tpu.region"() ({
      %run_scoped3A = tpu.sem_alloc : memref<!tpu.dma_semaphore, #tpu.memory_space<semaphore_mem>>
      %dma_start3A = arith.constant 0 : i32
      %dma_start3A_20 = tpu.memref_slice %arg12[%dma_start3A] : memref<10240xf32, #tpu.memory_space<vmem_shared>> -> memref<10240xf32, #tpu.memory_space<vmem_shared>>
      tpu.enqueue_indirect_dma source(%arg9 : memref<5120xf32, #tpu.memory_space<vmem>>) target(%dma_start3A_20 : memref<10240xf32, #tpu.memory_space<vmem_shared>>) offsets(%arg7 : memref<5120xi32, #tpu.memory_space<vmem>>) semaphore(%run_scoped3A : memref<!tpu.dma_semaphore, #tpu.memory_space<semaphore_mem>>) {add = true}
      %dma_wait3A = arith.constant 0 : i32
      %dma_wait3A_21 = tpu.memref_slice %arg12[%dma_wait3A] : memref<10240xf32, #tpu.memory_space<vmem_shared>> -> memref<10240xf32, #tpu.memory_space<vmem_shared>>
      tpu.wait_indirect_dma semaphore(%run_scoped3A : memref<!tpu.dma_semaphore, #tpu.memory_space<semaphore_mem>>) src(%arg9 : memref<5120xf32, #tpu.memory_space<vmem>>) dst(%dma_wait3A_21 : memref<10240xf32, #tpu.memory_space<vmem_shared>>)
      tpu.yield
    }) : () -> ()
    %barrier3A_13 = arith.constant 0 : index
    tpu.barrier barrier_id(%barrier3A_13)
    %mul3A_14 = arith.constant 10240 : i32
    %mul3A_15 = arith.muli %arg0, %mul3A_14 : i32
    %add3A_16 = arith.addi %mul3A_15, %mul3A_2 : i32
    "tpu.region"() ({
      %run_scoped3A = tpu.sem_alloc : memref<!tpu.dma_semaphore, #tpu.memory_space<semaphore_mem>>
      %dma_start3A = tpu.memref_slice %arg5[%add3A_16] : memref<20480xf32, #tpu.memory_space<hbm>> -> memref<640xf32, #tpu.memory_space<hbm>>
      %dma_start3A_20 = tpu.memref_slice %arg11[%mul3A_2] : memref<10240xf32, #tpu.memory_space<vmem_shared>> -> memref<640xf32, #tpu.memory_space<vmem_shared>>
      tpu.enqueue_dma source(%dma_start3A_20 : memref<640xf32, #tpu.memory_space<vmem_shared>>) target(%dma_start3A : memref<640xf32, #tpu.memory_space<hbm>>) target_semaphore(%run_scoped3A : memref<!tpu.dma_semaphore, #tpu.memory_space<semaphore_mem>>)
      %dma_wait3A = tpu.memref_slice %arg5[%add3A_16] : memref<20480xf32, #tpu.memory_space<hbm>> -> memref<640xf32, #tpu.memory_space<hbm>>
      %dma_wait3A_21 = tpu.memref_slice %arg11[%mul3A_2] : memref<10240xf32, #tpu.memory_space<vmem_shared>> -> memref<640xf32, #tpu.memory_space<vmem_shared>>
      tpu.wait_dma2 semaphore(%run_scoped3A : memref<!tpu.dma_semaphore, #tpu.memory_space<semaphore_mem>>) src(%dma_wait3A_21 : memref<640xf32, #tpu.memory_space<vmem_shared>>) dst(%dma_wait3A : memref<640xf32, #tpu.memory_space<hbm>>)
      tpu.yield
    }) : () -> ()
    %mul3A_17 = arith.constant 10240 : i32
    %mul3A_18 = arith.muli %arg0, %mul3A_17 : i32
    %add3A_19 = arith.addi %mul3A_18, %mul3A_2 : i32
    "tpu.region"() ({
      %run_scoped3A = tpu.sem_alloc : memref<!tpu.dma_semaphore, #tpu.memory_space<semaphore_mem>>
      %dma_start3A = tpu.memref_slice %arg6[%add3A_19] : memref<20480xf32, #tpu.memory_space<hbm>> -> memref<640xf32, #tpu.memory_space<hbm>>
      %dma_start3A_20 = tpu.memref_slice %arg12[%mul3A_2] : memref<10240xf32, #tpu.memory_space<vmem_shared>> -> memref<640xf32, #tpu.memory_space<vmem_shared>>
      tpu.enqueue_dma source(%dma_start3A_20 : memref<640xf32, #tpu.memory_space<vmem_shared>>) target(%dma_start3A : memref<640xf32, #tpu.memory_space<hbm>>) target_semaphore(%run_scoped3A : memref<!tpu.dma_semaphore, #tpu.memory_space<semaphore_mem>>)
      %dma_wait3A = tpu.memref_slice %arg6[%add3A_19] : memref<20480xf32, #tpu.memory_space<hbm>> -> memref<640xf32, #tpu.memory_space<hbm>>
      %dma_wait3A_21 = tpu.memref_slice %arg12[%mul3A_2] : memref<10240xf32, #tpu.memory_space<vmem_shared>> -> memref<640xf32, #tpu.memory_space<vmem_shared>>
      tpu.wait_dma2 semaphore(%run_scoped3A : memref<!tpu.dma_semaphore, #tpu.memory_space<semaphore_mem>>) src(%dma_wait3A_21 : memref<640xf32, #tpu.memory_space<vmem_shared>>) dst(%dma_wait3A : memref<640xf32, #tpu.memory_space<hbm>>)
      tpu.yield
    }) : () -> ()
    return
  }
}

module attributes {stable_mosaic.version = 14 : i64} {
  func.func @_edge_w_body(%arg0: i32, %arg1: memref<16384x16xf32, #tpu.memory_space<vmem>>, %arg2: memref<16x10xf32, #tpu.memory_space<vmem>>, %arg3: memref<10x1xf32, #tpu.memory_space<vmem>>, %arg4: memref<10x2xf32, #tpu.memory_space<vmem>>, %arg5: memref<2x1xf32, #tpu.memory_space<vmem>>, %arg6: memref<1x16384xf32, #tpu.memory_space<vmem>>, %arg7: memref<1x16384xf32, #tpu.memory_space<vmem>>) attributes {dimension_semantics = [#tpu.dimension_semantics<arbitrary>], iteration_bounds = array<i64: 10>, scalar_prefetch = 0 : i64, scratch_operands = 0 : i64, tpu.core_type = #tpu.core_type<tc>, window_params = [{transform_indices = @transform_0, window_bounds = array<i64: 16384, 16>}, {pipeline_mode = #tpu.pipeline_mode<synchronous>, transform_indices = @transform_1, window_bounds = array<i64: 16, 10>}, {pipeline_mode = #tpu.pipeline_mode<synchronous>, transform_indices = @transform_2, window_bounds = array<i64: 10, 1>}, {pipeline_mode = #tpu.pipeline_mode<synchronous>, transform_indices = @transform_3, window_bounds = array<i64: 10, 2>}, {pipeline_mode = #tpu.pipeline_mode<synchronous>, transform_indices = @transform_4, window_bounds = array<i64: 2, 1>}, {transform_indices = @transform_5, window_bounds = array<i64: 1, 16384>}, {transform_indices = @transform_6, window_bounds = array<i64: 1, 16384>}]} {
    %mul3A = arith.constant 16384 : i32
    %mul3A_0 = arith.muli %arg0, %mul3A : i32
    %iota3A = tpu.iota {dimensions = array<i32: 1>} : vector<1x16384xi32>
    %add3A = vector.broadcast %mul3A_0 : i32 to vector<1x16384xi32>
    %add3A_1 = arith.addi %add3A, %iota3A : vector<1x16384xi32>
    %lt3A = arith.constant 160000 : i32
    %lt3A_2 = vector.broadcast %lt3A : i32 to vector<1x16384xi32>
    %lt3A_3 = arith.cmpi slt, %add3A_1, %lt3A_2 : vector<1x16384xi32>
    %get3A = arith.constant 0 : index
    %get3A_4 = arith.constant 0 : index
    %get3A_5 = vector.load %arg2[%get3A, %get3A_4] : memref<16x10xf32, #tpu.memory_space<vmem>>, vector<16x10xf32>
    %get3A_6 = arith.constant 0 : index
    %get3A_7 = arith.constant 0 : index
    %get3A_8 = vector.load %arg1[%get3A_6, %get3A_7] : memref<16384x16xf32, #tpu.memory_space<vmem>>, vector<16384x16xf32>
    %dot_general3A = arith.constant dense<0.000000e+00> : vector<10x16384xf32>
    %dot_general3A_9 = tpu.matmul %get3A_5, %get3A_8, %dot_general3A {dimension_numbers = #tpu.dot_dimension_numbers<[0], [1], [1], [0], [0, 1, 1, 0], [], []>, transpose_lhs_hint = false} : vector<16x10xf32>, vector<16384x16xf32>, vector<10x16384xf32> -> vector<10x16384xf32>
    %get3A_10 = arith.constant 0 : index
    %get3A_11 = arith.constant 0 : index
    %get3A_12 = vector.load %arg3[%get3A_10, %get3A_11] : memref<10x1xf32, #tpu.memory_space<vmem>>, vector<10x1xf32>
    %add3A_13 = vector.broadcast %get3A_12 : vector<10x1xf32> to vector<10x16384xf32>
    %add3A_14 = arith.addf %dot_general3A_9, %add3A_13 : vector<10x16384xf32>
    %max3A = arith.constant 0.000000e+00 : f32
    %max3A_15 = vector.broadcast %max3A : f32 to vector<10x16384xf32>
    %max3A_16 = arith.maximumf %add3A_14, %max3A_15 : vector<10x16384xf32>
    %get3A_17 = arith.constant 0 : index
    %get3A_18 = arith.constant 0 : index
    %get3A_19 = vector.load %arg4[%get3A_17, %get3A_18] : memref<10x2xf32, #tpu.memory_space<vmem>>, vector<10x2xf32>
    %dot_general3A_20 = arith.constant dense<0.000000e+00> : vector<2x16384xf32>
    %dot_general3A_21 = tpu.matmul %get3A_19, %max3A_16, %dot_general3A_20 {dimension_numbers = #tpu.dot_dimension_numbers<[0], [0], [1], [1], [0, 1, 1, 1], [], []>, transpose_lhs_hint = false} : vector<10x2xf32>, vector<10x16384xf32>, vector<2x16384xf32> -> vector<2x16384xf32>
    %get3A_22 = arith.constant 0 : index
    %get3A_23 = arith.constant 0 : index
    %get3A_24 = vector.load %arg5[%get3A_22, %get3A_23] : memref<2x1xf32, #tpu.memory_space<vmem>>, vector<2x1xf32>
    %add3A_25 = vector.broadcast %get3A_24 : vector<2x1xf32> to vector<2x16384xf32>
    %add3A_26 = arith.addf %dot_general3A_21, %add3A_25 : vector<2x16384xf32>
    %logistic3A = arith.negf %add3A_26 : vector<2x16384xf32>
    %logistic3A_27 = math.exp %logistic3A : vector<2x16384xf32>
    %logistic3A_28 = arith.constant 1.000000e+00 : f32
    %logistic3A_29 = vector.broadcast %logistic3A_28 : f32 to vector<2x16384xf32>
    %logistic3A_30 = arith.addf %logistic3A_29, %logistic3A_27 : vector<2x16384xf32>
    %logistic3A_31 = arith.divf %logistic3A_29, %logistic3A_30 : vector<2x16384xf32>
    %slice3A = vector.extract_strided_slice %logistic3A_31 {offsets = [0, 0], sizes = [1, 16384], strides = [1, 1]} : vector<2x16384xf32> to vector<1x16384xf32>
    %jit3A = arith.constant 0.000000e+00 : f32
    %broadcast_in_dim3A = vector.broadcast %jit3A : f32 to vector<1x16384xf32>
    %select_n3A = arith.select %lt3A_3, %slice3A, %broadcast_in_dim3A : vector<1x16384xi1>, vector<1x16384xf32>
    %swap3A = arith.constant 0 : index
    %swap3A_32 = arith.constant 0 : index
    %swap3A_33 = vector.load %arg6[%swap3A, %swap3A_32] : memref<1x16384xf32, #tpu.memory_space<vmem>>, vector<1x16384xf32>
    tpu.vector_store %arg6[%swap3A, %swap3A_32], %select_n3A {strides = array<i32>} : memref<1x16384xf32, #tpu.memory_space<vmem>>, vector<1x16384xf32>,
    %slice3A_34 = vector.extract_strided_slice %logistic3A_31 {offsets = [1, 0], sizes = [1, 16384], strides = [1, 1]} : vector<2x16384xf32> to vector<1x16384xf32>
    %jit3A_35 = arith.constant 0.000000e+00 : f32
    %broadcast_in_dim3A_36 = vector.broadcast %jit3A_35 : f32 to vector<1x16384xf32>
    %select_n3A_37 = arith.select %lt3A_3, %slice3A_34, %broadcast_in_dim3A_36 : vector<1x16384xi1>, vector<1x16384xf32>
    %swap3A_38 = arith.constant 0 : index
    %swap3A_39 = arith.constant 0 : index
    %swap3A_40 = vector.load %arg7[%swap3A_38, %swap3A_39] : memref<1x16384xf32, #tpu.memory_space<vmem>>, vector<1x16384xf32>
    tpu.vector_store %arg7[%swap3A_38, %swap3A_39], %select_n3A_37 {strides = array<i32>} : memref<1x16384xf32, #tpu.memory_space<vmem>>, vector<1x16384xf32>,
    return
  }
  func.func @transform_0(%arg0: i32) -> (i32, i32) {
    %c0_i32 = arith.constant 0 : i32
    %c0_i32_0 = arith.constant 0 : i32
    return %arg0, %c0_i32 : i32, i32
  }
  func.func @transform_1(%arg0: i32) -> (i32, i32) {
    %c0_i32 = arith.constant 0 : i32
    %c0_i32_0 = arith.constant 0 : i32
    %c0_i32_1 = arith.constant 0 : i32
    return %c0_i32, %c0_i32_0 : i32, i32
  }
  func.func @transform_2(%arg0: i32) -> (i32, i32) {
    %c0_i32 = arith.constant 0 : i32
    %c0_i32_0 = arith.constant 0 : i32
    %c0_i32_1 = arith.constant 0 : i32
    return %c0_i32, %c0_i32_0 : i32, i32
  }
  func.func @transform_3(%arg0: i32) -> (i32, i32) {
    %c0_i32 = arith.constant 0 : i32
    %c0_i32_0 = arith.constant 0 : i32
    %c0_i32_1 = arith.constant 0 : i32
    return %c0_i32, %c0_i32_0 : i32, i32
  }
  func.func @transform_4(%arg0: i32) -> (i32, i32) {
    %c0_i32 = arith.constant 0 : i32
    %c0_i32_0 = arith.constant 0 : i32
    %c0_i32_1 = arith.constant 0 : i32
    return %c0_i32, %c0_i32_0 : i32, i32
  }
  func.func @transform_5(%arg0: i32) -> (i32, i32) {
    %c0_i32 = arith.constant 0 : i32
    %c0_i32_0 = arith.constant 0 : i32
    return %c0_i32, %arg0 : i32, i32
  }
  func.func @transform_6(%arg0: i32) -> (i32, i32) {
    %c0_i32 = arith.constant 0 : i32
    %c0_i32_0 = arith.constant 0 : i32
    return %c0_i32, %arg0 : i32, i32
  }
}

module attributes {stable_mosaic.version = 14 : i64} {
  func.func @_xl1_body(%arg0: i32, %arg1: memref<1024x256xf32, #tpu.memory_space<vmem>>, %arg2: memref<256x5xf32, #tpu.memory_space<vmem>>, %arg3: memref<5x1024xf32, #tpu.memory_space<vmem>>) attributes {dimension_semantics = [#tpu.dimension_semantics<arbitrary>], iteration_bounds = array<i64: 10>, scalar_prefetch = 0 : i64, scratch_operands = 0 : i64, tpu.core_type = #tpu.core_type<tc>, window_params = [{transform_indices = @transform_0, window_bounds = array<i64: 1024, 256>}, {pipeline_mode = #tpu.pipeline_mode<synchronous>, transform_indices = @transform_1, window_bounds = array<i64: 256, 5>}, {transform_indices = @transform_2, window_bounds = array<i64: 5, 1024>}]} {
    %mul3A = arith.constant 1024 : i32
    %mul3A_0 = arith.muli %arg0, %mul3A : i32
    %iota3A = tpu.iota {dimensions = array<i32: 1>} : vector<1x1024xi32>
    %add3A = vector.broadcast %mul3A_0 : i32 to vector<1x1024xi32>
    %add3A_1 = arith.addi %add3A, %iota3A : vector<1x1024xi32>
    %get3A = arith.constant 0 : index
    %get3A_2 = arith.constant 0 : index
    %get3A_3 = vector.load %arg2[%get3A, %get3A_2] : memref<256x5xf32, #tpu.memory_space<vmem>>, vector<256x5xf32>
    %get3A_4 = arith.constant 0 : index
    %get3A_5 = arith.constant 0 : index
    %get3A_6 = vector.load %arg1[%get3A_4, %get3A_5] : memref<1024x256xf32, #tpu.memory_space<vmem>>, vector<1024x256xf32>
    %dot_general3A = arith.constant dense<0.000000e+00> : vector<5x1024xf32>
    %dot_general3A_7 = tpu.matmul %get3A_3, %get3A_6, %dot_general3A {dimension_numbers = #tpu.dot_dimension_numbers<[0], [1], [1], [0], [0, 1, 1, 0], [], []>, precision = #tpu.contract_precision<fp32>, transpose_lhs_hint = false} : vector<256x5xf32>, vector<1024x256xf32>, vector<5x1024xf32> -> vector<5x1024xf32>
    %lt3A = arith.constant 10000 : i32
    %lt3A_8 = vector.broadcast %lt3A : i32 to vector<1x1024xi32>
    %lt3A_9 = arith.cmpi slt, %add3A_1, %lt3A_8 : vector<1x1024xi32>
    %jit3A = arith.constant 0.000000e+00 : f32
    %broadcast_in_dim3A = vector.shape_cast %lt3A_9 : vector<1x1024xi1> to vector<1x1024xi1>
    %broadcast_in_dim3A_10 = vector.broadcast %broadcast_in_dim3A : vector<1x1024xi1> to vector<5x1024xi1>
    %broadcast_in_dim3A_11 = vector.broadcast %jit3A : f32 to vector<5x1024xf32>
    %select_n3A = arith.select %broadcast_in_dim3A_10, %dot_general3A_7, %broadcast_in_dim3A_11 : vector<5x1024xi1>, vector<5x1024xf32>
    %swap3A = arith.constant 0 : index
    %swap3A_12 = arith.constant 0 : index
    %swap3A_13 = vector.load %arg3[%swap3A, %swap3A_12] : memref<5x1024xf32, #tpu.memory_space<vmem>>, vector<5x1024xf32>
    tpu.vector_store %arg3[%swap3A, %swap3A_12], %select_n3A {strides = array<i32>} : memref<5x1024xf32, #tpu.memory_space<vmem>>, vector<5x1024xf32>,
    return
  }
  func.func @transform_0(%arg0: i32) -> (i32, i32) {
    %c0_i32 = arith.constant 0 : i32
    %c0_i32_0 = arith.constant 0 : i32
    return %arg0, %c0_i32 : i32, i32
  }
  func.func @transform_1(%arg0: i32) -> (i32, i32) {
    %c0_i32 = arith.constant 0 : i32
    %c0_i32_0 = arith.constant 0 : i32
    %c0_i32_1 = arith.constant 0 : i32
    return %c0_i32, %c0_i32_0 : i32, i32
  }
  func.func @transform_2(%arg0: i32) -> (i32, i32) {
    %c0_i32 = arith.constant 0 : i32
    %c0_i32_0 = arith.constant 0 : i32
    return %c0_i32, %arg0 : i32, i32
  }
}

module attributes {stable_mosaic.version = 14 : i64} {
  func.func @_mid_body(%arg0: memref<2x5x10240xf32, #tpu.memory_space<vmem>>, %arg1: memref<1x10240xf32, #tpu.memory_space<vmem>>, %arg2: memref<5x10240xf32, #tpu.memory_space<vmem>>, %arg3: memref<1x10240xi32, #tpu.memory_space<vmem>>, %arg4: memref<5x1xf32, #tpu.memory_space<vmem>>, %arg5: memref<5x1xf32, #tpu.memory_space<vmem>>, %arg6: memref<5x1xf32, #tpu.memory_space<vmem>>, %arg7: memref<5x1xf32, #tpu.memory_space<vmem>>, %arg8: memref<5x1xf32, #tpu.memory_space<vmem>>, %arg9: memref<1x10240xf32, #tpu.memory_space<vmem>>) attributes {dimension_semantics = [], scalar_prefetch = 0 : i64, scratch_operands = 0 : i64, tpu.core_type = #tpu.core_type<tc>} {
    %get3A = arith.constant 0 : index
    %get3A_0 = arith.constant 0 : index
    %get3A_1 = arith.constant 0 : index
    %get3A_2 = vector.load %arg0[%get3A, %get3A_0, %get3A_1] : memref<2x5x10240xf32, #tpu.memory_space<vmem>>, vector<1x5x10240xf32>
    %get3A_3 = vector.shape_cast %get3A_2 : vector<1x5x10240xf32> to vector<5x10240xf32>
    %get3A_4 = arith.constant 1 : index
    %get3A_5 = arith.constant 0 : index
    %get3A_6 = arith.constant 0 : index
    %get3A_7 = vector.load %arg0[%get3A_4, %get3A_5, %get3A_6] : memref<2x5x10240xf32, #tpu.memory_space<vmem>>, vector<1x5x10240xf32>
    %get3A_8 = vector.shape_cast %get3A_7 : vector<1x5x10240xf32> to vector<5x10240xf32>
    %add3A = arith.addf %get3A_3, %get3A_8 : vector<5x10240xf32>
    %get3A_9 = arith.constant 0 : index
    %get3A_10 = arith.constant 0 : index
    %get3A_11 = vector.load %arg1[%get3A_9, %get3A_10] : memref<1x10240xf32, #tpu.memory_space<vmem>>, vector<1x10240xf32>
    %rsqrt3A = math.rsqrt %get3A_11 : vector<1x10240xf32>
    %mul3A = vector.broadcast %rsqrt3A : vector<1x10240xf32> to vector<5x10240xf32>
    %mul3A_12 = arith.mulf %add3A, %mul3A : vector<5x10240xf32>
    %get3A_13 = arith.constant 0 : index
    %get3A_14 = arith.constant 0 : index
    %get3A_15 = vector.load %arg2[%get3A_13, %get3A_14] : memref<5x10240xf32, #tpu.memory_space<vmem>>, vector<5x10240xf32>
    %get3A_16 = arith.constant 0 : index
    %get3A_17 = arith.constant 0 : index
    %get3A_18 = vector.load %arg1[%get3A_16, %get3A_17] : memref<1x10240xf32, #tpu.memory_space<vmem>>, vector<1x10240xf32>
    %div3A = vector.broadcast %get3A_18 : vector<1x10240xf32> to vector<5x10240xf32>
    %div3A_19 = arith.divf %get3A_15, %div3A : vector<5x10240xf32>
    %add3A_20 = arith.addf %mul3A_12, %div3A_19 : vector<5x10240xf32>
    %get3A_21 = arith.constant 0 : index
    %get3A_22 = arith.constant 0 : index
    %get3A_23 = vector.load %arg4[%get3A_21, %get3A_22] : memref<5x1xf32, #tpu.memory_space<vmem>>, vector<5x1xf32>
    %add3A_24 = vector.broadcast %get3A_23 : vector<5x1xf32> to vector<5x10240xf32>
    %add3A_25 = arith.addf %add3A_20, %add3A_24 : vector<5x10240xf32>
    %iota3A = tpu.iota {dimensions = array<i32: 0>} : vector<64x10240xi32>
    %get3A_26 = arith.constant 0 : index
    %get3A_27 = arith.constant 0 : index
    %get3A_28 = vector.load %arg3[%get3A_26, %get3A_27] : memref<1x10240xi32, #tpu.memory_space<vmem>>, vector<1x10240xi32>
    %eq3A = vector.broadcast %get3A_28 : vector<1x10240xi32> to vector<64x10240xi32>
    %eq3A_29 = arith.cmpi eq, %iota3A, %eq3A : vector<64x10240xi32>
    %convert_element_type3A = arith.extui %eq3A_29 : vector<64x10240xi1> to vector<64x10240xi32>
    %convert_element_type3A_30 = arith.sitofp %convert_element_type3A : vector<64x10240xi32> to vector<64x10240xf32>
    %reduce_sum3A = arith.constant dense<0.000000e+00> : vector<64xf32>
    %reduce_sum3A_31 = vector.multi_reduction <add>, %convert_element_type3A_30, %reduce_sum3A [1] : vector<64x10240xf32> to vector<64xf32>
    %max3A = arith.constant 1.000000e+00 : f32
    %max3A_32 = vector.broadcast %max3A : f32 to vector<64xf32>
    %max3A_33 = arith.maximumf %reduce_sum3A_31, %max3A_32 : vector<64xf32>
    %broadcast_in_dim3A = vector.shape_cast %max3A_33 : vector<64xf32> to vector<1x64xf32>
    %dot_general3A = arith.constant dense<0.000000e+00> : vector<5x64xf32>
    %dot_general3A_34 = tpu.matmul %add3A_25, %convert_element_type3A_30, %dot_general3A {dimension_numbers = #tpu.dot_dimension_numbers<[1], [1], [0], [0], [0, 0, 1, 0], [], []>, transpose_lhs_hint = false} : vector<5x10240xf32>, vector<64x10240xf32>, vector<5x64xf32> -> vector<5x64xf32>
    %div3A_35 = vector.broadcast %broadcast_in_dim3A : vector<1x64xf32> to vector<5x64xf32>
    %div3A_36 = arith.divf %dot_general3A_34, %div3A_35 : vector<5x64xf32>
    %dot_general3A_37 = arith.constant dense<0.000000e+00> : vector<5x10240xf32>
    %dot_general3A_38 = tpu.matmul %div3A_36, %convert_element_type3A_30, %dot_general3A_37 {dimension_numbers = #tpu.dot_dimension_numbers<[1], [0], [0], [1], [0, 0, 1, 1], [], []>, transpose_lhs_hint = false} : vector<5x64xf32>, vector<64x10240xf32>, vector<5x10240xf32> -> vector<5x10240xf32>
    %get3A_39 = arith.constant 0 : index
    %get3A_40 = arith.constant 0 : index
    %get3A_41 = vector.load %arg7[%get3A_39, %get3A_40] : memref<5x1xf32, #tpu.memory_space<vmem>>, vector<5x1xf32>
    %mul3A_42 = vector.broadcast %get3A_41 : vector<5x1xf32> to vector<5x10240xf32>
    %mul3A_43 = arith.mulf %dot_general3A_38, %mul3A_42 : vector<5x10240xf32>
    %sub3A = arith.subf %add3A_25, %mul3A_43 : vector<5x10240xf32>
    %mul3A_44 = arith.mulf %sub3A, %sub3A : vector<5x10240xf32>
    %dot_general3A_45 = arith.constant dense<0.000000e+00> : vector<5x64xf32>
    %dot_general3A_46 = tpu.matmul %mul3A_44, %convert_element_type3A_30, %dot_general3A_45 {dimension_numbers = #tpu.dot_dimension_numbers<[1], [1], [0], [0], [0, 0, 1, 0], [], []>, transpose_lhs_hint = false} : vector<5x10240xf32>, vector<64x10240xf32>, vector<5x64xf32> -> vector<5x64xf32>
    %div3A_47 = vector.broadcast %broadcast_in_dim3A : vector<1x64xf32> to vector<5x64xf32>
    %div3A_48 = arith.divf %dot_general3A_46, %div3A_47 : vector<5x64xf32>
    %add3A_49 = arith.constant 9.99999974E-6 : f32
    %add3A_50 = vector.broadcast %add3A_49 : f32 to vector<5x64xf32>
    %add3A_51 = arith.addf %div3A_48, %add3A_50 : vector<5x64xf32>
    %sqrt3A = math.sqrt %add3A_51 : vector<5x64xf32>
    %dot_general3A_52 = arith.constant dense<0.000000e+00> : vector<5x10240xf32>
    %dot_general3A_53 = tpu.matmul %sqrt3A, %convert_element_type3A_30, %dot_general3A_52 {dimension_numbers = #tpu.dot_dimension_numbers<[1], [0], [0], [1], [0, 0, 1, 1], [], []>, transpose_lhs_hint = false} : vector<5x64xf32>, vector<64x10240xf32>, vector<5x10240xf32> -> vector<5x10240xf32>
    %gt3A = arith.constant 0.000000e+00 : f32
    %gt3A_54 = vector.broadcast %gt3A : f32 to vector<5x10240xf32>
    %gt3A_55 = arith.cmpf ogt, %dot_general3A_53, %gt3A_54 : vector<5x10240xf32>
    %jit3A = arith.constant 1.000000e+00 : f32
    %broadcast_in_dim3A_56 = vector.broadcast %jit3A : f32 to vector<5x10240xf32>
    %select_n3A = arith.select %gt3A_55, %dot_general3A_53, %broadcast_in_dim3A_56 : vector<5x10240xi1>, vector<5x10240xf32>
    %get3A_57 = arith.constant 0 : index
    %get3A_58 = arith.constant 0 : index
    %get3A_59 = vector.load %arg5[%get3A_57, %get3A_58] : memref<5x1xf32, #tpu.memory_space<vmem>>, vector<5x1xf32>
    %mul3A_60 = vector.broadcast %get3A_59 : vector<5x1xf32> to vector<5x10240xf32>
    %mul3A_61 = arith.mulf %mul3A_60, %sub3A : vector<5x10240xf32>
    %div3A_62 = arith.divf %mul3A_61, %select_n3A : vector<5x10240xf32>
    %get3A_63 = arith.constant 0 : index
    %get3A_64 = arith.constant 0 : index
    %get3A_65 = vector.load %arg6[%get3A_63, %get3A_64] : memref<5x1xf32, #tpu.memory_space<vmem>>, vector<5x1xf32>
    %add3A_66 = vector.broadcast %get3A_65 : vector<5x1xf32> to vector<5x10240xf32>
    %add3A_67 = arith.addf %div3A_62, %add3A_66 : vector<5x10240xf32>
    %max3A_68 = arith.constant 0.000000e+00 : f32
    %max3A_69 = vector.broadcast %max3A_68 : f32 to vector<5x10240xf32>
    %max3A_70 = arith.maximumf %add3A_67, %max3A_69 : vector<5x10240xf32>
    %get3A_71 = arith.constant 0 : index
    %get3A_72 = arith.constant 0 : index
    %get3A_73 = vector.load %arg8[%get3A_71, %get3A_72] : memref<5x1xf32, #tpu.memory_space<vmem>>, vector<5x1xf32>
    %dot_general3A_74 = arith.constant dense<0.000000e+00> : vector<1x10240xf32>
    %dot_general3A_75 = tpu.matmul %get3A_73, %max3A_70, %dot_general3A_74 {dimension_numbers = #tpu.dot_dimension_numbers<[0], [0], [1], [1], [0, 1, 1, 1], [], []>, transpose_lhs_hint = false} : vector<5x1xf32>, vector<5x10240xf32>, vector<1x10240xf32> -> vector<1x10240xf32>
    %swap3A = arith.constant 0 : index
    %swap3A_76 = arith.constant 0 : index
    %swap3A_77 = vector.load %arg9[%swap3A, %swap3A_76] : memref<1x10240xf32, #tpu.memory_space<vmem>>, vector<1x10240xf32>
    tpu.vector_store %arg9[%swap3A, %swap3A_76], %dot_general3A_75 {strides = array<i32>} : memref<1x10240xf32, #tpu.memory_space<vmem>>, vector<1x10240xf32>,
    return
  }
}

module attributes {stable_mosaic.version = 14 : i64} {
  func.func @_final_body(%arg0: memref<2x10240xf32, #tpu.memory_space<vmem>>, %arg1: memref<1x10240xf32, #tpu.memory_space<vmem>>, %arg2: memref<1x10240xf32, #tpu.memory_space<vmem>>, %arg3: memref<1x1xf32, #tpu.memory_space<vmem>>, %arg4: memref<1x10240xf32, #tpu.memory_space<vmem>>) attributes {dimension_semantics = [], scalar_prefetch = 0 : i64, scratch_operands = 0 : i64, tpu.core_type = #tpu.core_type<tc>} {
    %get3A = arith.constant 0 : index
    %get3A_0 = arith.constant 0 : index
    %get3A_1 = vector.load %arg0[%get3A, %get3A_0] : memref<2x10240xf32, #tpu.memory_space<vmem>>, vector<1x10240xf32>
    %get3A_2 = arith.constant 1 : index
    %get3A_3 = arith.constant 0 : index
    %get3A_4 = vector.load %arg0[%get3A_2, %get3A_3] : memref<2x10240xf32, #tpu.memory_space<vmem>>, vector<1x10240xf32>
    %add3A = arith.addf %get3A_1, %get3A_4 : vector<1x10240xf32>
    %get3A_5 = arith.constant 0 : index
    %get3A_6 = arith.constant 0 : index
    %get3A_7 = vector.load %arg1[%get3A_5, %get3A_6] : memref<1x10240xf32, #tpu.memory_space<vmem>>, vector<1x10240xf32>
    %rsqrt3A = math.rsqrt %get3A_7 : vector<1x10240xf32>
    %mul3A = arith.mulf %add3A, %rsqrt3A : vector<1x10240xf32>
    %get3A_8 = arith.constant 0 : index
    %get3A_9 = arith.constant 0 : index
    %get3A_10 = vector.load %arg2[%get3A_8, %get3A_9] : memref<1x10240xf32, #tpu.memory_space<vmem>>, vector<1x10240xf32>
    %get3A_11 = arith.constant 0 : index
    %get3A_12 = arith.constant 0 : index
    %get3A_13 = vector.load %arg1[%get3A_11, %get3A_12] : memref<1x10240xf32, #tpu.memory_space<vmem>>, vector<1x10240xf32>
    %div3A = arith.divf %get3A_10, %get3A_13 : vector<1x10240xf32>
    %add3A_14 = arith.addf %mul3A, %div3A : vector<1x10240xf32>
    %get3A_15 = arith.constant 0 : index
    %get3A_16 = arith.constant 0 : index
    %get3A_17 = vector.load %arg3[%get3A_15, %get3A_16] : memref<1x1xf32, #tpu.memory_space<vmem>>, vector<1x1xf32>
    %add3A_18 = vector.broadcast %get3A_17 : vector<1x1xf32> to vector<1x10240xf32>
    %add3A_19 = arith.addf %add3A_14, %add3A_18 : vector<1x10240xf32>
    %logistic3A = arith.negf %add3A_19 : vector<1x10240xf32>
    %logistic3A_20 = math.exp %logistic3A : vector<1x10240xf32>
    %logistic3A_21 = arith.constant 1.000000e+00 : f32
    %logistic3A_22 = vector.broadcast %logistic3A_21 : f32 to vector<1x10240xf32>
    %logistic3A_23 = arith.addf %logistic3A_22, %logistic3A_20 : vector<1x10240xf32>
    %logistic3A_24 = arith.divf %logistic3A_22, %logistic3A_23 : vector<1x10240xf32>
    %swap3A = arith.constant 0 : index
    %swap3A_25 = arith.constant 0 : index
    %swap3A_26 = vector.load %arg4[%swap3A, %swap3A_25] : memref<1x10240xf32, #tpu.memory_space<vmem>>, vector<1x10240xf32>
    tpu.vector_store %arg4[%swap3A, %swap3A_25], %logistic3A_24 {strides = array<i32>} : memref<1x10240xf32, #tpu.memory_space<vmem>>, vector<1x10240xf32>,
    return
  }
}

</mosaic_0001>

<sc_bundles>
// kernel: kernel.12.cloned.1.call-start
scs
__scs_entry_jumppad:
0x0: {  	(pc) =	sbr.rel $0x88, $3  }
0x1: {  	(tag) =	ssettag $0x0;
	lr =	simm.s32 $0x1  }
0x2: {  	[smem:$0x3F8E] =	sst lr;
	_ =	strace $0xD0000000  }
0x3: {  	_ = 	snop  }
0x4: {  	_ = 	snop  }
0x5: {  	_ = 	snop  }
0x6: {  	_ = 	snop  }
0x7: {  	_ = 	snop  }
__scs_overlays_trampoline_lowered:
0x8: {  	[smem:$0x3F9D] =	sst s0  }
0x9: {  	[smem:$0x3F9E] =	sst s1  }
0xa: {  	[smem:$0x3F9F] =	sst s2  }
0xb: {  	[smem:$0x3FA0] =	sst s3  }
0xc: {  	[smem:$0x3FA1] =	sst s4  }
0xd: {  	[smem:$0x3FA2] =	sst s5  }
0xe: {  	[smem:$0x3FA3] =	sst s6  }
0xf: {  	[smem:$0x3FA4] =	sst s7  }
0x10: {  	[smem:$0x3FA5] =	sst s8  }
0x11: {  	[smem:$0x3FA6] =	sst s9;
	s0 =	simm.s32 @!p0 $0x0  }
0x12: {  	s1 =	sld [smem:$0x3F8C];
	s0 =	simm.s32 @p0 $0x1  }
0x13: {  	[smem:$0x3FA7] =	sst s0;
	s0 =	simm.s32 @!p1 $0x0  }
0x14: {  	s2 =	sld [smem:$0x3F8B];
	s0 =	simm.s32 @p1 $0x1  }
0x15: {  	[smem:$0x3FA8] =	sst s0;
	s0 =	simm.s32 @!p2 $0x0  }
0x16: {  	s3 =	sld [smem:$0x3FDB];
	s0 =	simm.s32 @p2 $0x1  }
0x17: {  	s4 =	simm.s32 $0x1BF5;
	[smem:$0x3FAA] =	sst s0  }
0x18: {  	s0 =	sld [smem:$0x3F8D];
	_ =	swait.ge [sflag:s4], $0x0  }
0x19: {  	s7 =	sld [smem:$0x3F8E]  }
0x1a: {  	s8 =	sadd.s32 $0xFFFFE003, lr  }
0x1b: {  	s9 =	sadd.s32 $0xFFFFFEF7, lr;
	s5 =	simm.s32 $0xFFFFFFFF;
	p2 =	slt.u32 s8, $0xFFFFF086  }
0x1c: {  	p1 =	slt.u32 s9, $0xF7A;
	s5 =	simm.s32 @!p2 $0x0  }
0x1d: {  	s5 =	simm.s32 @p1 $0x1;
	p0 =	seq.s32 s7, s2  }
0x1e: {  	s7 =	smul.u32 @!p0 $0xF7A, s2;
	p2 =	seq.s32 @!p0 s5, $0x0  }
0x1f: {  	s9 =	smul.u32 $0xF7A, s1;
	s8 =	simm.s32 @!p0 $0x1BF5;
	p2 =	por !p2, p0  }
0x20: {  	[sflag:s8] =	ssyncset.s32 @!p0 $0xFFFFF086;
	s6 =	sadd.s32 @!p0 s3, s7;
	s7 =	simm.s32 @!p0 $0x108  }
0x21: {  	s3 =	sadd.s32 s3, s9;
	s6 =	sadd.s32 @!p0 $0x88, s6;
	s7 =	simm.s32 @p2 $0x1082  }
0x22: {  	[simem:s7], [sflag:s8] =	dma.local @!p0 [hbm:s6], $0xF7A  }
0x23: {  	s9 =	sor.u32 $0xD0000000, s2;
	s6 =	simm.s32 $0x108;
	_ =	swait.ge @!p0 [sflag:s8], $0x0  }
0x24: {  	s3 =	sadd.s32 $0x88, s3;
	s6 =	simm.s32 @!p1 $0x1082;
	[sflag:s4] =	ssyncset.s32 $0xFFFFF086  }
0x25: {  	[simem:s6], [sflag:s4] =	dma.local [hbm:s3], $0xF7A  }
0x26: {  	[smem:$0x3F8E] =	sst s1;
	(tag) =	ssettag s2;
	_ =	strace s9  }
0x27: {  	s1 =	sld [smem:$0x3F9E]  }
0x28: {  	s2 =	sld [smem:$0x3F9F]  }
0x29: {  	s4 =	sld [smem:$0x3FA1]  }
0x2a: {  	p0 =	seq.s32 s5, $0x0;
	s5 =	sld [smem:$0x3FA2]  }
0x2b: {  	s6 =	sld [smem:$0x3FA3]  }
0x2c: {  	s7 =	sld [smem:$0x3FA4]  }
0x2d: {  	s3 =	simm.s32 $0x108;
	s8 =	sld [smem:$0x3FA5]  }
0x2e: {  	s3 =	simm.s32 @!p0 $0x1082;
	s9 =	sld [smem:$0x3FA6]  }
0x2f: {  	lr =	sadd.s32 s0, s3;
	s0 =	sld [smem:$0x3F9D]  }
0x30: {  	s3 =	sld [smem:$0x3FA0]  }
0x31: {  	[smem:$0x3FA9] =	sst s10  }
0x32: {  	s10 =	sld [smem:$0x3FA7];
	_ =	sdelay $0x3  }
0x33: {  	p0 =	seq.s32 s10, $0x1;
	s10 =	sld [smem:$0x3FA9];
	_ =	sdelay $0x3  }
0x34: {  	[smem:$0x3FA9] =	sst s10  }
0x35: {  	s10 =	sld [smem:$0x3FA8];
	_ =	sdelay $0x3  }
0x36: {  	p1 =	seq.s32 s10, $0x1;
	s10 =	sld [smem:$0x3FA9];
	_ =	sdelay $0x3  }
0x37: {  	[smem:$0x3FA9] =	sst s10  }
0x38: {  	s10 =	sld [smem:$0x3FAA]  }
0x39: {  	_ = 	snop;
	(pc) =	sbr.ind lr, $3  }
0x3a: {  	_ = 	snop  }
0x3b: {  	_ = 	snop  }
0x3c: {  	p2 =	seq.s32 s10, $0x1;
	s10 =	sld [smem:$0x3FA9]  }
0x3d: {  	_ =	shalt  }
0x3e: {  	_ =	shalt  }
0x3f: {  	_ =	shalt  }
0x40: {  	_ =	shalt  }
0x41: {  	_ =	shalt  }
0x42: {  	_ =	shalt  }
0x43: {  	_ =	shalt  }
0x44: {  	_ =	shalt  }
0x45: {  	_ =	shalt  }
0x46: {  	_ =	shalt  }
0x47: {  	_ =	shalt  }
0x48: {  	_ =	shalt  }
0x49: {  	_ =	shalt  }
0x4a: {  	_ =	shalt  }
0x4b: {  	_ =	shalt  }
0x4c: {  	_ =	shalt  }
0x4d: {  	_ =	shalt  }
0x4e: {  	_ =	shalt  }
0x4f: {  	_ =	shalt  }
0x50: {  	_ =	shalt  }
0x51: {  	_ =	shalt  }
0x52: {  	_ =	shalt  }
0x53: {  	_ =	shalt  }
0x54: {  	_ =	shalt  }
0x55: {  	_ =	shalt  }
0x56: {  	_ =	shalt  }
0x57: {  	_ =	shalt  }
0x58: {  	_ =	shalt  }
0x59: {  	_ =	shalt  }
0x5a: {  	_ =	shalt  }
0x5b: {  	_ =	shalt  }
0x5c: {  	_ =	shalt  }
0x5d: {  	_ =	shalt  }
0x5e: {  	_ =	shalt  }
0x5f: {  	_ =	shalt  }
0x60: {  	_ =	shalt  }
0x61: {  	_ =	shalt  }
0x62: {  	_ =	shalt  }
0x63: {  	_ =	shalt  }
0x64: {  	_ =	shalt  }
0x65: {  	_ =	shalt  }
0x66: {  	_ =	shalt  }
0x67: {  	_ =	shalt  }
0x68: {  	_ =	shalt  }
0x69: {  	_ =	shalt  }
0x6a: {  	_ =	shalt  }
0x6b: {  	_ =	shalt  }
0x6c: {  	_ =	shalt  }
0x6d: {  	_ =	shalt  }
0x6e: {  	_ =	shalt  }
0x6f: {  	_ =	shalt  }
0x70: {  	_ =	shalt  }
0x71: {  	_ =	shalt  }
0x72: {  	_ =	shalt  }
0x73: {  	_ =	shalt  }
0x74: {  	_ =	shalt  }
0x75: {  	_ =	shalt  }
0x76: {  	_ =	shalt  }
0x77: {  	_ =	shalt  }
0x78: {  	_ =	shalt  }
0x79: {  	_ =	shalt  }
0x7a: {  	_ =	shalt  }
0x7b: {  	_ =	shalt  }
0x7c: {  	_ =	shalt  }
0x7d: {  	_ =	shalt  }
0x7e: {  	_ =	shalt  }
0x7f: {  	_ =	shalt  }
0x80: {  	_ =	shalt  }
0x81: {  	_ =	shalt  }
0x82: {  	_ =	shalt  }
0x83: {  	_ =	shalt  }
0x84: {  	_ =	shalt  }
0x85: {  	_ =	shalt  }
0x86: {  	_ =	shalt  }
0x87: {  	_ =	shalt  }
.Lfunc_end0:
.L_simem_size_0:
called_computation.1_lowered:
.L_overlay_start_0:
0x88: {  	s2 =	sld [smem:$0x3FD9]  }
0x89: {  	s3 =	sld [smem:$0x3FFE];
	_ =	sdelay $0x1  }
0x8a: {  	s1 =	srdreg.scid  }
0x8b: {  	s0 =	sand.u32 $0x1, s1  }
0x8c: {  	s16 =	sshll.u32 s0, $0xA;
	s2 =	sadd.s32 s3, s2  }
0x8d: {  	s2 =	sadd.s32 s2, s16  }
0x8e: {  	[smem:$0x3FB5] =	sst s2  }
0x8f: {  	_ = 	snop  }
0x90: {  	(tm) =	ssettm $0x1  }
0x91: {  	s17 =	sld [smem:$0x3FFB];
	_ =	sdelay $0x3  }
0x92: {  	_ =	strace s17  }
0x93: {  	s2 =	sld [smem:$0x3FFC];
	_ =	sdelay $0x3  }
0x94: {  	_ =	strace s2  }
0x95: {  	s2 =	sld [smem:$0x3FFD];
	_ =	sdelay $0x3  }
0x96: {  	_ =	strace s2  }
0x97: {  	_ =	strace $0x8FFFFFFF  }
0x98: {  	s18 =	sld [smem:$0x3FDB];
	_ =	sdelay $0x1  }
0x99: {  	s19 =	simm.s32 $_scs_section_size  }
0x9a: {  	s4 =	simm.s32 $_size__tile_overlayer_lowered;
	s5 =	simm.s32 $_tile_overlayer_lowered  }
0x9b: {  	s22 =	simm.s32 $0x1BFF;
	s21 =	sshll.u32 s5, $0x1;
	s2 =	sadd.s32 s19, s18  }
0x9c: {  	s6 =	simm.s32 $0x0;
	s20 =	sshll.u32 s4, $0x1;
	s4 =	sadd.s32 s21, s2  }
0x9d: {  	[timem:s6], [sflag:s22] =	dma.local [hbm:s4], s20  }
0x9e: {  	_ =	swait.ge [sflag:s22], s20  }
0x9f: {  	s3 =	ssub.s32 $0x0, s20;
	[sflag:s22] =	ssyncset.done $0x0  }
0xa0: {  	[sflag:s22] =	ssyncadd.s32 s3;
	_ =	sdelay $0x1  }
0xa1: {  	s23 =	simm.s32 $0x1B8B  }
0xa2: {  	_ =	swait.ge [sflag:s23], $0x1  }
0xa3: {  	[sflag:s23] =	ssyncset.done $0x0  }
0xa4: {  	s25 =	simm.s32 $0x1B8E;
	s24 =	sld [smem:$0x3FFE];
	[sflag:s23] =	ssyncadd.s32 $0xFFFFFFFF  }
0xa5: {  	s26 =	simm.s32 $execute0_lowered;
	[smem:$0x3FD2] =	sst s25  }
0xa6: {  	s4 =	sshll.u32 s26, $0x1;
	_ =	strace $0x80000049;
	[dreg:$0x1] =	wrdreg $0xFFFFFFFF  }
0xa7: {  	s28 =	simm.s32 $_size_execute0_lowered;
	s2 =	sadd.s32 s2, s4;
	[dreg:$0x0] =	wrdreg $0x0  }
0xa8: {  	s4 =	sshll.u32 s28, $0x1;
	[dreg:$0x2] =	wrdreg s2  }
0xa9: {  	[dreg:$0x3] =	wrdreg s4  }
0xaa: {  	[dreg:$0x4] =	wrdreg $0xC0  }
0xab: {  	_ =	task [dreg:s6], $0x5FFFF  }
0xac: {  	[dreg:$0x1] =	wrdreg $0xFFFFFFFF  }
0xad: {  	[dreg:$0x0] =	wrdreg $0x60  }
0xae: {  	[dreg:$0x2] =	wrdreg s24  }
0xaf: {  	[dreg:$0x3] =	wrdreg $0x1AE000  }
0xb0: {  	[dreg:$0x4] =	wrdreg $0x1B0800  }
0xb1: {  	[dreg:$0x5] =	wrdreg $0x1B3000  }
0xb2: {  	[dreg:$0x6] =	wrdreg $0x1B5800  }
0xb3: {  	[dreg:$0x7] =	wrdreg $0x1B8000  }
0xb4: {  	[dreg:$0x8] =	wrdreg $0x1A9000  }
0xb5: {  	[dreg:$0x9] =	wrdreg $0x1AB800  }
0xb6: {  	[dreg:$0xa] =	wrdreg $0x9  }
0xb7: {  	_ =	task.clear_ibuf [dreg:s6], $0xBFFFF;
	_ =	strace $0x90000049  }
0xb8: {  	s29 =	simm.s32 $0x9;
	_ =	strace $0x8000004B  }
0xb9: {  	_ =	swait.ge [sflag:s29], $0x1  }
0xba: {  	[sflag:s29] =	ssyncadd.s32 $0xFFFFFFFF  }
0xbb: {  	_ =	strace $0x9000004B  }
0xbc: {  	_ =	sfence  }
0xbd: {  	s30 =	sld [smem:$0x0];
	_ =	sdelay $0x2  }
0xbe: {  	s31 =	sshll.u32 s1, $0xD;
	s1 =	sshrl.u32 s1, $0x2  }
0xbf: {  	s3 =	sand.u32 $0x4000, s31;
	s1 =	sadd.s32 s1, s30  }
0xc0: {  	s0 =	sor.u32 s3, s0;
	s1 =	sshll.u32 s1, $0x11  }
0xc1: {  	s0 =	sor.u32 s1, s0  }
0xc2: {  	s0 =	sadd.s32 $0x8F2B, s0  }
0xc3: {  	[sflag:s0] =	ssyncadd.remote.s32 $0x1  }
0xc4: {  	_ =	sfence.sel $0xFFFF  }
0xc5: {  	[dreg:$0x0] =	wrdreg $0xFFFFFFFF;
	(pc) =	sbr.abs _section_cstart, $3  }
0xc6: {  	[dreg:$0x1] =	wrdreg $0xFFFFFFFF  }
0xc7: {  	_ =	task.clear_ibuf [dreg:s6], $0x2FFFF;
	_ =	strace $0x9FFFFFFF  }
0xc8: {  	(tm) =	ssettm $0x7FFFFFFF  }
0xc9: {  	_ =	shalt  }
tec
execute0_lowered:
.L_overlay_start_1:
0x0: {  	(tag) =	ssettag $0x1  }
0x1: {  	s0 =	rddreg [dreg:$0x0]  }
0x2: {  	s10 =	rddreg [dreg:$0x1]  }
0x3: {  	s12 =	rddreg [dreg:$0x2]  }
0x4: {  	s13 =	rddreg [dreg:$0x3]  }
0x5: {  	s14 =	rddreg [dreg:$0x4]  }
0x6: {  	s15 =	rddreg [dreg:$0x5]  }
0x7: {  	s16 =	rddreg [dreg:$0x6]  }
0x8: {  	s17 =	rddreg [dreg:$0x7]  }
0x9: {  	s1 =	srdreg.scid;
	s6 =	stileid.u32  }
0xa: {  	s3 =	simm.s32 $0x0;
	s1 =	sand.u32 $0x1, s1;
	s2 =	smul.u32 $0x280, s6  }
0xb: {  	[smem:$0x7FF] =	sst s3;
	s4 =	sadd.s32 $0x14400, s0;
	s5 =	sadd.s32 $0xE000, s0  }
0xc: {  	s19 =	sadd.s32 $0xEA00, s0;
	s11 =	smul.u32 $0xC800, s1;
	_ =	strace $0x8000004A  }
0xd: {  	[dreg:$0x9] =	wrdreg s4;
	s18 =	sshll.u32 s1, $0x4;
	s8 =	ssub.s32 $0x2, s1  }
0xe: {  	p0 =	sne.s32 s1, $0x0;
	s4 =	sor.u32 s6, s18;
	s7 =	sshrl.u32 s2, $0x3  }
0xf: {  	s20 =	sshrl.u32 s8, $0x1;
	s12 =	sadd.s32 s2, s12;
	s13 =	sadd.s32 s2, s13  }
0x10: {  	s14 =	sadd.s32 s2, s14;
	s6 =	simm.s32 $0xB400;
	s3 =	sadd.s32 s2, s11  }
0x11: {  	s4 =	smul.u32 $0x280, s4;
	s9 =	sadd.s32 s7, s0;
	s11 =	sadd.s32 s2, s10  }
0x12: {  	s21 =	sadd.s32 $0x500, s7;
	s22 =	sadd.s32 s5, s7;
	s23 =	sadd.s32 s19, s7  }
0x13: {  	s7 =	simm.s32 $0x1A680;
	s10 =	simm.s32 $0x1400;
	[dreg:$0xa] =	wrdreg s22  }
0x14: {  	s3 =	sshrl.u32 s3, $0x3;
	s5 =	sadd.s32 s5, s21;
	[dreg:$0xc] =	wrdreg s23  }
0x15: {  	s24 =	sadd.s32 s19, s21;
	s19 =	sadd.s32 s2, s15;
	s25 =	sadd.s32 $0x19000, s9  }
0x16: {  	s26 =	sadd.s32 $0x1E600, s9;
	s22 =	sadd.s32 s2, s16;
	s23 =	sadd.s32 s2, s17  }
0x17: {  	s9 =	simm.s32 $0xDC00;
	s15 =	simm.s32 $0x7800;
	[dreg:$0xb] =	wrdreg s5  }
0x18: {  	s16 =	simm.s32 $0x0;
	s3 =	sadd.s32 s3, s0;
	[dreg:$0xd] =	wrdreg s24  }
0x19: {  	s0 =	sadd.s32 s4, s0;
	s4 =	ssub.s32 s8, s20;
	[dreg:$0xe] =	wrdreg s25  }
0x1a: {  	[dreg:$0xf] =	wrdreg s26;
	s5 =	simm.s32 $0x1;
	s8 =	simm.s32 $0x8C00  }
0x1b: {  	s24 =	sadd.s32 $0xF400, s0;
	s25 =	sadd.s32 $0x275000, s0;
	s26 =	sadd.s32 $0x4000, s0  }
0x1c: {  	s28 =	sadd.s32 $0x9000, s0;
	s29 =	sadd.s32 $0x19600, s0;
	s30 =	sadd.s32 $0x15E00, s3  }
0x1d: {  	s31 =	sadd.s32 $0x16300, s3;
	s1 =	sadd.s32 $0x16800, s3;
	s0 =	sadd.s32 $0x16D00, s3  }
0x1e: {  	v0 =	vimm.f32 $0.0e+00;
	s2 =	sadd.s32 $0x17200, s3;
	s3 =	smax.u32 s4, $0x1;
	s4 =	simm.s32 $0x1A400  }
.LBB2_1:
0x1f: {  	[tilespmem:$0x1A400] =	vst v0  }
0x20: {  	[tilespmem:$0x1A410] =	vst v0  }
0x21: {  	[tilespmem:$0x1A420] =	vst v0  }
0x22: {  	[tilespmem:$0x1A430] =	vst v0  }
0x23: {  	[tilespmem:$0x1A440] =	vst v0  }
0x24: {  	[tilespmem:$0x1A450] =	vst v0  }
0x25: {  	[tilespmem:$0x1A460] =	vst v0  }
0x26: {  	[tilespmem:$0x1A470] =	vst v0  }
0x27: {  	[tilespmem:$0x1A480] =	vst v0  }
0x28: {  	[tilespmem:$0x1A490] =	vst v0  }
0x29: {  	[tilespmem:$0x1A4A0] =	vst v0  }
0x2a: {  	[tilespmem:$0x1A4B0] =	vst v0  }
0x2b: {  	[tilespmem:$0x1A4C0] =	vst v0  }
0x2c: {  	[tilespmem:$0x1A4D0] =	vst v0  }
0x2d: {  	[tilespmem:$0x1A4E0] =	vst v0  }
0x2e: {  	[tilespmem:$0x1A4F0] =	vst v0  }
0x2f: {  	[tilespmem:$0x1A500] =	vst v0  }
0x30: {  	[tilespmem:$0x1A510] =	vst v0  }
0x31: {  	[tilespmem:$0x1A520] =	vst v0  }
0x32: {  	[tilespmem:$0x1A530] =	vst v0  }
0x33: {  	[tilespmem:$0x1A540] =	vst v0  }
0x34: {  	[tilespmem:$0x1A550] =	vst v0  }
0x35: {  	[tilespmem:$0x1A560] =	vst v0  }
0x36: {  	[tilespmem:$0x1A570] =	vst v0  }
0x37: {  	[tilespmem:$0x1A580] =	vst v0  }
0x38: {  	[tilespmem:$0x1A590] =	vst v0  }
0x39: {  	[tilespmem:$0x1A5A0] =	vst v0  }
0x3a: {  	[tilespmem:$0x1A5B0] =	vst v0  }
0x3b: {  	[tilespmem:$0x1A5C0] =	vst v0  }
0x3c: {  	[tilespmem:$0x1A5D0] =	vst v0  }
0x3d: {  	[tilespmem:$0x1A5E0] =	vst v0  }
0x3e: {  	[tilespmem:$0x1A5F0] =	vst v0  }
0x3f: {  	[tilespmem:$0x1A600] =	vst v0  }
0x40: {  	[tilespmem:$0x1A610] =	vst v0  }
0x41: {  	[tilespmem:$0x1A620] =	vst v0  }
0x42: {  	[tilespmem:$0x1A630] =	vst v0  }
0x43: {  	[tilespmem:$0x1A640] =	vst v0  }
0x44: {  	[tilespmem:$0x1A650] =	vst v0  }
0x45: {  	[tilespmem:$0x1A660] =	vst v0  }
0x46: {  	[tilespmem:$0x1A670] =	vst v0  }
0x47: {  	[spmem:s11] =	stream.linear.scatter [tilespmem:s4], [sflag:$0x1], $0x280, $0x38;
	[tilespmem:$0x1BA80] =	vst v63  }
0x48: {  	_ =	swait.ge [sflag:s5], $0x280  }
0x49: {  	[sflag:s5] =	ssyncset.done $0x0  }
0x4a: {  	[sflag:s5] =	ssyncadd.s32 $0xFFFFFD80  }
0x4b: {  	[spmem:s12] =	stream.linear.scatter [tilespmem:s4], [sflag:$0x1], $0x280, $0x38;
	[tilespmem:$0x1BA80] =	vst v63  }
0x4c: {  	_ =	swait.ge [sflag:s5], $0x280  }
0x4d: {  	[sflag:s5] =	ssyncset.done $0x0  }
0x4e: {  	[sflag:s5] =	ssyncadd.s32 $0xFFFFFD80  }
0x4f: {  	[spmem:s13] =	stream.linear.scatter [tilespmem:s4], [sflag:$0x1], $0x280, $0x38;
	[tilespmem:$0x1BA80] =	vst v63  }
0x50: {  	_ =	swait.ge [sflag:s5], $0x280  }
0x51: {  	[sflag:s5] =	ssyncset.done $0x0  }
0x52: {  	[sflag:s5] =	ssyncadd.s32 $0xFFFFFD80  }
0x53: {  	[spmem:s14] =	stream.linear.scatter [tilespmem:s4], [sflag:$0x1], $0x280, $0x38;
	[tilespmem:$0x1BA80] =	vst v63  }
0x54: {  	_ =	swait.ge [sflag:s5], $0x280  }
0x55: {  	[sflag:s5] =	ssyncset.done $0x0  }
0x56: {  	[sflag:s5] =	ssyncadd.s32 $0xFFFFFD80  }
0x57: {  	[spmem:s19] =	stream.linear.scatter [tilespmem:s4], [sflag:$0x1], $0x280, $0x38;
	[tilespmem:$0x1BA80] =	vst v63  }
0x58: {  	_ =	swait.ge [sflag:s5], $0x280  }
0x59: {  	[sflag:s5] =	ssyncset.done $0x0  }
0x5a: {  	s17 =	simm.s32 $0x0;
	s18 =	rddreg [dreg:$0xa];
	[sflag:s5] =	ssyncadd.s32 $0xFFFFFD80  }
0x5b: {  	[tilespmem:s4], [sflag:$0x1] =	stream.linear.gather [hbm4b:s18+s17], $0x280, $0x38;
	[tilespmem:$0x1BA80] =	vst v63  }
0x5c: {  	_ =	swait.ge [sflag:s5], $0x280  }
0x5d: {  	[sflag:s5] =	ssyncset.done $0x0  }
0x5e: {  	s21 =	rddreg [dreg:$0xb];
	[sflag:s5] =	ssyncadd.s32 $0xFFFFFD80  }
0x5f: {  	[tilespmem:s7], [sflag:$0x1] =	stream.linear.gather [hbm4b:s21+s17], $0x280, $0x38;
	[tilespmem:$0x1BA80] =	vst v63  }
0x60: {  	_ =	swait.ge [sflag:s5], $0x280  }
0x61: {  	[sflag:s5] =	ssyncset.done $0x0  }
0x62: {  	s17 =	simm.s32 $0x0;
	[sflag:s5] =	ssyncadd.s32 $0xFFFFFD80  }
0x63: {  	s18 =	simm.s32 $0x40;
	v1 =	vld [tilespmem:s17+$0x1A400]  }
.LBB2_2:
0x64: {  	p1 =	sne.s32 s18, $0x9C0;
	v2 =	vld [tilespmem:s17+$0x1A680];
	_ =	sdelay $0x4  }
0x65: {  	v1 =	vadd.f32 v2, v1;
	_ =	sdelay $0x1  }
0x66: {  	[tilespmem:s17+$0x1A400] =	vst v1;
	v2 =	vshrl.u32 v1, $0x1;
	v1 =	vmul.f32 $5.000000000e-01, v1  }
0x67: {  	v2 =	vsub.s32 $0x5F3759DF, v2  }
0x68: {  	v3 =	vmul.f32 v2, v1;
	_ =	sdelay $0x1  }
0x69: {  	v3 =	vmul.f32 v2, v3;
	_ =	sdelay $0x1  }
0x6a: {  	v3 =	vsub.f32 $1.500000000e+00, v3;
	_ =	sdelay $0x1  }
0x6b: {  	v2 =	vmul.f32 v2, v3;
	_ =	sdelay $0x1  }
0x6c: {  	v3 =	vmul.f32 v2, v1;
	_ =	sdelay $0x1  }
0x6d: {  	v3 =	vmul.f32 v3, v2;
	_ =	sdelay $0x1  }
0x6e: {  	v3 =	vsub.f32 $1.500000000e+00, v3;
	_ =	sdelay $0x1  }
0x6f: {  	v2 =	vmul.f32 v3, v2;
	_ =	sdelay $0x1  }
0x70: {  	v3 =	vmul.f32 v2, v1;
	_ =	sdelay $0x1  }
0x71: {  	v3 =	vmul.f32 v3, v2;
	_ =	sdelay $0x1  }
0x72: {  	v3 =	vsub.f32 $1.500000000e+00, v3;
	_ =	sdelay $0x1  }
0x73: {  	v2 =	vmul.f32 v3, v2;
	_ =	sdelay $0x1  }
0x74: {  	v1 =	vmul.f32 v2, v1;
	_ =	sdelay $0x1  }
0x75: {  	v1 =	vmul.f32 v1, v2;
	_ =	sdelay $0x1  }
.Ltmp0:
0x76: {  	v1 =	vsub.f32 $1.500000000e+00, v1;
	(pc) =	sbr.rel @p1 .LBB2_2-.Ltmp0, $4  }
0x77: {  	_ = 	snop  }
0x78: {  	v2 =	vmul.f32 v1, v2  }
0x79: {  	s20 =	sshra.s32 s18, $0x2  }
0x7a: {  	s18 =	sadd.s32 $0x40, s18;
	v1 =	vld [tilespmem:s20+$0x1A400];
	[tilespmem:s17+$0x1A680] =	vst v2;
	s17 =	smov.u32 s20  }
0x7b: {  	v2 =	vld [tilespmem:s17+$0x1A680];
	_ =	sdelay $0x4  }
0x7c: {  	v1 =	vadd.f32 v2, v1;
	_ =	sdelay $0x1  }
0x7d: {  	v2 =	vshrl.u32 v1, $0x1;
	v3 =	vmul.f32 $5.000000000e-01, v1  }
0x7e: {  	v2 =	vsub.s32 $0x5F3759DF, v2  }
0x7f: {  	v4 =	vmul.f32 v2, v3;
	_ =	sdelay $0x1  }
0x80: {  	v4 =	vmul.f32 v2, v4;
	_ =	sdelay $0x1  }
0x81: {  	v4 =	vsub.f32 $1.500000000e+00, v4;
	_ =	sdelay $0x1  }
0x82: {  	v2 =	vmul.f32 v2, v4;
	_ =	sdelay $0x1  }
0x83: {  	v4 =	vmul.f32 v2, v3;
	_ =	sdelay $0x1  }
0x84: {  	v4 =	vmul.f32 v4, v2;
	_ =	sdelay $0x1  }
0x85: {  	v4 =	vsub.f32 $1.500000000e+00, v4;
	_ =	sdelay $0x1  }
0x86: {  	v2 =	vmul.f32 v4, v2;
	_ =	sdelay $0x1  }
0x87: {  	v4 =	vmul.f32 v2, v3;
	_ =	sdelay $0x1  }
0x88: {  	v4 =	vmul.f32 v4, v2;
	_ =	sdelay $0x1  }
0x89: {  	v4 =	vsub.f32 $1.500000000e+00, v4;
	_ =	sdelay $0x1  }
0x8a: {  	v2 =	vmul.f32 v4, v2;
	_ =	sdelay $0x1  }
0x8b: {  	v3 =	vmul.f32 v2, v3;
	_ =	sdelay $0x1  }
0x8c: {  	v3 =	vmul.f32 v3, v2;
	_ =	sdelay $0x1  }
0x8d: {  	v3 =	vsub.f32 $1.500000000e+00, v3;
	_ =	sdelay $0x1  }
0x8e: {  	v2 =	vmul.f32 v3, v2  }
0x8f: {  	[tilespmem:s17+$0x1A400] =	vst v1  }
0x90: {  	s18 =	simm.s32 @!p0 $0x1A400;
	s20 =	rddreg [dreg:$0xe];
	[tilespmem:s17+$0x1A680] =	vst v2;
	s17 =	simm.s32 @!p0 $0x0  }
0x91: {  	[hbm4b:s20+s17] =	stream.linear.scatter @!p0 [tilespmem:s18], [sflag:$0x1], $0x280, $0x38;
	[tilespmem:$0x1BA80] =	vst v63  }
0x92: {  	s17 =	simm.s32 @!p0 $0x1  }
0x93: {  	_ =	swait.ge @!p0 [sflag:s17], $0x280  }
0x94: {  	[sflag:s17] =	ssyncset.done @!p0 $0x0  }
0x95: {  	[sflag:s17] =	ssyncadd.s32 @!p0 $0xFFFFFD80  }
0x96: {  	[spmem:s22] =	stream.linear.scatter [tilespmem:s7], [sflag:$0x1], $0x280, $0x38;
	[tilespmem:$0x1BA80] =	vst v63  }
0x97: {  	_ =	swait.ge [sflag:s5], $0x280  }
0x98: {  	[sflag:s5] =	ssyncset.done $0x0  }
0x99: {  	s17 =	simm.s32 $0x0;
	s20 =	rddreg [dreg:$0xc];
	[sflag:s5] =	ssyncadd.s32 $0xFFFFFD80  }
0x9a: {  	[tilespmem:s4], [sflag:$0x1] =	stream.linear.gather [hbm4b:s20+s17], $0x280, $0x38;
	[tilespmem:$0x1BA80] =	vst v63  }
0x9b: {  	_ =	swait.ge [sflag:s5], $0x280  }
0x9c: {  	[sflag:s5] =	ssyncset.done $0x0  }
0x9d: {  	s21 =	rddreg [dreg:$0xd];
	[sflag:s5] =	ssyncadd.s32 $0xFFFFFD80  }
0x9e: {  	[tilespmem:s7], [sflag:$0x1] =	stream.linear.gather [hbm4b:s21+s17], $0x280, $0x38;
	[tilespmem:$0x1BA80] =	vst v63  }
0x9f: {  	_ =	swait.ge [sflag:s5], $0x280  }
0xa0: {  	[sflag:s5] =	ssyncset.done $0x0  }
0xa1: {  	s17 =	simm.s32 $0x0;
	[sflag:s5] =	ssyncadd.s32 $0xFFFFFD80  }
0xa2: {  	s18 =	simm.s32 $0x40;
	v1 =	vld [tilespmem:s17+$0x1A400]  }
.LBB2_4:
0xa3: {  	p1 =	sne.s32 s18, $0x9C0;
	v2 =	vld [tilespmem:s17+$0x1A680];
	_ =	sdelay $0x4  }
0xa4: {  	v1 =	vadd.f32 v2, v1;
	_ =	sdelay $0x1  }
0xa5: {  	[tilespmem:s17+$0x1A400] =	vst v1;
	v2 =	vshrl.u32 v1, $0x1;
	v1 =	vmul.f32 $5.000000000e-01, v1  }
0xa6: {  	v2 =	vsub.s32 $0x5F3759DF, v2  }
0xa7: {  	v3 =	vmul.f32 v2, v1;
	_ =	sdelay $0x1  }
0xa8: {  	v3 =	vmul.f32 v2, v3;
	_ =	sdelay $0x1  }
0xa9: {  	v3 =	vsub.f32 $1.500000000e+00, v3;
	_ =	sdelay $0x1  }
0xaa: {  	v2 =	vmul.f32 v2, v3;
	_ =	sdelay $0x1  }
0xab: {  	v3 =	vmul.f32 v2, v1;
	_ =	sdelay $0x1  }
0xac: {  	v3 =	vmul.f32 v3, v2;
	_ =	sdelay $0x1  }
0xad: {  	v3 =	vsub.f32 $1.500000000e+00, v3;
	_ =	sdelay $0x1  }
0xae: {  	v2 =	vmul.f32 v3, v2;
	_ =	sdelay $0x1  }
0xaf: {  	v3 =	vmul.f32 v2, v1;
	_ =	sdelay $0x1  }
0xb0: {  	v3 =	vmul.f32 v3, v2;
	_ =	sdelay $0x1  }
0xb1: {  	v3 =	vsub.f32 $1.500000000e+00, v3;
	_ =	sdelay $0x1  }
0xb2: {  	v2 =	vmul.f32 v3, v2;
	_ =	sdelay $0x1  }
0xb3: {  	v1 =	vmul.f32 v2, v1;
	_ =	sdelay $0x1  }
0xb4: {  	v1 =	vmul.f32 v1, v2;
	_ =	sdelay $0x1  }
.Ltmp1:
0xb5: {  	v1 =	vsub.f32 $1.500000000e+00, v1;
	(pc) =	sbr.rel @p1 .LBB2_4-.Ltmp1, $4  }
0xb6: {  	_ = 	snop  }
0xb7: {  	v2 =	vmul.f32 v1, v2  }
0xb8: {  	s20 =	sshra.s32 s18, $0x2  }
0xb9: {  	s18 =	sadd.s32 $0x40, s18;
	v1 =	vld [tilespmem:s20+$0x1A400];
	[tilespmem:s17+$0x1A680] =	vst v2;
	s17 =	smov.u32 s20  }
0xba: {  	v2 =	vld [tilespmem:s17+$0x1A680];
	_ =	sdelay $0x4  }
0xbb: {  	v1 =	vadd.f32 v2, v1;
	_ =	sdelay $0x1  }
0xbc: {  	v2 =	vshrl.u32 v1, $0x1;
	v3 =	vmul.f32 $5.000000000e-01, v1  }
0xbd: {  	v2 =	vsub.s32 $0x5F3759DF, v2  }
0xbe: {  	v4 =	vmul.f32 v2, v3;
	_ =	sdelay $0x1  }
0xbf: {  	v4 =	vmul.f32 v2, v4;
	_ =	sdelay $0x1  }
0xc0: {  	v4 =	vsub.f32 $1.500000000e+00, v4;
	_ =	sdelay $0x1  }
0xc1: {  	v2 =	vmul.f32 v2, v4;
	_ =	sdelay $0x1  }
0xc2: {  	v4 =	vmul.f32 v2, v3;
	_ =	sdelay $0x1  }
0xc3: {  	v4 =	vmul.f32 v4, v2;
	_ =	sdelay $0x1  }
0xc4: {  	v4 =	vsub.f32 $1.500000000e+00, v4;
	_ =	sdelay $0x1  }
0xc5: {  	v2 =	vmul.f32 v4, v2;
	_ =	sdelay $0x1  }
0xc6: {  	v4 =	vmul.f32 v2, v3;
	_ =	sdelay $0x1  }
0xc7: {  	v4 =	vmul.f32 v4, v2;
	_ =	sdelay $0x1  }
0xc8: {  	v4 =	vsub.f32 $1.500000000e+00, v4;
	_ =	sdelay $0x1  }
0xc9: {  	v2 =	vmul.f32 v4, v2;
	_ =	sdelay $0x1  }
0xca: {  	v3 =	vmul.f32 v2, v3;
	_ =	sdelay $0x1  }
0xcb: {  	v3 =	vmul.f32 v3, v2;
	_ =	sdelay $0x1  }
0xcc: {  	v3 =	vsub.f32 $1.500000000e+00, v3;
	_ =	sdelay $0x1  }
0xcd: {  	v2 =	vmul.f32 v3, v2  }
0xce: {  	[tilespmem:s17+$0x1A400] =	vst v1  }
0xcf: {  	s18 =	simm.s32 @!p0 $0x1A400;
	s20 =	rddreg [dreg:$0xf];
	[tilespmem:s17+$0x1A680] =	vst v2;
	s17 =	simm.s32 @!p0 $0x0  }
0xd0: {  	[hbm4b:s20+s17] =	stream.linear.scatter @!p0 [tilespmem:s18], [sflag:$0x1], $0x280, $0x38;
	[tilespmem:$0x1BA80] =	vst v63  }
0xd1: {  	s17 =	simm.s32 @!p0 $0x1  }
0xd2: {  	_ =	swait.ge @!p0 [sflag:s17], $0x280  }
0xd3: {  	[sflag:s17] =	ssyncset.done @!p0 $0x0  }
0xd4: {  	[sflag:s17] =	ssyncadd.s32 @!p0 $0xFFFFFD80  }
0xd5: {  	[spmem:s23] =	stream.linear.scatter [tilespmem:s7], [sflag:$0x1], $0x280, $0x38;
	[tilespmem:$0x1BA80] =	vst v63  }
0xd6: {  	_ =	swait.ge [sflag:s5], $0x280  }
0xd7: {  	[sflag:s5] =	ssyncset.done $0x0  }
0xd8: {  	[sflag:s5] =	ssyncadd.s32 $0xFFFFFD80  }
0xd9: {  	[bflag:$0x0] =	sbarrier.arrive $0xFFFF  }
0xda: {  	s18 =	rddreg [dreg:$0x6]  }
0xdb: {  	[tilespmem:s8], [sflag:$0x1] =	stream.linear.gather [spmem:s18], $0x2800, $0x38;
	[tilespmem:$0x1BA80] =	vst v63  }
0xdc: {  	_ =	swait.ge [sflag:s5], $0x2800  }
0xdd: {  	[sflag:s5] =	ssyncset.done $0x0  }
0xde: {  	[sflag:s5] =	ssyncadd.s32 $0xFFFFD800  }
0xdf: {  	s20 =	rddreg [dreg:$0x7]  }
0xe0: {  	[tilespmem:s6], [sflag:$0x1] =	stream.linear.gather [spmem:s20], $0x2800, $0x38;
	[tilespmem:$0x1BA80] =	vst v63  }
0xe1: {  	_ =	swait.ge [sflag:s5], $0x2800  }
0xe2: {  	[sflag:s5] =	ssyncset.done $0x0  }
0xe3: {  	s17 =	simm.s32 $0x0;
	s21 =	rddreg [dreg:$0x9];
	[sflag:s5] =	ssyncadd.s32 $0xFFFFD800  }
0xe4: {  	[tilespmem:s9], [sflag:$0x1] =	stream.linear.gather [hbm4b:s21+s17], $0xC800, $0x38;
	[tilespmem:$0x1BA80] =	vst v63  }
0xe5: {  	_ =	swait.ge [sflag:s5], $0xC800  }
0xe6: {  	[sflag:s5] =	ssyncset.done $0x0  }
0xe7: {  	[sflag:s5] =	ssyncadd.s32 $0xFFFF3800  }
0xe8: {  	[tilespmem:s17], [sflag:$0x1] =	stream.linear.gather [hbm4b:s24+s17], $0x1400, $0x38;
	[tilespmem:$0x1BA80] =	vst v63  }
0xe9: {  	_ =	swait.ge [sflag:s5], $0x1400  }
0xea: {  	[sflag:s5] =	ssyncset.done $0x0  }
0xeb: {  	[sflag:s5] =	ssyncadd.s32 $0xFFFFEC00  }
0xec: {  	[tilespmem:s10], [sflag:$0x1] =	stream.linear.gather [hbm4b:s25+s17], $0x1400, $0x38;
	[tilespmem:$0x1BA80] =	vst v63  }
0xed: {  	_ =	swait.ge [sflag:s5], $0x1400  }
0xee: {  	[sflag:s5] =	ssyncset.done $0x0  }
0xef: {  	s20 =	simm.s32 $0x2800;
	[sflag:s5] =	ssyncadd.s32 $0xFFFFEC00  }
0xf0: {  	[tilespmem:s20], [sflag:$0x1] =	stream.linear.gather [hbm4b:s26+s17], $0x1400, $0x38;
	[tilespmem:$0x1BA80] =	vst v63  }
0xf1: {  	_ =	swait.ge [sflag:s5], $0x1400  }
0xf2: {  	[sflag:s5] =	ssyncset.done $0x0  }
0xf3: {  	s21 =	simm.s32 $0x3C00;
	[sflag:s5] =	ssyncadd.s32 $0xFFFFEC00  }
0xf4: {  	[tilespmem:s21], [sflag:$0x1] =	stream.linear.gather [hbm4b:s28+s17], $0x1400, $0x38;
	[tilespmem:$0x1BA80] =	vst v63  }
0xf5: {  	_ =	swait.ge [sflag:s5], $0x1400  }
0xf6: {  	[sflag:s5] =	ssyncset.done $0x0  }
0xf7: {  	s17 =	simm.s32 $0x0;
	[sflag:s5] =	ssyncadd.s32 $0xFFFFEC00  }
0xf8: {  	v2 =	vld [tilespmem:s17+$0x0];
	_ =	sdelay $0x6  }
0xf9: {  	v3 =	vld [tilespmem:s17+$0x2800]  }
0xfa: {  	v1 =	vld.idx.msk [tilespmem:v2+s8+$0x0], $0xffff;
	_ =	sdelay $0x4  }
0xfb: {  	v1 =	vmul.f32 v1, v3;
	_ =	sdelay $0x1  }
0xfc: {  	[tilespmem:s17+$0x5000] =	vst v1;
	v1 =	vld [tilespmem:s17+$0x3C00]  }
0xfd: {  	s18 =	simm.s32 $0x80;
	s20 =	simm.s32 $0x10;
	v2 =	vld.idx.msk [tilespmem:v2+s6+$0x0], $0xffff  }
.LBB2_6:
0xfe: {  	p1 =	sne.s32 s18, $0x4FC0;
	v3 =	vld [tilespmem:s20+$0x0];
	_ =	sdelay $0x4  }
0xff: {  	v1 =	vmul.f32 v2, v1;
	_ =	sdelay $0x1  }
0x100: {  	[tilespmem:s17+$0x6400] =	vst v1;
	s17 =	smov.u32 s20  }
0x101: {  	v1 =	vld.idx.msk [tilespmem:v3+s8+$0x0], $0xffff  }
0x102: {  	v2 =	vld [tilespmem:s17+$0x2800];
	_ =	sdelay $0x3  }
.Ltmp2:
0x103: {  	(pc) =	sbr.rel @p1 .LBB2_6-.Ltmp2, $3  }
0x104: {  	v1 =	vmul.f32 v1, v2;
	_ =	sdelay $0x1  }
0x105: {  	[tilespmem:s17+$0x5000] =	vst v1;
	v1 =	vld [tilespmem:s17+$0x3C00]  }
0x106: {  	s20 =	sshra.s32 s18, $0x2;
	s18 =	sadd.s32 $0x40, s18;
	v2 =	vld.idx.msk [tilespmem:v3+s6+$0x0], $0xffff  }
0x107: {  	v3 =	vld [tilespmem:s20+$0x0];
	_ =	sdelay $0x3  }
0x108: {  	v1 =	vmul.f32 v2, v1;
	_ =	sdelay $0x1  }
0x109: {  	[tilespmem:s17+$0x6400] =	vst v1  }
0x10a: {  	v2 =	vld [tilespmem:s20+$0x2800]  }
0x10b: {  	v1 =	vld.idx.msk [tilespmem:v3+s8+$0x0], $0xffff;
	_ =	sdelay $0x4  }
0x10c: {  	v1 =	vmul.f32 v1, v2;
	_ =	sdelay $0x1  }
0x10d: {  	[tilespmem:s20+$0x5000] =	vst v1;
	v1 =	vld [tilespmem:s20+$0x3C00]  }
0x10e: {  	v2 =	vld.idx.msk [tilespmem:v3+s6+$0x0], $0xffff;
	_ =	sdelay $0x4  }
0x10f: {  	v1 =	vmul.f32 v2, v1;
	_ =	sdelay $0x1  }
0x110: {  	s21 =	simm.s32 $0x0;
	s18 =	simm.s32 $0x6400;
	[tilespmem:s20+$0x6400] =	vst v1  }
0x111: {  	[hbm4b:s29+s21] =	stream.linear.scatter [tilespmem:s18], [sflag:$0x1], $0x1400, $0x38;
	[tilespmem:$0x1BA80] =	vst v63  }
0x112: {  	_ =	swait.ge [sflag:s5], $0x1400  }
0x113: {  	[sflag:s5] =	ssyncset.done $0x0  }
0x114: {  	s17 =	simm.s32 $0x0;
	[sflag:s5] =	ssyncadd.s32 $0xFFFFEC00  }
0x115: {  	v2 =	vld [tilespmem:s17+$0x0];
	_ =	sdelay $0x6  }
0x116: {  	v1 =	vld [tilespmem:s17+$0x5000]  }
0x117: {  	s20 =	simm.s32 $0x80;
	s18 =	simm.s32 $0x10;
	v2 =	vld.idx.msk [tilespmem:v2+s9+$0x0], $0xffff  }
.LBB2_8:
0x118: {  	p1 =	sne.s32 s20, $0x4FC0;
	v3 =	vld [tilespmem:s18+$0x0];
	_ =	sdelay $0x3  }
.Ltmp3:
0x119: {  	(pc) =	sbr.rel @p1 .LBB2_8-.Ltmp3, $3  }
0x11a: {  	v2 =	vmul.f32 v2, v1;
	_ =	sdelay $0x1  }
0x11b: {  	v1 =	vld [tilespmem:s18+$0x5000];
	[tilespmem:s17+$0x7800] =	vst v2;
	s17 =	smov.u32 s18  }
0x11c: {  	s18 =	sshra.s32 s20, $0x2;
	s20 =	sadd.s32 $0x40, s20;
	v2 =	vld.idx.msk [tilespmem:v3+s9+$0x0], $0xffff  }
0x11d: {  	v3 =	vld [tilespmem:s18+$0x0];
	_ =	sdelay $0x4  }
0x11e: {  	v1 =	vmul.f32 v2, v1;
	_ =	sdelay $0x1  }
0x11f: {  	v2 =	vld [tilespmem:s18+$0x5000];
	[tilespmem:s17+$0x7800] =	vst v1  }
0x120: {  	v1 =	vld.idx.msk [tilespmem:v3+s9+$0x0], $0xffff;
	_ =	sdelay $0x4  }
0x121: {  	v1 =	vmul.f32 v1, v2;
	_ =	sdelay $0x1  }
0x122: {  	s21 =	rddreg [dreg:$0x1];
	[tilespmem:s18+$0x7800] =	vst v1  }
0x123: {  	[spmem:s21] =	stream.indirect.scatter.add.f32 [tilespmem:s15], [sflag:$0x1], $0x1, s10, s10, $0xb8;
	[tilespmem:$0x1BA80] =	vst v63  }
0x124: {  	_ =	swait.ge [sflag:s5], $0x1400  }
0x125: {  	[sflag:s5] =	ssyncset.done $0x0  }
0x126: {  	s18 =	simm.s32 $0x0;
	[sflag:s5] =	ssyncadd.s32 $0xFFFFEC00  }
0x127: {  	v1 =	vld [tilespmem:s18+$0x0];
	_ =	sdelay $0x4  }
0x128: {  	v1 =	vadd.s32 $0x2800, v1;
	_ =	sdelay $0x1  }
0x129: {  	s17 =	simm.s32 $0x10  }
0x12a: {  	v2 =	vld [tilespmem:s17+$0x0]  }
0x12b: {  	v4 =	vld [tilespmem:s18+$0x5000]  }
0x12c: {  	v3 =	vld.idx.msk [tilespmem:v1+s9+$0x0], $0xffff;
	_ =	sdelay $0x2  }
0x12d: {  	v1 =	vadd.s32 $0x2800, v2;
	_ =	sdelay $0x1  }
0x12e: {  	v2 =	vmul.f32 v3, v4  }
0x12f: {  	s20 =	simm.s32 $0xC0;
	s21 =	simm.s32 $0x20  }
.LBB2_10:
0x130: {  	p1 =	sne.s32 s20, $0x4FC0;
	v3 =	vld [tilespmem:s21+$0x0];
	[tilespmem:s18+$0x7800] =	vst v2;
	s18 =	smov.u32 s17;
	s17 =	smov.u32 s21  }
0x131: {  	v2 =	vld.idx.msk [tilespmem:v1+s9+$0x0], $0xffff  }
0x132: {  	v4 =	vld [tilespmem:s18+$0x5000];
	_ =	sdelay $0x1  }
.Ltmp4:
0x133: {  	(pc) =	sbr.rel @p1 .LBB2_10-.Ltmp4, $3  }
0x134: {  	v1 =	vadd.s32 $0x2800, v3;
	_ =	sdelay $0x1  }
0x135: {  	v2 =	vmul.f32 v2, v4  }
0x136: {  	s21 =	sshra.s32 s20, $0x2;
	s20 =	sadd.s32 $0x40, s20  }
0x137: {  	_ =	sdelay $0x2  }
0x138: {  	v3 =	vld [tilespmem:s21+$0x0];
	[tilespmem:s18+$0x7800] =	vst v2  }
0x139: {  	v1 =	vld.idx.msk [tilespmem:v1+s9+$0x0], $0xffff  }
0x13a: {  	v2 =	vld [tilespmem:s17+$0x5000];
	_ =	sdelay $0x3  }
0x13b: {  	v3 =	vadd.s32 $0x2800, v3  }
0x13c: {  	v1 =	vmul.f32 v1, v2;
	_ =	sdelay $0x1  }
0x13d: {  	[tilespmem:s17+$0x7800] =	vst v1  }
0x13e: {  	v2 =	vld [tilespmem:s21+$0x5000]  }
0x13f: {  	v1 =	vld.idx.msk [tilespmem:v3+s9+$0x0], $0xffff;
	_ =	sdelay $0x4  }
0x140: {  	v1 =	vmul.f32 v1, v2;
	_ =	sdelay $0x1  }
0x141: {  	[tilespmem:s21+$0x7800] =	vst v1;
	s21 =	rddreg [dreg:$0x2]  }
0x142: {  	[spmem:s21] =	stream.indirect.scatter.add.f32 [tilespmem:s15], [sflag:$0x1], $0x1, s10, s10, $0xb8;
	[tilespmem:$0x1BA80] =	vst v63  }
0x143: {  	_ =	swait.ge [sflag:s5], $0x1400  }
0x144: {  	[sflag:s5] =	ssyncset.done $0x0  }
0x145: {  	s18 =	simm.s32 $0x0;
	[sflag:s5] =	ssyncadd.s32 $0xFFFFEC00  }
0x146: {  	v1 =	vld [tilespmem:s18+$0x0];
	_ =	sdelay $0x4  }
0x147: {  	v1 =	vadd.s32 $0x5000, v1;
	_ =	sdelay $0x1  }
0x148: {  	s17 =	simm.s32 $0x10  }
0x149: {  	v2 =	vld [tilespmem:s17+$0x0]  }
0x14a: {  	v4 =	vld [tilespmem:s18+$0x5000]  }
0x14b: {  	v3 =	vld.idx.msk [tilespmem:v1+s9+$0x0], $0xffff;
	_ =	sdelay $0x2  }
0x14c: {  	v1 =	vadd.s32 $0x5000, v2;
	_ =	sdelay $0x1  }
0x14d: {  	v2 =	vmul.f32 v3, v4  }
0x14e: {  	s20 =	simm.s32 $0xC0;
	s21 =	simm.s32 $0x20  }
.LBB2_12:
0x14f: {  	p1 =	sne.s32 s20, $0x4FC0;
	v3 =	vld [tilespmem:s21+$0x0];
	[tilespmem:s18+$0x7800] =	vst v2;
	s18 =	smov.u32 s17;
	s17 =	smov.u32 s21  }
0x150: {  	v2 =	vld.idx.msk [tilespmem:v1+s9+$0x0], $0xffff  }
0x151: {  	v4 =	vld [tilespmem:s18+$0x5000];
	_ =	sdelay $0x1  }
.Ltmp5:
0x152: {  	(pc) =	sbr.rel @p1 .LBB2_12-.Ltmp5, $3  }
0x153: {  	v1 =	vadd.s32 $0x5000, v3;
	_ =	sdelay $0x1  }
0x154: {  	v2 =	vmul.f32 v2, v4  }
0x155: {  	s21 =	sshra.s32 s20, $0x2;
	s20 =	sadd.s32 $0x40, s20  }
0x156: {  	_ =	sdelay $0x2  }
0x157: {  	v3 =	vld [tilespmem:s21+$0x0];
	[tilespmem:s18+$0x7800] =	vst v2  }
0x158: {  	v1 =	vld.idx.msk [tilespmem:v1+s9+$0x0], $0xffff  }
0x159: {  	v2 =	vld [tilespmem:s17+$0x5000];
	_ =	sdelay $0x3  }
0x15a: {  	v3 =	vadd.s32 $0x5000, v3  }
0x15b: {  	v1 =	vmul.f32 v1, v2;
	_ =	sdelay $0x1  }
0x15c: {  	[tilespmem:s17+$0x7800] =	vst v1  }
0x15d: {  	v2 =	vld [tilespmem:s21+$0x5000]  }
0x15e: {  	v1 =	vld.idx.msk [tilespmem:v3+s9+$0x0], $0xffff;
	_ =	sdelay $0x4  }
0x15f: {  	v1 =	vmul.f32 v1, v2;
	_ =	sdelay $0x1  }
0x160: {  	[tilespmem:s21+$0x7800] =	vst v1;
	s21 =	rddreg [dreg:$0x3]  }
0x161: {  	[spmem:s21] =	stream.indirect.scatter.add.f32 [tilespmem:s15], [sflag:$0x1], $0x1, s10, s10, $0xb8;
	[tilespmem:$0x1BA80] =	vst v63  }
0x162: {  	_ =	swait.ge [sflag:s5], $0x1400  }
0x163: {  	[sflag:s5] =	ssyncset.done $0x0  }
0x164: {  	s18 =	simm.s32 $0x0;
	[sflag:s5] =	ssyncadd.s32 $0xFFFFEC00  }
0x165: {  	v1 =	vld [tilespmem:s18+$0x0];
	_ =	sdelay $0x4  }
0x166: {  	v1 =	vadd.s32 $0x7800, v1;
	_ =	sdelay $0x1  }
0x167: {  	s17 =	simm.s32 $0x10  }
0x168: {  	v2 =	vld [tilespmem:s17+$0x0]  }
0x169: {  	v4 =	vld [tilespmem:s18+$0x5000]  }
0x16a: {  	v3 =	vld.idx.msk [tilespmem:v1+s9+$0x0], $0xffff;
	_ =	sdelay $0x2  }
0x16b: {  	v1 =	vadd.s32 $0x7800, v2;
	_ =	sdelay $0x1  }
0x16c: {  	v2 =	vmul.f32 v3, v4  }
0x16d: {  	s20 =	simm.s32 $0xC0;
	s21 =	simm.s32 $0x20  }
.LBB2_14:
0x16e: {  	p1 =	sne.s32 s20, $0x4FC0;
	v3 =	vld [tilespmem:s21+$0x0];
	[tilespmem:s18+$0x7800] =	vst v2;
	s18 =	smov.u32 s17;
	s17 =	smov.u32 s21  }
0x16f: {  	v2 =	vld.idx.msk [tilespmem:v1+s9+$0x0], $0xffff  }
0x170: {  	v4 =	vld [tilespmem:s18+$0x5000];
	_ =	sdelay $0x1  }
.Ltmp6:
0x171: {  	(pc) =	sbr.rel @p1 .LBB2_14-.Ltmp6, $3  }
0x172: {  	v1 =	vadd.s32 $0x7800, v3;
	_ =	sdelay $0x1  }
0x173: {  	v2 =	vmul.f32 v2, v4  }
0x174: {  	s21 =	sshra.s32 s20, $0x2;
	s20 =	sadd.s32 $0x40, s20  }
0x175: {  	_ =	sdelay $0x2  }
0x176: {  	v3 =	vld [tilespmem:s21+$0x0];
	[tilespmem:s18+$0x7800] =	vst v2  }
0x177: {  	v1 =	vld.idx.msk [tilespmem:v1+s9+$0x0], $0xffff  }
0x178: {  	v2 =	vld [tilespmem:s17+$0x5000];
	_ =	sdelay $0x3  }
0x179: {  	v3 =	vadd.s32 $0x7800, v3  }
0x17a: {  	v1 =	vmul.f32 v1, v2;
	_ =	sdelay $0x1  }
0x17b: {  	[tilespmem:s17+$0x7800] =	vst v1  }
0x17c: {  	v2 =	vld [tilespmem:s21+$0x5000]  }
0x17d: {  	v1 =	vld.idx.msk [tilespmem:v3+s9+$0x0], $0xffff;
	_ =	sdelay $0x4  }
0x17e: {  	v1 =	vmul.f32 v1, v2;
	_ =	sdelay $0x1  }
0x17f: {  	[tilespmem:s21+$0x7800] =	vst v1;
	s21 =	rddreg [dreg:$0x4]  }
0x180: {  	[spmem:s21] =	stream.indirect.scatter.add.f32 [tilespmem:s15], [sflag:$0x1], $0x1, s10, s10, $0xb8;
	[tilespmem:$0x1BA80] =	vst v63  }
0x181: {  	_ =	swait.ge [sflag:s5], $0x1400  }
0x182: {  	[sflag:s5] =	ssyncset.done $0x0  }
0x183: {  	s18 =	simm.s32 $0x0;
	[sflag:s5] =	ssyncadd.s32 $0xFFFFEC00  }
0x184: {  	v1 =	vld [tilespmem:s18+$0x0];
	_ =	sdelay $0x4  }
0x185: {  	v1 =	vadd.s32 $0xA000, v1;
	_ =	sdelay $0x1  }
0x186: {  	s17 =	simm.s32 $0x10  }
0x187: {  	v2 =	vld [tilespmem:s17+$0x0]  }
0x188: {  	v4 =	vld [tilespmem:s18+$0x5000]  }
0x189: {  	v3 =	vld.idx.msk [tilespmem:v1+s9+$0x0], $0xffff;
	_ =	sdelay $0x2  }
0x18a: {  	v1 =	vadd.s32 $0xA000, v2;
	_ =	sdelay $0x1  }
0x18b: {  	v2 =	vmul.f32 v3, v4  }
0x18c: {  	s20 =	simm.s32 $0xC0;
	s21 =	simm.s32 $0x20  }
.LBB2_16:
0x18d: {  	p1 =	sne.s32 s20, $0x4FC0;
	v3 =	vld [tilespmem:s21+$0x0];
	[tilespmem:s18+$0x7800] =	vst v2;
	s18 =	smov.u32 s17;
	s17 =	smov.u32 s21  }
0x18e: {  	v2 =	vld.idx.msk [tilespmem:v1+s9+$0x0], $0xffff  }
0x18f: {  	v4 =	vld [tilespmem:s18+$0x5000];
	_ =	sdelay $0x1  }
.Ltmp7:
0x190: {  	(pc) =	sbr.rel @p1 .LBB2_16-.Ltmp7, $3  }
0x191: {  	v1 =	vadd.s32 $0xA000, v3;
	_ =	sdelay $0x1  }
0x192: {  	v2 =	vmul.f32 v2, v4  }
0x193: {  	s21 =	sshra.s32 s20, $0x2;
	s20 =	sadd.s32 $0x40, s20  }
0x194: {  	_ =	sdelay $0x2  }
0x195: {  	v3 =	vld [tilespmem:s21+$0x0];
	[tilespmem:s18+$0x7800] =	vst v2  }
0x196: {  	v1 =	vld.idx.msk [tilespmem:v1+s9+$0x0], $0xffff  }
0x197: {  	v2 =	vld [tilespmem:s17+$0x5000];
	_ =	sdelay $0x3  }
0x198: {  	v3 =	vadd.s32 $0xA000, v3  }
0x199: {  	v1 =	vmul.f32 v1, v2;
	_ =	sdelay $0x1  }
0x19a: {  	[tilespmem:s17+$0x7800] =	vst v1  }
0x19b: {  	v2 =	vld [tilespmem:s21+$0x5000]  }
0x19c: {  	v1 =	vld.idx.msk [tilespmem:v3+s9+$0x0], $0xffff;
	_ =	sdelay $0x4  }
0x19d: {  	v1 =	vmul.f32 v1, v2;
	_ =	sdelay $0x1  }
0x19e: {  	s18 =	rddreg [dreg:$0x5];
	[tilespmem:s21+$0x7800] =	vst v1  }
0x19f: {  	[spmem:s18] =	stream.indirect.scatter.add.f32 [tilespmem:s15], [sflag:$0x1], $0x1, s10, s10, $0xb8;
	[tilespmem:$0x1BA80] =	vst v63  }
0x1a0: {  	_ =	swait.ge [sflag:s5], $0x1400  }
0x1a1: {  	s20 =	stileid.u32;
	[sflag:s5] =	ssyncset.done $0x0  }
0x1a2: {  	s17 =	sshll.u32 s20, $0x6;
	[sflag:s5] =	ssyncadd.s32 $0xFFFFEC00  }
0x1a3: {  	s17 =	sor.u32 $0x1C01, s17;
	s21 =	sshrl.u32 s11, $0x3;
	[bflag:$0x0] =	sbarrier.arrive $0xFFFF  }
0x1a4: {  	[hbm:s30], [sflag:s17] =	dma.local [spmem:s21], $0x50  }
0x1a5: {  	_ =	swait.ge [sflag:s5], $0x50  }
0x1a6: {  	[sflag:s5] =	ssyncset.done $0x0  }
0x1a7: {  	s20 =	sshrl.u32 s12, $0x3;
	[sflag:s5] =	ssyncadd.s32 $0xFFFFFFB0  }
0x1a8: {  	[hbm:s31], [sflag:s17] =	dma.local [spmem:s20], $0x50  }
0x1a9: {  	_ =	swait.ge [sflag:s5], $0x50  }
0x1aa: {  	[sflag:s5] =	ssyncset.done $0x0  }
0x1ab: {  	s21 =	sshrl.u32 s13, $0x3;
	[sflag:s5] =	ssyncadd.s32 $0xFFFFFFB0  }
0x1ac: {  	[hbm:s1], [sflag:s17] =	dma.local [spmem:s21], $0x50  }
0x1ad: {  	_ =	swait.ge [sflag:s5], $0x50  }
0x1ae: {  	[sflag:s5] =	ssyncset.done $0x0  }
0x1af: {  	s20 =	sshrl.u32 s14, $0x3;
	[sflag:s5] =	ssyncadd.s32 $0xFFFFFFB0  }
0x1b0: {  	[hbm:s0], [sflag:s17] =	dma.local [spmem:s20], $0x50  }
0x1b1: {  	s16 =	sadd.s32 $0x1, s16;
	_ =	swait.ge [sflag:s5], $0x50  }
0x1b2: {  	p1 =	sne.s32 s16, s3;
	[sflag:s5] =	ssyncset.done $0x0  }
.Ltmp8:
0x1b3: {  	s21 =	sshrl.u32 s19, $0x3;
	[sflag:s5] =	ssyncadd.s32 $0xFFFFFFB0;
	(pc) =	sbr.rel @p1 .LBB2_1-.Ltmp8, $4  }
0x1b4: {  	[hbm:s2], [sflag:s17] =	dma.local [spmem:s21], $0x50  }
0x1b5: {  	_ =	swait.ge [sflag:s5], $0x50  }
0x1b6: {  	[sflag:s5] =	ssyncset.done $0x0  }
0x1b7: {  	[sflag:s5] =	ssyncadd.s32 $0xFFFFFFB0  }
0x1b8: {  	_ =	sfence.sel $0x180000  }
0x1b9: {  	[bflag:$0x0] =	sbarrier.arrive $0xFFFF  }
0x1ba: {  	_ =	strace $0x9000004A  }
0x1bb: {  	s0 =	stileid.u32;
	[bflag:$0x2] =	sbarrier.arrive $0xFFFF  }
0x1bc: {  	p0 =	sne.s32 s0, $0x0;
	s0 =	rddreg [dreg:$0x8]  }
0x1bd: {  	s0 =	sadd.s32 @!p0 $0x100000, s0  }
0x1be: {  	[sflag:s0] =	ssyncadd.tile.s32 @!p0 $0x1;
	_ =	shalt  }
.Lfunc_end2:
_tile_overlayer_lowered:
.L_overlay_start_2:
0x1bf: {  	(tag) =	ssettag $0x2  }
0x1c0: {  	s0 =	rddreg [dreg:$0x0];
	s2 =	stileid.u32  }
0x1c1: {  	s1 =	rddreg [dreg:$0x1];
	p0 =	sne.s32 s2, $0x0  }
0x1c2: {  	s3 =	rddreg [dreg:$0x2];
	[bflag:$0x3] =	sbarrier.arrive $0xFFFF;
	s2 =	simm.s32 @!p0 $0x1C01  }
0x1c3: {  	[timem:s3], [sflag:s2] =	dma.local @!p0 [hbm:s0], s1  }
0x1c4: {  	s0 =	simm.s32 @!p0 $0x1  }
0x1c5: {  	_ =	swait.ge @!p0 [sflag:s0], s1  }
0x1c6: {  	s1 =	ssub.s32 @!p0 $0x0, s1;
	[sflag:s0] =	ssyncset.done @!p0 $0x0  }
0x1c7: {  	[sflag:s0] =	ssyncadd.s32 @!p0 s1  }
0x1c8: {  	[bflag:$0x3] =	sbarrier.arrive $0xFFFF  }
0x1c9: {  	_ =	shalt  }

// kernel: kernel.15.cloned.1.call-start
scs
__scs_entry_jumppad:
0x0: {  	(pc) =	sbr.rel $0x88, $3  }
0x1: {  	(tag) =	ssettag $0x0;
	lr =	simm.s32 $0x1  }
0x2: {  	[smem:$0x3F8E] =	sst lr;
	_ =	strace $0xD0000000  }
0x3: {  	_ = 	snop  }
0x4: {  	_ = 	snop  }
0x5: {  	_ = 	snop  }
0x6: {  	_ = 	snop  }
0x7: {  	_ = 	snop  }
__scs_overlays_trampoline_lowered:
0x8: {  	[smem:$0x3F9D] =	sst s0  }
0x9: {  	[smem:$0x3F9E] =	sst s1  }
0xa: {  	[smem:$0x3F9F] =	sst s2  }
0xb: {  	[smem:$0x3FA0] =	sst s3  }
0xc: {  	[smem:$0x3FA1] =	sst s4  }
0xd: {  	[smem:$0x3FA2] =	sst s5  }
0xe: {  	[smem:$0x3FA3] =	sst s6  }
0xf: {  	[smem:$0x3FA4] =	sst s7  }
0x10: {  	[smem:$0x3FA5] =	sst s8  }
0x11: {  	[smem:$0x3FA6] =	sst s9;
	s0 =	simm.s32 @!p0 $0x0  }
0x12: {  	s1 =	sld [smem:$0x3F8C];
	s0 =	simm.s32 @p0 $0x1  }
0x13: {  	[smem:$0x3FA7] =	sst s0;
	s0 =	simm.s32 @!p1 $0x0  }
0x14: {  	s2 =	sld [smem:$0x3F8B];
	s0 =	simm.s32 @p1 $0x1  }
0x15: {  	[smem:$0x3FA8] =	sst s0;
	s0 =	simm.s32 @!p2 $0x0  }
0x16: {  	s3 =	sld [smem:$0x3FDB];
	s0 =	simm.s32 @p2 $0x1  }
0x17: {  	s4 =	simm.s32 $0x1BF5;
	[smem:$0x3FAA] =	sst s0  }
0x18: {  	s0 =	sld [smem:$0x3F8D];
	_ =	swait.ge [sflag:s4], $0x0  }
0x19: {  	s7 =	sld [smem:$0x3F8E]  }
0x1a: {  	s8 =	sadd.s32 $0xFFFFE003, lr  }
0x1b: {  	s9 =	sadd.s32 $0xFFFFFEF7, lr;
	s5 =	simm.s32 $0xFFFFFFFF;
	p2 =	slt.u32 s8, $0xFFFFF086  }
0x1c: {  	p1 =	slt.u32 s9, $0xF7A;
	s5 =	simm.s32 @!p2 $0x0  }
0x1d: {  	s5 =	simm.s32 @p1 $0x1;
	p0 =	seq.s32 s7, s2  }
0x1e: {  	s7 =	smul.u32 @!p0 $0xF7A, s2;
	p2 =	seq.s32 @!p0 s5, $0x0  }
0x1f: {  	s9 =	smul.u32 $0xF7A, s1;
	s8 =	simm.s32 @!p0 $0x1BF5;
	p2 =	por !p2, p0  }
0x20: {  	[sflag:s8] =	ssyncset.s32 @!p0 $0xFFFFF086;
	s6 =	sadd.s32 @!p0 s3, s7;
	s7 =	simm.s32 @!p0 $0x108  }
0x21: {  	s3 =	sadd.s32 s3, s9;
	s6 =	sadd.s32 @!p0 $0x88, s6;
	s7 =	simm.s32 @p2 $0x1082  }
0x22: {  	[simem:s7], [sflag:s8] =	dma.local @!p0 [hbm:s6], $0xF7A  }
0x23: {  	s9 =	sor.u32 $0xD0000000, s2;
	s6 =	simm.s32 $0x108;
	_ =	swait.ge @!p0 [sflag:s8], $0x0  }
0x24: {  	s3 =	sadd.s32 $0x88, s3;
	s6 =	simm.s32 @!p1 $0x1082;
	[sflag:s4] =	ssyncset.s32 $0xFFFFF086  }
0x25: {  	[simem:s6], [sflag:s4] =	dma.local [hbm:s3], $0xF7A  }
0x26: {  	[smem:$0x3F8E] =	sst s1;
	(tag) =	ssettag s2;
	_ =	strace s9  }
0x27: {  	s1 =	sld [smem:$0x3F9E]  }
0x28: {  	s2 =	sld [smem:$0x3F9F]  }
0x29: {  	s4 =	sld [smem:$0x3FA1]  }
0x2a: {  	p0 =	seq.s32 s5, $0x0;
	s5 =	sld [smem:$0x3FA2]  }
0x2b: {  	s6 =	sld [smem:$0x3FA3]  }
0x2c: {  	s7 =	sld [smem:$0x3FA4]  }
0x2d: {  	s3 =	simm.s32 $0x108;
	s8 =	sld [smem:$0x3FA5]  }
0x2e: {  	s3 =	simm.s32 @!p0 $0x1082;
	s9 =	sld [smem:$0x3FA6]  }
0x2f: {  	lr =	sadd.s32 s0, s3;
	s0 =	sld [smem:$0x3F9D]  }
0x30: {  	s3 =	sld [smem:$0x3FA0]  }
0x31: {  	[smem:$0x3FA9] =	sst s10  }
0x32: {  	s10 =	sld [smem:$0x3FA7];
	_ =	sdelay $0x3  }
0x33: {  	p0 =	seq.s32 s10, $0x1;
	s10 =	sld [smem:$0x3FA9];
	_ =	sdelay $0x3  }
0x34: {  	[smem:$0x3FA9] =	sst s10  }
0x35: {  	s10 =	sld [smem:$0x3FA8];
	_ =	sdelay $0x3  }
0x36: {  	p1 =	seq.s32 s10, $0x1;
	s10 =	sld [smem:$0x3FA9];
	_ =	sdelay $0x3  }
0x37: {  	[smem:$0x3FA9] =	sst s10  }
0x38: {  	s10 =	sld [smem:$0x3FAA]  }
0x39: {  	_ = 	snop;
	(pc) =	sbr.ind lr, $3  }
0x3a: {  	_ = 	snop  }
0x3b: {  	_ = 	snop  }
0x3c: {  	p2 =	seq.s32 s10, $0x1;
	s10 =	sld [smem:$0x3FA9]  }
0x3d: {  	_ =	shalt  }
0x3e: {  	_ =	shalt  }
0x3f: {  	_ =	shalt  }
0x40: {  	_ =	shalt  }
0x41: {  	_ =	shalt  }
0x42: {  	_ =	shalt  }
0x43: {  	_ =	shalt  }
0x44: {  	_ =	shalt  }
0x45: {  	_ =	shalt  }
0x46: {  	_ =	shalt  }
0x47: {  	_ =	shalt  }
0x48: {  	_ =	shalt  }
0x49: {  	_ =	shalt  }
0x4a: {  	_ =	shalt  }
0x4b: {  	_ =	shalt  }
0x4c: {  	_ =	shalt  }
0x4d: {  	_ =	shalt  }
0x4e: {  	_ =	shalt  }
0x4f: {  	_ =	shalt  }
0x50: {  	_ =	shalt  }
0x51: {  	_ =	shalt  }
0x52: {  	_ =	shalt  }
0x53: {  	_ =	shalt  }
0x54: {  	_ =	shalt  }
0x55: {  	_ =	shalt  }
0x56: {  	_ =	shalt  }
0x57: {  	_ =	shalt  }
0x58: {  	_ =	shalt  }
0x59: {  	_ =	shalt  }
0x5a: {  	_ =	shalt  }
0x5b: {  	_ =	shalt  }
0x5c: {  	_ =	shalt  }
0x5d: {  	_ =	shalt  }
0x5e: {  	_ =	shalt  }
0x5f: {  	_ =	shalt  }
0x60: {  	_ =	shalt  }
0x61: {  	_ =	shalt  }
0x62: {  	_ =	shalt  }
0x63: {  	_ =	shalt  }
0x64: {  	_ =	shalt  }
0x65: {  	_ =	shalt  }
0x66: {  	_ =	shalt  }
0x67: {  	_ =	shalt  }
0x68: {  	_ =	shalt  }
0x69: {  	_ =	shalt  }
0x6a: {  	_ =	shalt  }
0x6b: {  	_ =	shalt  }
0x6c: {  	_ =	shalt  }
0x6d: {  	_ =	shalt  }
0x6e: {  	_ =	shalt  }
0x6f: {  	_ =	shalt  }
0x70: {  	_ =	shalt  }
0x71: {  	_ =	shalt  }
0x72: {  	_ =	shalt  }
0x73: {  	_ =	shalt  }
0x74: {  	_ =	shalt  }
0x75: {  	_ =	shalt  }
0x76: {  	_ =	shalt  }
0x77: {  	_ =	shalt  }
0x78: {  	_ =	shalt  }
0x79: {  	_ =	shalt  }
0x7a: {  	_ =	shalt  }
0x7b: {  	_ =	shalt  }
0x7c: {  	_ =	shalt  }
0x7d: {  	_ =	shalt  }
0x7e: {  	_ =	shalt  }
0x7f: {  	_ =	shalt  }
0x80: {  	_ =	shalt  }
0x81: {  	_ =	shalt  }
0x82: {  	_ =	shalt  }
0x83: {  	_ =	shalt  }
0x84: {  	_ =	shalt  }
0x85: {  	_ =	shalt  }
0x86: {  	_ =	shalt  }
0x87: {  	_ =	shalt  }
.Lfunc_end0:
.L_simem_size_0:
called_computation.2_lowered:
.L_overlay_start_0:
0x88: {  	s2 =	sld [smem:$0x3FD9]  }
0x89: {  	s3 =	sld [smem:$0x3FFE];
	_ =	sdelay $0x1  }
0x8a: {  	s1 =	srdreg.scid  }
0x8b: {  	s0 =	sand.u32 $0x1, s1  }
0x8c: {  	s16 =	sshll.u32 s0, $0xA;
	s2 =	sadd.s32 s3, s2  }
0x8d: {  	s2 =	sadd.s32 s2, s16  }
0x8e: {  	[smem:$0x3FB5] =	sst s2  }
0x8f: {  	_ = 	snop  }
0x90: {  	(tm) =	ssettm $0x1  }
0x91: {  	s17 =	sld [smem:$0x3FFB];
	_ =	sdelay $0x3  }
0x92: {  	_ =	strace s17  }
0x93: {  	s2 =	sld [smem:$0x3FFC];
	_ =	sdelay $0x3  }
0x94: {  	_ =	strace s2  }
0x95: {  	s2 =	sld [smem:$0x3FFD];
	_ =	sdelay $0x3  }
0x96: {  	_ =	strace s2  }
0x97: {  	_ =	strace $0x8FFFFFFF  }
0x98: {  	s18 =	sld [smem:$0x3FDB];
	_ =	sdelay $0x1  }
0x99: {  	s19 =	simm.s32 $_scs_section_size  }
0x9a: {  	s4 =	simm.s32 $_size__tile_overlayer_lowered;
	s5 =	simm.s32 $_tile_overlayer_lowered  }
0x9b: {  	s22 =	simm.s32 $0x1BFF;
	s21 =	sshll.u32 s5, $0x1;
	s2 =	sadd.s32 s19, s18  }
0x9c: {  	s6 =	simm.s32 $0x0;
	s20 =	sshll.u32 s4, $0x1;
	s4 =	sadd.s32 s21, s2  }
0x9d: {  	[timem:s6], [sflag:s22] =	dma.local [hbm:s4], s20  }
0x9e: {  	_ =	swait.ge [sflag:s22], s20  }
0x9f: {  	s3 =	ssub.s32 $0x0, s20;
	[sflag:s22] =	ssyncset.done $0x0  }
0xa0: {  	[sflag:s22] =	ssyncadd.s32 s3;
	_ =	sdelay $0x1  }
0xa1: {  	s23 =	simm.s32 $0x1B8B  }
0xa2: {  	_ =	swait.ge [sflag:s23], $0x1  }
0xa3: {  	[sflag:s23] =	ssyncset.done $0x0  }
0xa4: {  	s25 =	simm.s32 $0x1B8E;
	s24 =	sld [smem:$0x3FFE];
	[sflag:s23] =	ssyncadd.s32 $0xFFFFFFFF  }
0xa5: {  	s26 =	simm.s32 $execute0_lowered;
	[smem:$0x3FD2] =	sst s25  }
0xa6: {  	s4 =	sshll.u32 s26, $0x1;
	_ =	strace $0x8000004C;
	[dreg:$0x1] =	wrdreg $0xFFFFFFFF  }
0xa7: {  	s28 =	simm.s32 $_size_execute0_lowered;
	s2 =	sadd.s32 s2, s4;
	[dreg:$0x0] =	wrdreg $0x0  }
0xa8: {  	s4 =	sshll.u32 s28, $0x1;
	[dreg:$0x2] =	wrdreg s2  }
0xa9: {  	[dreg:$0x3] =	wrdreg s4  }
0xaa: {  	[dreg:$0x4] =	wrdreg $0xC0  }
0xab: {  	_ =	task [dreg:s6], $0x5FFFF  }
0xac: {  	[dreg:$0x1] =	wrdreg $0xFFFFFFFF  }
0xad: {  	[dreg:$0x0] =	wrdreg $0x60  }
0xae: {  	[dreg:$0x2] =	wrdreg s24  }
0xaf: {  	[dreg:$0x3] =	wrdreg $0x7A800  }
0xb0: {  	[dreg:$0x4] =	wrdreg $0x9  }
0xb1: {  	_ =	task.clear_ibuf [dreg:s6], $0x5FFFF;
	_ =	strace $0x9000004C  }
0xb2: {  	s29 =	simm.s32 $0x9;
	_ =	strace $0x8000004E  }
0xb3: {  	_ =	swait.ge [sflag:s29], $0x1  }
0xb4: {  	[sflag:s29] =	ssyncadd.s32 $0xFFFFFFFF  }
0xb5: {  	_ =	strace $0x9000004E  }
0xb6: {  	_ =	sfence  }
0xb7: {  	s30 =	sld [smem:$0x0];
	_ =	sdelay $0x2  }
0xb8: {  	s31 =	sshll.u32 s1, $0xD;
	s1 =	sshrl.u32 s1, $0x2  }
0xb9: {  	s3 =	sand.u32 $0x4000, s31;
	s1 =	sadd.s32 s1, s30  }
0xba: {  	s0 =	sor.u32 s3, s0;
	s1 =	sshll.u32 s1, $0x11  }
0xbb: {  	s0 =	sor.u32 s1, s0  }
0xbc: {  	s0 =	sadd.s32 $0x8F2B, s0  }
0xbd: {  	[sflag:s0] =	ssyncadd.remote.s32 $0x1  }
0xbe: {  	_ =	sfence.sel $0xFFFF  }
0xbf: {  	[dreg:$0x0] =	wrdreg $0xFFFFFFFF;
	(pc) =	sbr.abs _section_cstart, $3  }
0xc0: {  	[dreg:$0x1] =	wrdreg $0xFFFFFFFF  }
0xc1: {  	_ =	task.clear_ibuf [dreg:s6], $0x2FFFF;
	_ =	strace $0x9FFFFFFF  }
0xc2: {  	(tm) =	ssettm $0x7FFFFFFF  }
0xc3: {  	_ =	shalt  }
tec
execute0_lowered:
.L_overlay_start_1:
0x0: {  	(tag) =	ssettag $0x1  }
0x1: {  	s0 =	srdreg.scid;
	s5 =	rddreg [dreg:$0x0]  }
0x2: {  	s2 =	rddreg [dreg:$0x1];
	s3 =	simm.s32 $0x0;
	s12 =	simm.s32 $0x1  }
0x3: {  	s13 =	simm.s32 $0x5000;
	s14 =	simm.s32 $0x1400;
	s15 =	simm.s32 $0x2800  }
0x4: {  	s16 =	simm.s32 $0x3C00;
	s4 =	sand.u32 $0x1, s0;
	s0 =	stileid.u32  }
0x5: {  	s19 =	simm.s32 $0x0;
	[smem:$0x7FF] =	sst s3;
	s7 =	smul.u32 $0x280, s0  }
0x6: {  	s1 =	sshll.u32 s4, $0x4;
	s8 =	smul.u32 $0x2800, s4;
	s31 =	ssub.s32 $0x2, s4  }
0x7: {  	s4 =	sadd.s32 $0x14400, s5;
	s17 =	sshll.u32 s0, $0x6;
	s1 =	sor.u32 s0, s1  }
0x8: {  	s10 =	sshrl.u32 s31, $0x1;
	s17 =	sor.u32 $0x1C01, s17;
	s6 =	smul.u32 $0x280, s1  }
0x9: {  	s1 =	rddreg [dreg:$0x2];
	_ =	strace $0x8000004D;
	s30 =	sadd.s32 s7, s8  }
0xa: {  	s10 =	ssub.s32 s31, s10;
	s9 =	sadd.s32 s6, s5;
	s6 =	sshrl.u32 s30, $0x3  }
0xb: {  	s10 =	smax.u32 s10, $0x1;
	s11 =	sadd.s32 s6, s5;
	s5 =	sadd.s32 s7, s2  }
0xc: {  	s6 =	sadd.s32 $0xF400, s9;
	s7 =	sadd.s32 $0x275000, s9;
	s8 =	sadd.s32 $0x19600, s9  }
0xd: {  	v0 =	vimm.f32 $0.0e+00;
	s9 =	sadd.s32 $0x14A00, s11;
	s11 =	simm.s32 $0x7800;
	s18 =	sshrl.u32 s5, $0x3  }
.LBB2_1:
0xe: {  	[tilespmem:$0x7800] =	vst v0  }
0xf: {  	[tilespmem:$0x7810] =	vst v0  }
0x10: {  	[tilespmem:$0x7820] =	vst v0  }
0x11: {  	[tilespmem:$0x7830] =	vst v0  }
0x12: {  	[tilespmem:$0x7840] =	vst v0  }
0x13: {  	[tilespmem:$0x7850] =	vst v0  }
0x14: {  	[tilespmem:$0x7860] =	vst v0  }
0x15: {  	[tilespmem:$0x7870] =	vst v0  }
0x16: {  	[tilespmem:$0x7880] =	vst v0  }
0x17: {  	[tilespmem:$0x7890] =	vst v0  }
0x18: {  	[tilespmem:$0x78A0] =	vst v0  }
0x19: {  	[tilespmem:$0x78B0] =	vst v0  }
0x1a: {  	[tilespmem:$0x78C0] =	vst v0  }
0x1b: {  	[tilespmem:$0x78D0] =	vst v0  }
0x1c: {  	[tilespmem:$0x78E0] =	vst v0  }
0x1d: {  	[tilespmem:$0x78F0] =	vst v0  }
0x1e: {  	[tilespmem:$0x7900] =	vst v0  }
0x1f: {  	[tilespmem:$0x7910] =	vst v0  }
0x20: {  	[tilespmem:$0x7920] =	vst v0  }
0x21: {  	[tilespmem:$0x7930] =	vst v0  }
0x22: {  	[tilespmem:$0x7940] =	vst v0  }
0x23: {  	[tilespmem:$0x7950] =	vst v0  }
0x24: {  	[tilespmem:$0x7960] =	vst v0  }
0x25: {  	[tilespmem:$0x7970] =	vst v0  }
0x26: {  	[tilespmem:$0x7980] =	vst v0  }
0x27: {  	[tilespmem:$0x7990] =	vst v0  }
0x28: {  	[tilespmem:$0x79A0] =	vst v0  }
0x29: {  	[tilespmem:$0x79B0] =	vst v0  }
0x2a: {  	[tilespmem:$0x79C0] =	vst v0  }
0x2b: {  	[tilespmem:$0x79D0] =	vst v0  }
0x2c: {  	[tilespmem:$0x79E0] =	vst v0  }
0x2d: {  	[tilespmem:$0x79F0] =	vst v0  }
0x2e: {  	[tilespmem:$0x7A00] =	vst v0  }
0x2f: {  	[tilespmem:$0x7A10] =	vst v0  }
0x30: {  	[tilespmem:$0x7A20] =	vst v0  }
0x31: {  	[tilespmem:$0x7A30] =	vst v0  }
0x32: {  	[tilespmem:$0x7A40] =	vst v0  }
0x33: {  	[tilespmem:$0x7A50] =	vst v0  }
0x34: {  	[tilespmem:$0x7A60] =	vst v0  }
0x35: {  	[tilespmem:$0x7A70] =	vst v0  }
0x36: {  	[spmem:s5] =	stream.linear.scatter [tilespmem:s11], [sflag:$0x1], $0x280, $0x38;
	[tilespmem:$0x7D00] =	vst v63  }
0x37: {  	_ =	swait.ge [sflag:s12], $0x280  }
0x38: {  	[sflag:s12] =	ssyncset.done $0x0  }
0x39: {  	[sflag:s12] =	ssyncadd.s32 $0xFFFFFD80  }
0x3a: {  	[bflag:$0x0] =	sbarrier.arrive $0xFFFF  }
0x3b: {  	[tilespmem:s13], [sflag:$0x1] =	stream.linear.gather [hbm4b:s4+s3], $0x2800, $0x38;
	[tilespmem:$0x7D00] =	vst v63  }
0x3c: {  	_ =	swait.ge [sflag:s12], $0x2800  }
0x3d: {  	[sflag:s12] =	ssyncset.done $0x0  }
0x3e: {  	[sflag:s12] =	ssyncadd.s32 $0xFFFFD800  }
0x3f: {  	[tilespmem:s3], [sflag:$0x1] =	stream.linear.gather [hbm4b:s6+s3], $0x1400, $0x38;
	[tilespmem:$0x7D00] =	vst v63  }
0x40: {  	_ =	swait.ge [sflag:s12], $0x1400  }
0x41: {  	[sflag:s12] =	ssyncset.done $0x0  }
0x42: {  	[sflag:s12] =	ssyncadd.s32 $0xFFFFEC00  }
0x43: {  	[tilespmem:s14], [sflag:$0x1] =	stream.linear.gather [hbm4b:s7+s3], $0x1400, $0x38;
	[tilespmem:$0x7D00] =	vst v63  }
0x44: {  	_ =	swait.ge [sflag:s12], $0x1400  }
0x45: {  	[sflag:s12] =	ssyncset.done $0x0  }
0x46: {  	[sflag:s12] =	ssyncadd.s32 $0xFFFFEC00  }
0x47: {  	[tilespmem:s15], [sflag:$0x1] =	stream.linear.gather [hbm4b:s8+s3], $0x1400, $0x38;
	[tilespmem:$0x7D00] =	vst v63  }
0x48: {  	_ =	swait.ge [sflag:s12], $0x1400  }
0x49: {  	[sflag:s12] =	ssyncset.done $0x0  }
0x4a: {  	s20 =	simm.s32 $0x0;
	[sflag:s12] =	ssyncadd.s32 $0xFFFFEC00  }
0x4b: {  	v2 =	vld [tilespmem:s20+$0x0];
	_ =	sdelay $0x6  }
0x4c: {  	v1 =	vld [tilespmem:s20+$0x2800]  }
0x4d: {  	s21 =	simm.s32 $0x10;
	s22 =	simm.s32 $0x80;
	v2 =	vld.idx.msk [tilespmem:v2+s13+$0x0], $0xffff  }
.LBB2_2:
0x4e: {  	p0 =	sne.s32 s22, $0x4FC0;
	v3 =	vld [tilespmem:s21+$0x0];
	_ =	sdelay $0x3  }
.Ltmp0:
0x4f: {  	(pc) =	sbr.rel @p0 .LBB2_2-.Ltmp0, $3  }
0x50: {  	v2 =	vmul.f32 v2, v1;
	_ =	sdelay $0x1  }
0x51: {  	v1 =	vld [tilespmem:s21+$0x2800];
	[tilespmem:s20+$0x3C00] =	vst v2;
	s20 =	smov.u32 s21  }
0x52: {  	s21 =	sshra.s32 s22, $0x2;
	s22 =	sadd.s32 $0x40, s22;
	v2 =	vld.idx.msk [tilespmem:v3+s13+$0x0], $0xffff  }
0x53: {  	v3 =	vld [tilespmem:s21+$0x0];
	_ =	sdelay $0x4  }
0x54: {  	v1 =	vmul.f32 v2, v1;
	_ =	sdelay $0x1  }
0x55: {  	v2 =	vld [tilespmem:s21+$0x2800];
	[tilespmem:s20+$0x3C00] =	vst v1  }
0x56: {  	v1 =	vld.idx.msk [tilespmem:v3+s13+$0x0], $0xffff;
	_ =	sdelay $0x4  }
0x57: {  	v1 =	vmul.f32 v1, v2;
	_ =	sdelay $0x1  }
0x58: {  	[tilespmem:s21+$0x3C00] =	vst v1  }
0x59: {  	[spmem:s2] =	stream.indirect.scatter.add.f32 [tilespmem:s16], [sflag:$0x1], $0x1, s14, s14, $0xb8;
	[tilespmem:$0x7D00] =	vst v63  }
0x5a: {  	_ =	swait.ge [sflag:s12], $0x1400  }
0x5b: {  	s19 =	sadd.s32 $0x1, s19;
	[sflag:s12] =	ssyncset.done $0x0  }
0x5c: {  	p0 =	sne.s32 s19, s10;
	[sflag:s12] =	ssyncadd.s32 $0xFFFFEC00  }
.Ltmp1:
0x5d: {  	[bflag:$0x0] =	sbarrier.arrive $0xFFFF;
	(pc) =	sbr.rel @p0 .LBB2_1-.Ltmp1, $4  }
0x5e: {  	[hbm:s9], [sflag:s17] =	dma.local [spmem:s18], $0x50  }
0x5f: {  	_ =	swait.ge [sflag:s12], $0x50  }
0x60: {  	[sflag:s12] =	ssyncset.done $0x0  }
0x61: {  	[sflag:s12] =	ssyncadd.s32 $0xFFFFFFB0  }
0x62: {  	_ =	sfence.sel $0x180000  }
0x63: {  	[bflag:$0x0] =	sbarrier.arrive $0xFFFF  }
0x64: {  	p0 =	sne.s32 s0, $0x0;
	_ =	strace $0x9000004D  }
0x65: {  	s0 =	sadd.s32 @!p0 $0x100000, s1;
	[bflag:$0x2] =	sbarrier.arrive $0xFFFF  }
0x66: {  	[sflag:s0] =	ssyncadd.tile.s32 @!p0 $0x1;
	_ =	shalt  }
.Lfunc_end2:
_tile_overlayer_lowered:
.L_overlay_start_2:
0x67: {  	(tag) =	ssettag $0x2  }
0x68: {  	s0 =	rddreg [dreg:$0x0];
	s2 =	stileid.u32  }
0x69: {  	s1 =	rddreg [dreg:$0x1];
	p0 =	sne.s32 s2, $0x0  }
0x6a: {  	s3 =	rddreg [dreg:$0x2];
	[bflag:$0x3] =	sbarrier.arrive $0xFFFF;
	s2 =	simm.s32 @!p0 $0x1C01  }
0x6b: {  	[timem:s3], [sflag:s2] =	dma.local @!p0 [hbm:s0], s1  }
0x6c: {  	s0 =	simm.s32 @!p0 $0x1  }
0x6d: {  	_ =	swait.ge @!p0 [sflag:s0], s1  }
0x6e: {  	s1 =	ssub.s32 @!p0 $0x0, s1;
	[sflag:s0] =	ssyncset.done @!p0 $0x0  }
0x6f: {  	[sflag:s0] =	ssyncadd.s32 @!p0 s1  }
0x70: {  	[bflag:$0x3] =	sbarrier.arrive $0xFFFF  }
0x71: {  	_ =	shalt  }

// kernel: kernel.9.cloned.1.call-start
scs
__scs_entry_jumppad:
0x0: {  	(pc) =	sbr.rel $0x88, $3  }
0x1: {  	(tag) =	ssettag $0x0;
	lr =	simm.s32 $0x1  }
0x2: {  	[smem:$0x3F8E] =	sst lr;
	_ =	strace $0xD0000000  }
0x3: {  	_ = 	snop  }
0x4: {  	_ = 	snop  }
0x5: {  	_ = 	snop  }
0x6: {  	_ = 	snop  }
0x7: {  	_ = 	snop  }
__scs_overlays_trampoline_lowered:
0x8: {  	[smem:$0x3F9D] =	sst s0  }
0x9: {  	[smem:$0x3F9E] =	sst s1  }
0xa: {  	[smem:$0x3F9F] =	sst s2  }
0xb: {  	[smem:$0x3FA0] =	sst s3  }
0xc: {  	[smem:$0x3FA1] =	sst s4  }
0xd: {  	[smem:$0x3FA2] =	sst s5  }
0xe: {  	[smem:$0x3FA3] =	sst s6  }
0xf: {  	[smem:$0x3FA4] =	sst s7  }
0x10: {  	[smem:$0x3FA5] =	sst s8  }
0x11: {  	[smem:$0x3FA6] =	sst s9;
	s0 =	simm.s32 @!p0 $0x0  }
0x12: {  	s1 =	sld [smem:$0x3F8C];
	s0 =	simm.s32 @p0 $0x1  }
0x13: {  	[smem:$0x3FA7] =	sst s0;
	s0 =	simm.s32 @!p1 $0x0  }
0x14: {  	s2 =	sld [smem:$0x3F8B];
	s0 =	simm.s32 @p1 $0x1  }
0x15: {  	[smem:$0x3FA8] =	sst s0;
	s0 =	simm.s32 @!p2 $0x0  }
0x16: {  	s3 =	sld [smem:$0x3FDB];
	s0 =	simm.s32 @p2 $0x1  }
0x17: {  	s4 =	simm.s32 $0x1BF5;
	[smem:$0x3FAA] =	sst s0  }
0x18: {  	s0 =	sld [smem:$0x3F8D];
	_ =	swait.ge [sflag:s4], $0x0  }
0x19: {  	s7 =	sld [smem:$0x3F8E]  }
0x1a: {  	s8 =	sadd.s32 $0xFFFFE003, lr  }
0x1b: {  	s9 =	sadd.s32 $0xFFFFFEF7, lr;
	s5 =	simm.s32 $0xFFFFFFFF;
	p2 =	slt.u32 s8, $0xFFFFF086  }
0x1c: {  	p1 =	slt.u32 s9, $0xF7A;
	s5 =	simm.s32 @!p2 $0x0  }
0x1d: {  	s5 =	simm.s32 @p1 $0x1;
	p0 =	seq.s32 s7, s2  }
0x1e: {  	s7 =	smul.u32 @!p0 $0xF7A, s2;
	p2 =	seq.s32 @!p0 s5, $0x0  }
0x1f: {  	s9 =	smul.u32 $0xF7A, s1;
	s8 =	simm.s32 @!p0 $0x1BF5;
	p2 =	por !p2, p0  }
0x20: {  	[sflag:s8] =	ssyncset.s32 @!p0 $0xFFFFF086;
	s6 =	sadd.s32 @!p0 s3, s7;
	s7 =	simm.s32 @!p0 $0x108  }
0x21: {  	s3 =	sadd.s32 s3, s9;
	s6 =	sadd.s32 @!p0 $0x88, s6;
	s7 =	simm.s32 @p2 $0x1082  }
0x22: {  	[simem:s7], [sflag:s8] =	dma.local @!p0 [hbm:s6], $0xF7A  }
0x23: {  	s9 =	sor.u32 $0xD0000000, s2;
	s6 =	simm.s32 $0x108;
	_ =	swait.ge @!p0 [sflag:s8], $0x0  }
0x24: {  	s3 =	sadd.s32 $0x88, s3;
	s6 =	simm.s32 @!p1 $0x1082;
	[sflag:s4] =	ssyncset.s32 $0xFFFFF086  }
0x25: {  	[simem:s6], [sflag:s4] =	dma.local [hbm:s3], $0xF7A  }
0x26: {  	[smem:$0x3F8E] =	sst s1;
	(tag) =	ssettag s2;
	_ =	strace s9  }
0x27: {  	s1 =	sld [smem:$0x3F9E]  }
0x28: {  	s2 =	sld [smem:$0x3F9F]  }
0x29: {  	s4 =	sld [smem:$0x3FA1]  }
0x2a: {  	p0 =	seq.s32 s5, $0x0;
	s5 =	sld [smem:$0x3FA2]  }
0x2b: {  	s6 =	sld [smem:$0x3FA3]  }
0x2c: {  	s7 =	sld [smem:$0x3FA4]  }
0x2d: {  	s3 =	simm.s32 $0x108;
	s8 =	sld [smem:$0x3FA5]  }
0x2e: {  	s3 =	simm.s32 @!p0 $0x1082;
	s9 =	sld [smem:$0x3FA6]  }
0x2f: {  	lr =	sadd.s32 s0, s3;
	s0 =	sld [smem:$0x3F9D]  }
0x30: {  	s3 =	sld [smem:$0x3FA0]  }
0x31: {  	[smem:$0x3FA9] =	sst s10  }
0x32: {  	s10 =	sld [smem:$0x3FA7];
	_ =	sdelay $0x3  }
0x33: {  	p0 =	seq.s32 s10, $0x1;
	s10 =	sld [smem:$0x3FA9];
	_ =	sdelay $0x3  }
0x34: {  	[smem:$0x3FA9] =	sst s10  }
0x35: {  	s10 =	sld [smem:$0x3FA8];
	_ =	sdelay $0x3  }
0x36: {  	p1 =	seq.s32 s10, $0x1;
	s10 =	sld [smem:$0x3FA9];
	_ =	sdelay $0x3  }
0x37: {  	[smem:$0x3FA9] =	sst s10  }
0x38: {  	s10 =	sld [smem:$0x3FAA]  }
0x39: {  	_ = 	snop;
	(pc) =	sbr.ind lr, $3  }
0x3a: {  	_ = 	snop  }
0x3b: {  	_ = 	snop  }
0x3c: {  	p2 =	seq.s32 s10, $0x1;
	s10 =	sld [smem:$0x3FA9]  }
0x3d: {  	_ =	shalt  }
0x3e: {  	_ =	shalt  }
0x3f: {  	_ =	shalt  }
0x40: {  	_ =	shalt  }
0x41: {  	_ =	shalt  }
0x42: {  	_ =	shalt  }
0x43: {  	_ =	shalt  }
0x44: {  	_ =	shalt  }
0x45: {  	_ =	shalt  }
0x46: {  	_ =	shalt  }
0x47: {  	_ =	shalt  }
0x48: {  	_ =	shalt  }
0x49: {  	_ =	shalt  }
0x4a: {  	_ =	shalt  }
0x4b: {  	_ =	shalt  }
0x4c: {  	_ =	shalt  }
0x4d: {  	_ =	shalt  }
0x4e: {  	_ =	shalt  }
0x4f: {  	_ =	shalt  }
0x50: {  	_ =	shalt  }
0x51: {  	_ =	shalt  }
0x52: {  	_ =	shalt  }
0x53: {  	_ =	shalt  }
0x54: {  	_ =	shalt  }
0x55: {  	_ =	shalt  }
0x56: {  	_ =	shalt  }
0x57: {  	_ =	shalt  }
0x58: {  	_ =	shalt  }
0x59: {  	_ =	shalt  }
0x5a: {  	_ =	shalt  }
0x5b: {  	_ =	shalt  }
0x5c: {  	_ =	shalt  }
0x5d: {  	_ =	shalt  }
0x5e: {  	_ =	shalt  }
0x5f: {  	_ =	shalt  }
0x60: {  	_ =	shalt  }
0x61: {  	_ =	shalt  }
0x62: {  	_ =	shalt  }
0x63: {  	_ =	shalt  }
0x64: {  	_ =	shalt  }
0x65: {  	_ =	shalt  }
0x66: {  	_ =	shalt  }
0x67: {  	_ =	shalt  }
0x68: {  	_ =	shalt  }
0x69: {  	_ =	shalt  }
0x6a: {  	_ =	shalt  }
0x6b: {  	_ =	shalt  }
0x6c: {  	_ =	shalt  }
0x6d: {  	_ =	shalt  }
0x6e: {  	_ =	shalt  }
0x6f: {  	_ =	shalt  }
0x70: {  	_ =	shalt  }
0x71: {  	_ =	shalt  }
0x72: {  	_ =	shalt  }
0x73: {  	_ =	shalt  }
0x74: {  	_ =	shalt  }
0x75: {  	_ =	shalt  }
0x76: {  	_ =	shalt  }
0x77: {  	_ =	shalt  }
0x78: {  	_ =	shalt  }
0x79: {  	_ =	shalt  }
0x7a: {  	_ =	shalt  }
0x7b: {  	_ =	shalt  }
0x7c: {  	_ =	shalt  }
0x7d: {  	_ =	shalt  }
0x7e: {  	_ =	shalt  }
0x7f: {  	_ =	shalt  }
0x80: {  	_ =	shalt  }
0x81: {  	_ =	shalt  }
0x82: {  	_ =	shalt  }
0x83: {  	_ =	shalt  }
0x84: {  	_ =	shalt  }
0x85: {  	_ =	shalt  }
0x86: {  	_ =	shalt  }
0x87: {  	_ =	shalt  }
.Lfunc_end0:
.L_simem_size_0:
called_computation_lowered:
.L_overlay_start_0:
0x88: {  	s2 =	sld [smem:$0x3FD9]  }
0x89: {  	s3 =	sld [smem:$0x3FFE];
	_ =	sdelay $0x1  }
0x8a: {  	s1 =	srdreg.scid  }
0x8b: {  	s0 =	sand.u32 $0x1, s1  }
0x8c: {  	s16 =	sshll.u32 s0, $0xA;
	s2 =	sadd.s32 s3, s2  }
0x8d: {  	s2 =	sadd.s32 s2, s16  }
0x8e: {  	[smem:$0x3FB5] =	sst s2  }
0x8f: {  	_ = 	snop  }
0x90: {  	(tm) =	ssettm $0x1  }
0x91: {  	s17 =	sld [smem:$0x3FFB];
	_ =	sdelay $0x3  }
0x92: {  	_ =	strace s17  }
0x93: {  	s2 =	sld [smem:$0x3FFC];
	_ =	sdelay $0x3  }
0x94: {  	_ =	strace s2  }
0x95: {  	s2 =	sld [smem:$0x3FFD];
	_ =	sdelay $0x3  }
0x96: {  	_ =	strace s2  }
0x97: {  	_ =	strace $0x8FFFFFFF  }
0x98: {  	s18 =	sld [smem:$0x3FDB];
	_ =	sdelay $0x1  }
0x99: {  	s19 =	simm.s32 $_scs_section_size  }
0x9a: {  	s4 =	simm.s32 $_size__tile_overlayer_lowered;
	s5 =	simm.s32 $_tile_overlayer_lowered  }
0x9b: {  	s22 =	simm.s32 $0x1BFF;
	s21 =	sshll.u32 s5, $0x1;
	s2 =	sadd.s32 s19, s18  }
0x9c: {  	s6 =	simm.s32 $0x0;
	s20 =	sshll.u32 s4, $0x1;
	s4 =	sadd.s32 s21, s2  }
0x9d: {  	[timem:s6], [sflag:s22] =	dma.local [hbm:s4], s20  }
0x9e: {  	_ =	swait.ge [sflag:s22], s20  }
0x9f: {  	s3 =	ssub.s32 $0x0, s20;
	[sflag:s22] =	ssyncset.done $0x0  }
0xa0: {  	[sflag:s22] =	ssyncadd.s32 s3;
	_ =	sdelay $0x1  }
0xa1: {  	s23 =	simm.s32 $0x1B8B  }
0xa2: {  	_ =	swait.ge [sflag:s23], $0x1  }
0xa3: {  	[sflag:s23] =	ssyncset.done $0x0  }
0xa4: {  	s25 =	simm.s32 $0x1B8E;
	s24 =	sld [smem:$0x3FFE];
	[sflag:s23] =	ssyncadd.s32 $0xFFFFFFFF  }
0xa5: {  	s26 =	simm.s32 $execute0_lowered;
	[smem:$0x3FD2] =	sst s25  }
0xa6: {  	s4 =	sshll.u32 s26, $0x1;
	_ =	strace $0x80000046;
	[dreg:$0x1] =	wrdreg $0xFFFFFFFF  }
0xa7: {  	s28 =	simm.s32 $_size_execute0_lowered;
	s2 =	sadd.s32 s2, s4;
	[dreg:$0x0] =	wrdreg $0x0  }
0xa8: {  	s4 =	sshll.u32 s28, $0x1;
	[dreg:$0x2] =	wrdreg s2  }
0xa9: {  	[dreg:$0x3] =	wrdreg s4  }
0xaa: {  	[dreg:$0x4] =	wrdreg $0xC0  }
0xab: {  	_ =	task [dreg:s6], $0x5FFFF  }
0xac: {  	[dreg:$0x1] =	wrdreg $0xFFFFFFFF  }
0xad: {  	[dreg:$0x0] =	wrdreg $0x60  }
0xae: {  	[dreg:$0x2] =	wrdreg s24  }
0xaf: {  	[dreg:$0x3] =	wrdreg $0x3E800  }
0xb0: {  	[dreg:$0x4] =	wrdreg $0x41000  }
0xb1: {  	[dreg:$0x5] =	wrdreg $0x9  }
0xb2: {  	_ =	task.clear_ibuf [dreg:s6], $0x6FFFF;
	_ =	strace $0x90000046  }
0xb3: {  	s29 =	simm.s32 $0x9;
	_ =	strace $0x80000048  }
0xb4: {  	_ =	swait.ge [sflag:s29], $0x1  }
0xb5: {  	[sflag:s29] =	ssyncadd.s32 $0xFFFFFFFF  }
0xb6: {  	_ =	strace $0x90000048  }
0xb7: {  	_ =	sfence  }
0xb8: {  	s30 =	sld [smem:$0x0];
	_ =	sdelay $0x2  }
0xb9: {  	s31 =	sshll.u32 s1, $0xD;
	s1 =	sshrl.u32 s1, $0x2  }
0xba: {  	s3 =	sand.u32 $0x4000, s31;
	s1 =	sadd.s32 s1, s30  }
0xbb: {  	s0 =	sor.u32 s3, s0;
	s1 =	sshll.u32 s1, $0x11  }
0xbc: {  	s0 =	sor.u32 s1, s0  }
0xbd: {  	s0 =	sadd.s32 $0x8F2B, s0  }
0xbe: {  	[sflag:s0] =	ssyncadd.remote.s32 $0x1  }
0xbf: {  	_ =	sfence.sel $0xFFFF  }
0xc0: {  	[dreg:$0x0] =	wrdreg $0xFFFFFFFF;
	(pc) =	sbr.abs _section_cstart, $3  }
0xc1: {  	[dreg:$0x1] =	wrdreg $0xFFFFFFFF  }
0xc2: {  	_ =	task.clear_ibuf [dreg:s6], $0x2FFFF;
	_ =	strace $0x9FFFFFFF  }
0xc3: {  	(tm) =	ssettm $0x7FFFFFFF  }
tec
execute0_lowered:
.L_overlay_start_1:
0x0: {  	(tag) =	ssettag $0x1  }
0x1: {  	s3 =	srdreg.scid  }
0x2: {  	s14 =	rddreg [dreg:$0x0];
	s15 =	sand.u32 $0x1, s3  }
0x3: {  	s1 =	rddreg [dreg:$0x1];
	s4 =	simm.f32 $1.000000000e+00;
	p0 =	seq.s32 s15, $0x0  }
0x4: {  	s2 =	rddreg [dreg:$0x2];
	s3 =	simm.s32 $0x0;
	s4 =	simm.s32 @!p0 $0x0  }
0x5: {  	[smem:$0x7FF] =	sst s3;
	v0 =	vmov s4  }
0x6: {  	s0 =	rddreg [dreg:$0x3];
	_ =	strace $0x80000047;
	[tilespmem:$0x3C20] =	vst v0  }
0x7: {  	[tilespmem:$0x3C30] =	vst v0  }
0x8: {  	[tilespmem:$0x3C40] =	vst v0  }
0x9: {  	[tilespmem:$0x3C50] =	vst v0  }
0xa: {  	[tilespmem:$0x3C60] =	vst v0  }
0xb: {  	[tilespmem:$0x3C70] =	vst v0  }
0xc: {  	[tilespmem:$0x3C80] =	vst v0  }
0xd: {  	[tilespmem:$0x3C90] =	vst v0  }
0xe: {  	[tilespmem:$0x3CA0] =	vst v0  }
0xf: {  	[tilespmem:$0x3CB0] =	vst v0  }
0x10: {  	[tilespmem:$0x3CC0] =	vst v0  }
0x11: {  	[tilespmem:$0x3CD0] =	vst v0  }
0x12: {  	[tilespmem:$0x3CE0] =	vst v0  }
0x13: {  	[tilespmem:$0x3CF0] =	vst v0  }
0x14: {  	[tilespmem:$0x3D00] =	vst v0  }
0x15: {  	[tilespmem:$0x3C00] =	vst v0  }
0x16: {  	[tilespmem:$0x3E70] =	vst v0  }
0x17: {  	[tilespmem:$0x3E60] =	vst v0  }
0x18: {  	[tilespmem:$0x3E50] =	vst v0  }
0x19: {  	[tilespmem:$0x3E40] =	vst v0  }
0x1a: {  	[tilespmem:$0x3E30] =	vst v0  }
0x1b: {  	[tilespmem:$0x3E20] =	vst v0  }
0x1c: {  	[tilespmem:$0x3E10] =	vst v0  }
0x1d: {  	[tilespmem:$0x3E00] =	vst v0  }
0x1e: {  	[tilespmem:$0x3DF0] =	vst v0  }
0x1f: {  	[tilespmem:$0x3DE0] =	vst v0  }
0x20: {  	[tilespmem:$0x3DD0] =	vst v0  }
0x21: {  	[tilespmem:$0x3DC0] =	vst v0  }
0x22: {  	[tilespmem:$0x3DB0] =	vst v0  }
0x23: {  	[tilespmem:$0x3DA0] =	vst v0  }
0x24: {  	[tilespmem:$0x3D90] =	vst v0  }
0x25: {  	[tilespmem:$0x3D80] =	vst v0  }
0x26: {  	[tilespmem:$0x3D70] =	vst v0  }
0x27: {  	[tilespmem:$0x3D60] =	vst v0  }
0x28: {  	[tilespmem:$0x3D50] =	vst v0  }
0x29: {  	[tilespmem:$0x3D40] =	vst v0  }
0x2a: {  	s4 =	stileid.u32;
	[tilespmem:$0x3D30] =	vst v0  }
0x2b: {  	s16 =	smul.u32 $0x280, s4;
	[tilespmem:$0x3D20] =	vst v0  }
0x2c: {  	[tilespmem:$0x3D10] =	vst v0  }
0x2d: {  	s7 =	simm.s32 $0x3C00;
	s6 =	simm.s32 $0x1;
	[tilespmem:$0x3C10] =	vst v0;
	s5 =	sadd.s32 s16, s1  }
0x2e: {  	[spmem:s5] =	stream.linear.scatter [tilespmem:s7], [sflag:$0x1], $0x280, $0x38;
	[tilespmem:$0x4380] =	vst v63  }
0x2f: {  	_ =	swait.ge [sflag:s6], $0x280  }
0x30: {  	s8 =	sshll.u32 s15, $0x4;
	[sflag:s6] =	ssyncset.done $0x0  }
0x31: {  	s9 =	sor.u32 s4, s8;
	s8 =	sadd.s32 s16, s2;
	[sflag:s6] =	ssyncadd.s32 $0xFFFFFD80  }
0x32: {  	[spmem:s8] =	stream.linear.scatter [tilespmem:s7], [sflag:$0x1], $0x280, $0x38;
	[tilespmem:$0x4380] =	vst v63  }
0x33: {  	s9 =	smul.u32 $0x280, s9;
	_ =	swait.ge [sflag:s6], $0x280  }
0x34: {  	[sflag:s6] =	ssyncset.done $0x0  }
0x35: {  	s12 =	sadd.s32 s9, s14;
	[sflag:s6] =	ssyncadd.s32 $0xFFFFFD80  }
0x36: {  	s9 =	sadd.s32 $0x275000, s12;
	[bflag:$0x0] =	sbarrier.arrive $0xFFFF  }
0x37: {  	[tilespmem:s3], [sflag:$0x1] =	stream.linear.gather [hbm4b:s9+s3], $0x1400, $0x38;
	[tilespmem:$0x4380] =	vst v63  }
0x38: {  	_ =	swait.ge [sflag:s6], $0x1400  }
0x39: {  	[sflag:s6] =	ssyncset.done $0x0  }
0x3a: {  	s11 =	simm.s32 $0x1400;
	s10 =	sadd.s32 $0x4000, s12;
	[sflag:s6] =	ssyncadd.s32 $0xFFFFEC00  }
0x3b: {  	[tilespmem:s11], [sflag:$0x1] =	stream.linear.gather [hbm4b:s10+s3], $0x1400, $0x38;
	[tilespmem:$0x4380] =	vst v63  }
0x3c: {  	_ =	swait.ge [sflag:s6], $0x1400  }
0x3d: {  	[sflag:s6] =	ssyncset.done $0x0  }
0x3e: {  	[sflag:s6] =	ssyncadd.s32 $0xFFFFEC00  }
0x3f: {  	[spmem:s1] =	stream.indirect.scatter.add.f32 [tilespmem:s11], [sflag:$0x1], $0x1, s3, s11, $0xb8;
	[tilespmem:$0x4380] =	vst v63  }
0x40: {  	_ =	swait.ge [sflag:s6], $0x1400  }
0x41: {  	[sflag:s6] =	ssyncset.done $0x0  }
0x42: {  	s13 =	simm.s32 $0x2800;
	s12 =	sadd.s32 $0x9000, s12;
	[sflag:s6] =	ssyncadd.s32 $0xFFFFEC00  }
0x43: {  	[tilespmem:s13], [sflag:$0x1] =	stream.linear.gather [hbm4b:s12+s3], $0x1400, $0x38;
	[tilespmem:$0x4380] =	vst v63  }
0x44: {  	s18 =	ssub.s32 $0x2, s15;
	_ =	swait.ge [sflag:s6], $0x1400  }
0x45: {  	s19 =	sshrl.u32 s18, $0x1;
	[sflag:s6] =	ssyncset.done $0x0  }
0x46: {  	s17 =	smul.u32 $0x2800, s15;
	s18 =	ssub.s32 s18, s19;
	[sflag:s6] =	ssyncadd.s32 $0xFFFFEC00  }
0x47: {  	[spmem:s2] =	stream.indirect.scatter.add.f32 [tilespmem:s13], [sflag:$0x1], $0x1, s3, s11, $0xb8;
	[tilespmem:$0x4380] =	vst v63  }
0x48: {  	s31 =	sshll.u32 s4, $0x6;
	s16 =	sadd.s32 s16, s17;
	_ =	swait.ge [sflag:s6], $0x1400  }
0x49: {  	s19 =	smax.u32 s18, $0x1;
	s16 =	sshrl.u32 s16, $0x3;
	[sflag:s6] =	ssyncset.done $0x0  }
0x4a: {  	s15 =	sor.u32 $0x1C01, s31;
	s30 =	sadd.s32 s16, s14;
	[sflag:s6] =	ssyncadd.s32 $0xFFFFEC00  }
0x4b: {  	s16 =	sshrl.u32 s5, $0x3;
	s14 =	sadd.s32 $0xE000, s30;
	[bflag:$0x0] =	sbarrier.arrive $0xFFFF  }
0x4c: {  	[hbm:s14], [sflag:s15] =	dma.local [spmem:s16], $0x50  }
0x4d: {  	p0 =	sne.s32 s19, $0x1;
	_ =	swait.ge [sflag:s6], $0x50  }
.Ltmp0:
0x4e: {  	[sflag:s6] =	ssyncset.done $0x0;
	(pc) =	sbr.rel @!p0 .LBB2_2-.Ltmp0, $4  }
0x4f: {  	s18 =	sshrl.u32 s8, $0x3;
	s17 =	sadd.s32 $0xEA00, s30;
	[sflag:s6] =	ssyncadd.s32 $0xFFFFFFB0  }
0x50: {  	[hbm:s17], [sflag:s15] =	dma.local [spmem:s18], $0x50  }
0x51: {  	_ =	swait.ge [sflag:s6], $0x50  }
0x52: {  	s19 =	sadd.s32 $0xFFFFFFFF, s19;
	[sflag:s6] =	ssyncset.done $0x0  }
.LBB2_1:
0x53: {  	p0 =	sne.s32 s19, $0x1;
	s19 =	sadd.s32 $0xFFFFFFFF, s19;
	[sflag:s6] =	ssyncadd.s32 $0xFFFFFFB0  }
0x54: {  	[tilespmem:$0x3C20] =	vst v0  }
0x55: {  	[tilespmem:$0x3C30] =	vst v0  }
0x56: {  	[tilespmem:$0x3C40] =	vst v0  }
0x57: {  	[tilespmem:$0x3C50] =	vst v0  }
0x58: {  	[tilespmem:$0x3C60] =	vst v0  }
0x59: {  	[tilespmem:$0x3C70] =	vst v0  }
0x5a: {  	[tilespmem:$0x3C80] =	vst v0  }
0x5b: {  	[tilespmem:$0x3C90] =	vst v0  }
0x5c: {  	[tilespmem:$0x3CA0] =	vst v0  }
0x5d: {  	[tilespmem:$0x3CB0] =	vst v0  }
0x5e: {  	[tilespmem:$0x3CC0] =	vst v0  }
0x5f: {  	[tilespmem:$0x3CD0] =	vst v0  }
0x60: {  	[tilespmem:$0x3CE0] =	vst v0  }
0x61: {  	[tilespmem:$0x3CF0] =	vst v0  }
0x62: {  	[tilespmem:$0x3D00] =	vst v0  }
0x63: {  	[tilespmem:$0x3C00] =	vst v0  }
0x64: {  	[tilespmem:$0x3E70] =	vst v0  }
0x65: {  	[tilespmem:$0x3E60] =	vst v0  }
0x66: {  	[tilespmem:$0x3E50] =	vst v0  }
0x67: {  	[tilespmem:$0x3E40] =	vst v0  }
0x68: {  	[tilespmem:$0x3E30] =	vst v0  }
0x69: {  	[tilespmem:$0x3E20] =	vst v0  }
0x6a: {  	[tilespmem:$0x3E10] =	vst v0  }
0x6b: {  	[tilespmem:$0x3E00] =	vst v0  }
0x6c: {  	[tilespmem:$0x3DF0] =	vst v0  }
0x6d: {  	[tilespmem:$0x3DE0] =	vst v0  }
0x6e: {  	[tilespmem:$0x3DD0] =	vst v0  }
0x6f: {  	[tilespmem:$0x3DC0] =	vst v0  }
0x70: {  	[tilespmem:$0x3DB0] =	vst v0  }
0x71: {  	[tilespmem:$0x3DA0] =	vst v0  }
0x72: {  	[tilespmem:$0x3D90] =	vst v0  }
0x73: {  	[tilespmem:$0x3D80] =	vst v0  }
0x74: {  	[tilespmem:$0x3D70] =	vst v0  }
0x75: {  	[tilespmem:$0x3D60] =	vst v0  }
0x76: {  	[tilespmem:$0x3D50] =	vst v0  }
0x77: {  	[tilespmem:$0x3D40] =	vst v0  }
0x78: {  	[tilespmem:$0x3D30] =	vst v0  }
0x79: {  	[tilespmem:$0x3D20] =	vst v0  }
0x7a: {  	[tilespmem:$0x3D10] =	vst v0  }
0x7b: {  	[tilespmem:$0x3C10] =	vst v0  }
0x7c: {  	[spmem:s5] =	stream.linear.scatter [tilespmem:s7], [sflag:$0x1], $0x280, $0x38;
	[tilespmem:$0x4380] =	vst v63  }
0x7d: {  	_ =	swait.ge [sflag:s6], $0x280  }
0x7e: {  	[sflag:s6] =	ssyncset.done $0x0  }
0x7f: {  	[sflag:s6] =	ssyncadd.s32 $0xFFFFFD80  }
0x80: {  	[spmem:s8] =	stream.linear.scatter [tilespmem:s7], [sflag:$0x1], $0x280, $0x38;
	[tilespmem:$0x4380] =	vst v63  }
0x81: {  	_ =	swait.ge [sflag:s6], $0x280  }
0x82: {  	[sflag:s6] =	ssyncset.done $0x0  }
0x83: {  	[sflag:s6] =	ssyncadd.s32 $0xFFFFFD80  }
0x84: {  	[bflag:$0x0] =	sbarrier.arrive $0xFFFF  }
0x85: {  	[tilespmem:s3], [sflag:$0x1] =	stream.linear.gather [hbm4b:s9+s3], $0x1400, $0x38;
	[tilespmem:$0x4380] =	vst v63  }
0x86: {  	_ =	swait.ge [sflag:s6], $0x1400  }
0x87: {  	[sflag:s6] =	ssyncset.done $0x0  }
0x88: {  	[sflag:s6] =	ssyncadd.s32 $0xFFFFEC00  }
0x89: {  	[tilespmem:s11], [sflag:$0x1] =	stream.linear.gather [hbm4b:s10+s3], $0x1400, $0x38;
	[tilespmem:$0x4380] =	vst v63  }
0x8a: {  	_ =	swait.ge [sflag:s6], $0x1400  }
0x8b: {  	[sflag:s6] =	ssyncset.done $0x0  }
0x8c: {  	[sflag:s6] =	ssyncadd.s32 $0xFFFFEC00  }
0x8d: {  	[spmem:s1] =	stream.indirect.scatter.add.f32 [tilespmem:s11], [sflag:$0x1], $0x1, s3, s11, $0xb8;
	[tilespmem:$0x4380] =	vst v63  }
0x8e: {  	_ =	swait.ge [sflag:s6], $0x1400  }
0x8f: {  	[sflag:s6] =	ssyncset.done $0x0  }
0x90: {  	[sflag:s6] =	ssyncadd.s32 $0xFFFFEC00  }
0x91: {  	[tilespmem:s13], [sflag:$0x1] =	stream.linear.gather [hbm4b:s12+s3], $0x1400, $0x38;
	[tilespmem:$0x4380] =	vst v63  }
0x92: {  	_ =	swait.ge [sflag:s6], $0x1400  }
0x93: {  	[sflag:s6] =	ssyncset.done $0x0  }
0x94: {  	[sflag:s6] =	ssyncadd.s32 $0xFFFFEC00  }
0x95: {  	[spmem:s2] =	stream.indirect.scatter.add.f32 [tilespmem:s13], [sflag:$0x1], $0x1, s3, s11, $0xb8;
	[tilespmem:$0x4380] =	vst v63  }
0x96: {  	_ =	swait.ge [sflag:s6], $0x1400  }
0x97: {  	[sflag:s6] =	ssyncset.done $0x0  }
0x98: {  	[sflag:s6] =	ssyncadd.s32 $0xFFFFEC00  }
0x99: {  	[bflag:$0x0] =	sbarrier.arrive $0xFFFF  }
0x9a: {  	[hbm:s14], [sflag:s15] =	dma.local [spmem:s16], $0x50  }
0x9b: {  	_ =	swait.ge [sflag:s6], $0x50  }
.Ltmp1:
0x9c: {  	[sflag:s6] =	ssyncset.done $0x0;
	(pc) =	sbr.rel @p0 .LBB2_1-.Ltmp1, $4  }
0x9d: {  	[sflag:s6] =	ssyncadd.s32 $0xFFFFFFB0  }
0x9e: {  	[hbm:s17], [sflag:s15] =	dma.local [spmem:s18], $0x50  }
0x9f: {  	_ =	swait.ge [sflag:s6], $0x50  }
0xa0: {  	[sflag:s6] =	ssyncset.done $0x0  }
.LBB2_2:
0xa1: {  	[sflag:s6] =	ssyncadd.s32 $0xFFFFFFB0  }
0xa2: {  	_ =	sfence.sel $0x180000  }
0xa3: {  	[bflag:$0x0] =	sbarrier.arrive $0xFFFF  }
0xa4: {  	p0 =	sne.s32 s4, $0x0;
	_ =	strace $0x90000047  }
0xa5: {  	s0 =	sadd.s32 @!p0 $0x100000, s0;
	[bflag:$0x2] =	sbarrier.arrive $0xFFFF  }
0xa6: {  	[sflag:s0] =	ssyncadd.tile.s32 @!p0 $0x1;
	_ =	shalt  }
.Lfunc_end2:
_tile_overlayer_lowered:
.L_overlay_start_2:
0xa7: {  	(tag) =	ssettag $0x2  }
0xa8: {  	s0 =	rddreg [dreg:$0x0];
	s2 =	stileid.u32  }
0xa9: {  	s1 =	rddreg [dreg:$0x1];
	p0 =	sne.s32 s2, $0x0  }
0xaa: {  	s3 =	rddreg [dreg:$0x2];
	[bflag:$0x3] =	sbarrier.arrive $0xFFFF;
	s2 =	simm.s32 @!p0 $0x1C01  }
0xab: {  	[timem:s3], [sflag:s2] =	dma.local @!p0 [hbm:s0], s1  }
0xac: {  	s0 =	simm.s32 @!p0 $0x1  }
0xad: {  	_ =	swait.ge @!p0 [sflag:s0], s1  }
0xae: {  	s1 =	ssub.s32 @!p0 $0x0, s1;
	[sflag:s0] =	ssyncset.done @!p0 $0x0  }
0xaf: {  	[sflag:s0] =	ssyncadd.s32 @!p0 s1  }
0xb0: {  	[bflag:$0x3] =	sbarrier.arrive $0xFFFF  }
0xb1: {  	_ =	shalt  }

</sc_bundles>
